<compile_context>
chip_gen: v7x
topology: tpu7x:2x2x1
jax: 0.10.2.dev20260603
libtpu: 0.0.44.dev20260713+nightly
codegen_flags: <defaults>
</compile_context>

<pallas_src>
import functools

import jax
import jax.numpy as jnp
from jax import lax
from jax.experimental import pallas as pl
from jax.experimental.pallas import tpu as pltpu
from jax.experimental.pallas import tpu_sc as plsc

NC = 2
NS = 16
NW = NC * NS

LANES = 16
NBUF = 8
GLAG = 6


def _make_gather(n_tok: int, n_seq: int, D: int):
    assert n_tok % 128 == 0 and D % 8 == 0
    n_blocks = n_seq * (n_tok // 128)
    assert n_blocks % NW == 0
    nblk = n_blocks // NW
    out_rows = n_blocks * D
    n_iter = -(-(nblk + GLAG) // NBUF) * NBUF
    mesh = plsc.VectorSubcoreMesh(core_axis_name="c", subcore_axis_name="s")

    @functools.partial(
        pl.kernel,
        out_type=jax.ShapeDtypeStruct((out_rows, 128), jnp.float32),
        mesh=mesh,
        scratch_types=[
            pltpu.VMEM((nblk * 128,), jnp.int32),
            [pltpu.VMEM((128, D), jnp.float32) for _ in range(NBUF)],
            [pltpu.VMEM((D, 128), jnp.float32) for _ in range(2)],
            [pltpu.SemaphoreType.DMA for _ in range(NBUF)],
            [pltpu.SemaphoreType.DMA for _ in range(2)],
        ],
        compiler_params=pltpu.CompilerParams(
            use_tc_tiling_on_sc=False, needs_layout_passes=False,
            disable_bounds_checks=True),
    )
    def gather_kernel(xt_hbm, w_hbm, out_hbm,
                      idx_all, rows, outb, gsem, wsem):
        wid = lax.axis_index("s") * NC + lax.axis_index("c")
        blk0 = wid * nblk

        def fire_gather(g, b):
            pltpu.async_copy(
                w_hbm.at[idx_all.at[pl.ds(pl.multiple_of(g * 128, 128), 128)]],
                rows[b], gsem[b])

        def wait_gather(b):
            pltpu.make_async_copy(
                w_hbm.at[pl.ds(0, 128)], rows[b], gsem[b]).wait()

        def transpose(rb, ob):
            @plsc.parallel_loop(0, 128, unroll=8)
            def _t(t):
                for h in range(D // LANES):
                    v = rows[rb][t, pl.ds(h * LANES, LANES)]
                    plsc.store_scatter(
                        outb[ob],
                        [lax.iota(jnp.int32, LANES) + (h * LANES),
                         jnp.full((LANES,), t, jnp.int32)],
                        v,
                    )

        def fire_writes(k, ob):
            B = blk0 + k
            base = pl.multiple_of(((B >> 7) << 12) + ((B & 127) << 3), 8)
            for tr in range(D // 8):
                pltpu.async_copy(
                    outb[ob].at[pl.ds(tr * 8, 8)],
                    out_hbm.at[pl.ds(base + tr * 1024, 8)],
                    wsem[ob],
                )

        def wait_writes(ob):
            pltpu.make_async_copy(
                outb[ob], out_hbm.at[pl.ds(0, D)], wsem[ob]).wait()

        pltpu.sync_copy(xt_hbm.at[pl.ds(blk0 * 128, nblk * 128)], idx_all)

        @pl.loop(0, n_iter, step=NBUF)
        def _step(g0):
            for b in range(NBUF):
                g = g0 + b

                @pl.when(g < nblk)
                def _():
                    fire_gather(g, b)

                k = g - GLAG
                kb = (b + NBUF - GLAG) % NBUF

                @pl.when((k >= 0) & (k < nblk))
                def _():
                    wait_gather(kb)

                    @pl.when(k >= 2)
                    def _():
                        wait_writes((b + NBUF - GLAG) % 2)

                    transpose(kb, (b + NBUF - GLAG) % 2)
                    fire_writes(k, (b + NBUF - GLAG) % 2)

        wait_writes(0)
        wait_writes(1)

    return gather_kernel


def kernel(x, weight):
    n_tok, n_seq = x.shape
    D = weight.shape[1]
    xt = x.T.reshape(-1).astype(jnp.int32)
    out_k = _make_gather(n_tok, n_seq, D)(xt, weight)
    out = (
        out_k.reshape(n_seq, D // 8, n_tok // 128, 8, 128)
        .transpose(2, 4, 0, 1, 3)
        .reshape(n_tok, n_seq, D)
    )
    return out

# --- scband reference (transcript-rebuilt; emitter-appended) ---
"""Pipeline reference for scband-embed-26723286516137 (READ-ONLY COPY).

The authoritative reference and input builder live on the scoring server;
editing this copy changes nothing except your own understanding.
"""

import jax, jax.numpy as jnp
import numpy as np

N_VOCAB = 1000000
D_EMBED = 32

def setup_inputs(seed: int = 0) -> dict:
    key = jax.random.key(seed)
    k1, k2 = jax.random.split(key)
    x = jax.random.randint(k1, (16384, 50), 0, N_VOCAB, dtype=jnp.int64 if jax.config.jax_enable_x64 else jnp.int32)
    weight = jax.random.normal(k2, (N_VOCAB, D_EMBED), dtype=jnp.float32) / np.sqrt(D_EMBED)
    return {"x": x, "weight": weight}

def reference(x, weight):
    # Faithful translation of: self.weight[x, :]
    return jnp.take(weight, x, axis=0)

if __name__ == "__main__":
    import jax
    _d = setup_inputs()
    print(jax.jit(kernel)(*tuple(_d.values())))

</pallas_src>

<mosaic_0001>
#map = affine_map<(d0, d1) -> (0)>
#map1 = affine_map<(d0, d1) -> (0, 0)>
module attributes {stable_mosaic.version = 14 : i64} {
  func.func @gather_kernel(%arg0: i32, %arg1: i32, %arg2: memref<819200xi32, #tpu.memory_space<hbm>>, %arg3: memref<1000000x32xf32, #tpu.memory_space<hbm>>, %arg4: memref<204800x128xf32, #tpu.memory_space<hbm>>, %arg5: memref<25600xi32, #tpu.memory_space<vmem>>, %arg6: memref<128x32xf32, #tpu.memory_space<vmem>>, %arg7: memref<128x32xf32, #tpu.memory_space<vmem>>, %arg8: memref<128x32xf32, #tpu.memory_space<vmem>>, %arg9: memref<128x32xf32, #tpu.memory_space<vmem>>, %arg10: memref<128x32xf32, #tpu.memory_space<vmem>>, %arg11: memref<128x32xf32, #tpu.memory_space<vmem>>, %arg12: memref<128x32xf32, #tpu.memory_space<vmem>>, %arg13: memref<128x32xf32, #tpu.memory_space<vmem>>, %arg14: memref<32x128xf32, #tpu.memory_space<vmem>>, %arg15: memref<32x128xf32, #tpu.memory_space<vmem>>, %arg16: memref<!tpu.dma_semaphore, #tpu.memory_space<semaphore_mem>>, %arg17: memref<!tpu.dma_semaphore, #tpu.memory_space<semaphore_mem>>, %arg18: memref<!tpu.dma_semaphore, #tpu.memory_space<semaphore_mem>>, %arg19: memref<!tpu.dma_semaphore, #tpu.memory_space<semaphore_mem>>, %arg20: memref<!tpu.dma_semaphore, #tpu.memory_space<semaphore_mem>>, %arg21: memref<!tpu.dma_semaphore, #tpu.memory_space<semaphore_mem>>, %arg22: memref<!tpu.dma_semaphore, #tpu.memory_space<semaphore_mem>>, %arg23: memref<!tpu.dma_semaphore, #tpu.memory_space<semaphore_mem>>, %arg24: memref<!tpu.dma_semaphore, #tpu.memory_space<semaphore_mem>>, %arg25: memref<!tpu.dma_semaphore, #tpu.memory_space<semaphore_mem>>) attributes {dimension_semantics = [#tpu.dimension_semantics<core_parallel>, #tpu.dimension_semantics<subcore_parallel>], iteration_bounds = array<i64: 2, 16>, scalar_prefetch = 0 : i64, scratch_operands = 21 : i64, tpu.core_type = #tpu.core_type<sc_vector_subcore>, window_params = [{transform_indices = #map}, {transform_indices = #map1}, {transform_indices = #map1}]} {
    %mul3A = arith.constant 2 : i32
    %mul3A_0 = arith.muli %arg1, %mul3A : i32
    %add3A = arith.addi %mul3A_0, %arg0 : i32
    %mul3A_1 = arith.constant 200 : i32
    %mul3A_2 = arith.muli %add3A, %mul3A_1 : i32
    %mul3A_3 = arith.constant 128 : i32
    %mul3A_4 = arith.muli %mul3A_2, %mul3A_3 : i32
    "tpu.region"() ({
      %run_scoped3A = tpu.sem_alloc : memref<!tpu.dma_semaphore, #tpu.memory_space<semaphore_mem>>
      %dma_start3A = tpu.memref_slice %arg2[%mul3A_4] : memref<819200xi32, #tpu.memory_space<hbm>> -> memref<25600xi32, #tpu.memory_space<hbm>>
      %dma_start3A_20 = tpu.memref_slice %arg2[%mul3A_4] : memref<819200xi32, #tpu.memory_space<hbm>> -> memref<25600xi32, #tpu.memory_space<hbm>>
      tpu.enqueue_dma source(%dma_start3A_20 : memref<25600xi32, #tpu.memory_space<hbm>>) target(%arg5 : memref<25600xi32, #tpu.memory_space<vmem>>) target_semaphore(%run_scoped3A : memref<!tpu.dma_semaphore, #tpu.memory_space<semaphore_mem>>)
      %dma_wait3A_21 = tpu.memref_slice %arg2[%mul3A_4] : memref<819200xi32, #tpu.memory_space<hbm>> -> memref<25600xi32, #tpu.memory_space<hbm>>
      %dma_wait3A_22 = tpu.memref_slice %arg2[%mul3A_4] : memref<819200xi32, #tpu.memory_space<hbm>> -> memref<25600xi32, #tpu.memory_space<hbm>>
      tpu.wait_dma2 semaphore(%run_scoped3A : memref<!tpu.dma_semaphore, #tpu.memory_space<semaphore_mem>>) src(%dma_wait3A_22 : memref<25600xi32, #tpu.memory_space<hbm>>) dst(%arg5 : memref<25600xi32, #tpu.memory_space<vmem>>)
      tpu.yield
    }) : () -> ()
    %scan3A = arith.constant 0 : i32
    %scan3A_5 = arith.constant 26 : i32
    %scan3A_6 = arith.addi %scan3A, %scan3A_5 : i32
    %scan3A_7 = arith.constant 1 : i32
    scf.for %scan3A_20 = %scan3A to %scan3A_6 step %scan3A_7  : i32 {
      %mul3A_21 = arith.constant 8 : i32
      %mul3A_22 = arith.muli %scan3A_20, %mul3A_21 : i32
      %add3A_23 = arith.constant 0 : i32
      %add3A_24 = arith.addi %add3A_23, %mul3A_22 : i32
      %add3A_25 = arith.constant 0 : i32
      %add3A_26 = arith.addi %add3A_24, %add3A_25 : i32
      %lt3A = arith.constant 200 : i32
      %lt3A_27 = arith.cmpi slt, %add3A_26, %lt3A : i32
      %convert_element_type3A = arith.extui %lt3A_27 : i1 to i32
      %cond3A = arith.constant 0 : i32
      %cond3A_28 = arith.cmpi ne, %convert_element_type3A, %cond3A : i32
      scf.if %cond3A_28 {
        %mul3A_155 = arith.constant 128 : i32
        %mul3A_156 = arith.muli %add3A_26, %mul3A_155 : i32
        %multiple_of3A = tpu.assume_multiple %mul3A_156, 128 : i32
        %dma_start3A = tpu.memref_slice %arg5[%multiple_of3A] : memref<25600xi32, #tpu.memory_space<vmem>> -> memref<128xi32, #tpu.memory_space<vmem>>
        %dma_start3A_157 = arith.constant 0 : i32
        %dma_start3A_158 = arith.constant 0 : i32
        %dma_start3A_159 = tpu.memref_slice %arg3[%dma_start3A_157, %dma_start3A_158] : memref<1000000x32xf32, #tpu.memory_space<hbm>> -> memref<1000000x32xf32, #tpu.memory_space<hbm>>
        tpu.enqueue_indirect_dma source(%dma_start3A_159 : memref<1000000x32xf32, #tpu.memory_space<hbm>>) target(%arg6 : memref<128x32xf32, #tpu.memory_space<vmem>>) offsets(%dma_start3A : memref<128xi32, #tpu.memory_space<vmem>>) semaphore(%arg16 : memref<!tpu.dma_semaphore, #tpu.memory_space<semaphore_mem>>)
      } else {
      }
      %sub3A = arith.constant 6 : i32
      %sub3A_29 = arith.subi %add3A_26, %sub3A : i32
      %ge3A = arith.constant 0 : i32
      %ge3A_30 = arith.cmpi sge, %sub3A_29, %ge3A : i32
      %lt3A_31 = arith.constant 200 : i32
      %lt3A_32 = arith.cmpi slt, %sub3A_29, %lt3A_31 : i32
      %and3A = arith.andi %ge3A_30, %lt3A_32 : i1
      %convert_element_type3A_33 = arith.extui %and3A : i1 to i32
      %cond3A_34 = arith.constant 0 : i32
      %cond3A_35 = arith.cmpi ne, %convert_element_type3A_33, %cond3A_34 : i32
      scf.if %cond3A_35 {
        %dma_wait3A_155 = arith.constant 0 : i32
        %dma_wait3A_156 = arith.constant 0 : i32
        %dma_wait3A_157 = tpu.memref_slice %arg3[%dma_wait3A_155, %dma_wait3A_156] : memref<1000000x32xf32, #tpu.memory_space<hbm>> -> memref<128x32xf32, #tpu.memory_space<hbm>>
        %dma_wait3A_158 = arith.constant 0 : i32
        %dma_wait3A_159 = arith.constant 0 : i32
        %dma_wait3A_160 = tpu.memref_slice %arg3[%dma_wait3A_158, %dma_wait3A_159] : memref<1000000x32xf32, #tpu.memory_space<hbm>> -> memref<128x32xf32, #tpu.memory_space<hbm>>
        tpu.wait_dma2 semaphore(%arg18 : memref<!tpu.dma_semaphore, #tpu.memory_space<semaphore_mem>>) src(%dma_wait3A_160 : memref<128x32xf32, #tpu.memory_space<hbm>>) dst(%arg8 : memref<128x32xf32, #tpu.memory_space<vmem>>)
        %ge3A_161 = arith.constant 2 : i32
        %ge3A_162 = arith.cmpi sge, %sub3A_29, %ge3A_161 : i32
        %convert_element_type3A_163 = arith.extui %ge3A_162 : i1 to i32
        %cond3A_164 = arith.constant 0 : i32
        %cond3A_165 = arith.cmpi ne, %convert_element_type3A_163, %cond3A_164 : i32
        scf.if %cond3A_165 {
          %dma_wait3A_223 = arith.constant 0 : i32
          %dma_wait3A_224 = arith.constant 0 : i32
          %dma_wait3A_225 = tpu.memref_slice %arg4[%dma_wait3A_223, %dma_wait3A_224] : memref<204800x128xf32, #tpu.memory_space<hbm>> -> memref<32x128xf32, #tpu.memory_space<hbm>>
          %dma_wait3A_226 = arith.constant 0 : i32
          %dma_wait3A_227 = arith.constant 0 : i32
          %dma_wait3A_228 = tpu.memref_slice %arg4[%dma_wait3A_226, %dma_wait3A_227] : memref<204800x128xf32, #tpu.memory_space<hbm>> -> memref<32x128xf32, #tpu.memory_space<hbm>>
          tpu.wait_dma2 semaphore(%arg24 : memref<!tpu.dma_semaphore, #tpu.memory_space<semaphore_mem>>) src(%arg14 : memref<32x128xf32, #tpu.memory_space<vmem>>) dst(%dma_wait3A_228 : memref<32x128xf32, #tpu.memory_space<hbm>>)
        } else {
        }
        %parallel_loop3A = arith.constant 0 : i32
        %parallel_loop3A_166 = arith.constant 128 : i32
        %parallel_loop3A_167 = arith.constant 1 : i32
        scf.for %parallel_loop3A_223 = %parallel_loop3A to %parallel_loop3A_166 step %parallel_loop3A_167  : i32 {
          %parallel_loop3A_224 = arith.index_cast %parallel_loop3A_223 : i32 to index
          %parallel_loop3A_225 = arith.constant 0 : index
          %parallel_loop3A_226 = tpu.vector_load %arg8[%parallel_loop3A_224, %parallel_loop3A_225] {strides = array<i32>} : memref<128x32xf32, #tpu.memory_space<vmem>>, vector<16xf32>,
          %parallel_loop3A_227 = tpu.iota {dimensions = array<i32: 0>} : vector<16xi32>
          %parallel_loop3A_228 = arith.constant 0 : i32
          %parallel_loop3A_229 = vector.broadcast %parallel_loop3A_228 : i32 to vector<16xi32>
          %parallel_loop3A_230 = arith.addi %parallel_loop3A_227, %parallel_loop3A_229 : vector<16xi32>
          %parallel_loop3A_231 = vector.broadcast %parallel_loop3A_223 : i32 to vector<16xi32>
          tpu.vector_store_idx %arg14[%parallel_loop3A_230, %parallel_loop3A_231], %parallel_loop3A_226 : memref<32x128xf32, #tpu.memory_space<vmem>>[vector<16xi32>, vector<16xi32>], vector<16xf32>,
          %parallel_loop3A_232 = arith.index_cast %parallel_loop3A_223 : i32 to index
          %parallel_loop3A_233 = arith.constant 16 : index
          %parallel_loop3A_234 = tpu.vector_load %arg8[%parallel_loop3A_232, %parallel_loop3A_233] {strides = array<i32>} : memref<128x32xf32, #tpu.memory_space<vmem>>, vector<16xf32>,
          %parallel_loop3A_235 = tpu.iota {dimensions = array<i32: 0>} : vector<16xi32>
          %parallel_loop3A_236 = arith.constant 16 : i32
          %parallel_loop3A_237 = vector.broadcast %parallel_loop3A_236 : i32 to vector<16xi32>
          %parallel_loop3A_238 = arith.addi %parallel_loop3A_235, %parallel_loop3A_237 : vector<16xi32>
          %parallel_loop3A_239 = vector.broadcast %parallel_loop3A_223 : i32 to vector<16xi32>
          tpu.vector_store_idx %arg14[%parallel_loop3A_238, %parallel_loop3A_239], %parallel_loop3A_234 : memref<32x128xf32, #tpu.memory_space<vmem>>[vector<16xi32>, vector<16xi32>], vector<16xf32>,
        } {sc.loop_unroll_factor = 8 : i64, sc.parallel_access}
        %add3A_168 = arith.addi %mul3A_2, %sub3A_29 : i32
        %shift_right_arithmetic3A = arith.constant 7 : i32
        %shift_right_arithmetic3A_169 = arith.shrsi %add3A_168, %shift_right_arithmetic3A : i32
        %shift_left3A = arith.constant 12 : i32
        %shift_left3A_170 = arith.shli %shift_right_arithmetic3A_169, %shift_left3A : i32
        %and3A_171 = arith.constant 127 : i32
        %and3A_172 = arith.andi %add3A_168, %and3A_171 : i32
        %shift_left3A_173 = arith.constant 3 : i32
        %shift_left3A_174 = arith.shli %and3A_172, %shift_left3A_173 : i32
        %add3A_175 = arith.addi %shift_left3A_170, %shift_left3A_174 : i32
        %multiple_of3A = tpu.assume_multiple %add3A_175, 8 : i32
        %add3A_176 = arith.constant 0 : i32
        %add3A_177 = arith.addi %multiple_of3A, %add3A_176 : i32
        %dma_start3A = arith.constant 0 : i32
        %dma_start3A_178 = arith.constant 0 : i32
        %dma_start3A_179 = tpu.memref_slice %arg14[%dma_start3A, %dma_start3A_178] : memref<32x128xf32, #tpu.memory_space<vmem>> -> memref<8x128xf32, #tpu.memory_space<vmem>>
        %dma_start3A_180 = arith.constant 0 : i32
        %dma_start3A_181 = tpu.memref_slice %arg4[%add3A_177, %dma_start3A_180] : memref<204800x128xf32, #tpu.memory_space<hbm>> -> memref<8x128xf32, #tpu.memory_space<hbm>>
        %dma_start3A_182 = arith.constant 0 : i32
        %dma_start3A_183 = tpu.memref_slice %arg4[%add3A_177, %dma_start3A_182] : memref<204800x128xf32, #tpu.memory_space<hbm>> -> memref<8x128xf32, #tpu.memory_space<hbm>>
        %dma_start3A_184 = arith.constant 0 : i32
        %dma_start3A_185 = arith.constant 0 : i32
        %dma_start3A_186 = tpu.memref_slice %arg14[%dma_start3A_184, %dma_start3A_185] : memref<32x128xf32, #tpu.memory_space<vmem>> -> memref<8x128xf32, #tpu.memory_space<vmem>>
        tpu.enqueue_dma source(%dma_start3A_186 : memref<8x128xf32, #tpu.memory_space<vmem>>) target(%dma_start3A_183 : memref<8x128xf32, #tpu.memory_space<hbm>>) target_semaphore(%arg24 : memref<!tpu.dma_semaphore, #tpu.memory_space<semaphore_mem>>)
        %add3A_187 = arith.constant 1024 : i32
        %add3A_188 = arith.addi %multiple_of3A, %add3A_187 : i32
        %dma_start3A_189 = arith.constant 8 : i32
        %dma_start3A_190 = arith.constant 0 : i32
        %dma_start3A_191 = tpu.memref_slice %arg14[%dma_start3A_189, %dma_start3A_190] : memref<32x128xf32, #tpu.memory_space<vmem>> -> memref<8x128xf32, #tpu.memory_space<vmem>>
        %dma_start3A_192 = arith.constant 0 : i32
        %dma_start3A_193 = tpu.memref_slice %arg4[%add3A_188, %dma_start3A_192] : memref<204800x128xf32, #tpu.memory_space<hbm>> -> memref<8x128xf32, #tpu.memory_space<hbm>>
        %dma_start3A_194 = arith.constant 0 : i32
        %dma_start3A_195 = tpu.memref_slice %arg4[%add3A_188, %dma_start3A_194] : memref<204800x128xf32, #tpu.memory_space<hbm>> -> memref<8x128xf32, #tpu.memory_space<hbm>>
        %dma_start3A_196 = arith.constant 8 : i32
        %dma_start3A_197 = arith.constant 0 : i32
        %dma_start3A_198 = tpu.memref_slice %arg14[%dma_start3A_196, %dma_start3A_197] : memref<32x128xf32, #tpu.memory_space<vmem>> -> memref<8x128xf32, #tpu.memory_space<vmem>>
        tpu.enqueue_dma source(%dma_start3A_198 : memref<8x128xf32, #tpu.memory_space<vmem>>) target(%dma_start3A_195 : memref<8x128xf32, #tpu.memory_space<hbm>>) target_semaphore(%arg24 : memref<!tpu.dma_semaphore, #tpu.memory_space<semaphore_mem>>)
        %add3A_199 = arith.constant 2048 : i32
        %add3A_200 = arith.addi %multiple_of3A, %add3A_199 : i32
        %dma_start3A_201 = arith.constant 16 : i32
        %dma_start3A_202 = arith.constant 0 : i32
        %dma_start3A_203 = tpu.memref_slice %arg14[%dma_start3A_201, %dma_start3A_202] : memref<32x128xf32, #tpu.memory_space<vmem>> -> memref<8x128xf32, #tpu.memory_space<vmem>>
        %dma_start3A_204 = arith.constant 0 : i32
        %dma_start3A_205 = tpu.memref_slice %arg4[%add3A_200, %dma_start3A_204] : memref<204800x128xf32, #tpu.memory_space<hbm>> -> memref<8x128xf32, #tpu.memory_space<hbm>>
        %dma_start3A_206 = arith.constant 0 : i32
        %dma_start3A_207 = tpu.memref_slice %arg4[%add3A_200, %dma_start3A_206] : memref<204800x128xf32, #tpu.memory_space<hbm>> -> memref<8x128xf32, #tpu.memory_space<hbm>>
        %dma_start3A_208 = arith.constant 16 : i32
        %dma_start3A_209 = arith.constant 0 : i32
        %dma_start3A_210 = tpu.memref_slice %arg14[%dma_start3A_208, %dma_start3A_209] : memref<32x128xf32, #tpu.memory_space<vmem>> -> memref<8x128xf32, #tpu.memory_space<vmem>>
        tpu.enqueue_dma source(%dma_start3A_210 : memref<8x128xf32, #tpu.memory_space<vmem>>) target(%dma_start3A_207 : memref<8x128xf32, #tpu.memory_space<hbm>>) target_semaphore(%arg24 : memref<!tpu.dma_semaphore, #tpu.memory_space<semaphore_mem>>)
        %add3A_211 = arith.constant 3072 : i32
        %add3A_212 = arith.addi %multiple_of3A, %add3A_211 : i32
        %dma_start3A_213 = arith.constant 24 : i32
        %dma_start3A_214 = arith.constant 0 : i32
        %dma_start3A_215 = tpu.memref_slice %arg14[%dma_start3A_213, %dma_start3A_214] : memref<32x128xf32, #tpu.memory_space<vmem>> -> memref<8x128xf32, #tpu.memory_space<vmem>>
        %dma_start3A_216 = arith.constant 0 : i32
        %dma_start3A_217 = tpu.memref_slice %arg4[%add3A_212, %dma_start3A_216] : memref<204800x128xf32, #tpu.memory_space<hbm>> -> memref<8x128xf32, #tpu.memory_space<hbm>>
        %dma_start3A_218 = arith.constant 0 : i32
        %dma_start3A_219 = tpu.memref_slice %arg4[%add3A_212, %dma_start3A_218] : memref<204800x128xf32, #tpu.memory_space<hbm>> -> memref<8x128xf32, #tpu.memory_space<hbm>>
        %dma_start3A_220 = arith.constant 24 : i32
        %dma_start3A_221 = arith.constant 0 : i32
        %dma_start3A_222 = tpu.memref_slice %arg14[%dma_start3A_220, %dma_start3A_221] : memref<32x128xf32, #tpu.memory_space<vmem>> -> memref<8x128xf32, #tpu.memory_space<vmem>>
        tpu.enqueue_dma source(%dma_start3A_222 : memref<8x128xf32, #tpu.memory_space<vmem>>) target(%dma_start3A_219 : memref<8x128xf32, #tpu.memory_space<hbm>>) target_semaphore(%arg24 : memref<!tpu.dma_semaphore, #tpu.memory_space<semaphore_mem>>)
      } else {
      }
      %add3A_36 = arith.constant 1 : i32
      %add3A_37 = arith.addi %add3A_24, %add3A_36 : i32
      %lt3A_38 = arith.constant 200 : i32
      %lt3A_39 = arith.cmpi slt, %add3A_37, %lt3A_38 : i32
      %convert_element_type3A_40 = arith.extui %lt3A_39 : i1 to i32
      %cond3A_41 = arith.constant 0 : i32
      %cond3A_42 = arith.cmpi ne, %convert_element_type3A_40, %cond3A_41 : i32
      scf.if %cond3A_42 {
        %mul3A_155 = arith.constant 128 : i32
        %mul3A_156 = arith.muli %add3A_37, %mul3A_155 : i32
        %multiple_of3A = tpu.assume_multiple %mul3A_156, 128 : i32
        %dma_start3A = tpu.memref_slice %arg5[%multiple_of3A] : memref<25600xi32, #tpu.memory_space<vmem>> -> memref<128xi32, #tpu.memory_space<vmem>>
        %dma_start3A_157 = arith.constant 0 : i32
        %dma_start3A_158 = arith.constant 0 : i32
        %dma_start3A_159 = tpu.memref_slice %arg3[%dma_start3A_157, %dma_start3A_158] : memref<1000000x32xf32, #tpu.memory_space<hbm>> -> memref<1000000x32xf32, #tpu.memory_space<hbm>>
        tpu.enqueue_indirect_dma source(%dma_start3A_159 : memref<1000000x32xf32, #tpu.memory_space<hbm>>) target(%arg7 : memref<128x32xf32, #tpu.memory_space<vmem>>) offsets(%dma_start3A : memref<128xi32, #tpu.memory_space<vmem>>) semaphore(%arg17 : memref<!tpu.dma_semaphore, #tpu.memory_space<semaphore_mem>>)
      } else {
      }
      %sub3A_43 = arith.constant 6 : i32
      %sub3A_44 = arith.subi %add3A_37, %sub3A_43 : i32
      %ge3A_45 = arith.constant 0 : i32
      %ge3A_46 = arith.cmpi sge, %sub3A_44, %ge3A_45 : i32
      %lt3A_47 = arith.constant 200 : i32
      %lt3A_48 = arith.cmpi slt, %sub3A_44, %lt3A_47 : i32
      %and3A_49 = arith.andi %ge3A_46, %lt3A_48 : i1
      %convert_element_type3A_50 = arith.extui %and3A_49 : i1 to i32
      %cond3A_51 = arith.constant 0 : i32
      %cond3A_52 = arith.cmpi ne, %convert_element_type3A_50, %cond3A_51 : i32
      scf.if %cond3A_52 {
        %dma_wait3A_155 = arith.constant 0 : i32
        %dma_wait3A_156 = arith.constant 0 : i32
        %dma_wait3A_157 = tpu.memref_slice %arg3[%dma_wait3A_155, %dma_wait3A_156] : memref<1000000x32xf32, #tpu.memory_space<hbm>> -> memref<128x32xf32, #tpu.memory_space<hbm>>
        %dma_wait3A_158 = arith.constant 0 : i32
        %dma_wait3A_159 = arith.constant 0 : i32
        %dma_wait3A_160 = tpu.memref_slice %arg3[%dma_wait3A_158, %dma_wait3A_159] : memref<1000000x32xf32, #tpu.memory_space<hbm>> -> memref<128x32xf32, #tpu.memory_space<hbm>>
        tpu.wait_dma2 semaphore(%arg19 : memref<!tpu.dma_semaphore, #tpu.memory_space<semaphore_mem>>) src(%dma_wait3A_160 : memref<128x32xf32, #tpu.memory_space<hbm>>) dst(%arg9 : memref<128x32xf32, #tpu.memory_space<vmem>>)
        %ge3A_161 = arith.constant 2 : i32
        %ge3A_162 = arith.cmpi sge, %sub3A_44, %ge3A_161 : i32
        %convert_element_type3A_163 = arith.extui %ge3A_162 : i1 to i32
        %cond3A_164 = arith.constant 0 : i32
        %cond3A_165 = arith.cmpi ne, %convert_element_type3A_163, %cond3A_164 : i32
        scf.if %cond3A_165 {
          %dma_wait3A_223 = arith.constant 0 : i32
          %dma_wait3A_224 = arith.constant 0 : i32
          %dma_wait3A_225 = tpu.memref_slice %arg4[%dma_wait3A_223, %dma_wait3A_224] : memref<204800x128xf32, #tpu.memory_space<hbm>> -> memref<32x128xf32, #tpu.memory_space<hbm>>
          %dma_wait3A_226 = arith.constant 0 : i32
          %dma_wait3A_227 = arith.constant 0 : i32
          %dma_wait3A_228 = tpu.memref_slice %arg4[%dma_wait3A_226, %dma_wait3A_227] : memref<204800x128xf32, #tpu.memory_space<hbm>> -> memref<32x128xf32, #tpu.memory_space<hbm>>
          tpu.wait_dma2 semaphore(%arg25 : memref<!tpu.dma_semaphore, #tpu.memory_space<semaphore_mem>>) src(%arg15 : memref<32x128xf32, #tpu.memory_space<vmem>>) dst(%dma_wait3A_228 : memref<32x128xf32, #tpu.memory_space<hbm>>)
        } else {
        }
        %parallel_loop3A = arith.constant 0 : i32
        %parallel_loop3A_166 = arith.constant 128 : i32
        %parallel_loop3A_167 = arith.constant 1 : i32
        scf.for %parallel_loop3A_223 = %parallel_loop3A to %parallel_loop3A_166 step %parallel_loop3A_167  : i32 {
          %parallel_loop3A_224 = arith.index_cast %parallel_loop3A_223 : i32 to index
          %parallel_loop3A_225 = arith.constant 0 : index
          %parallel_loop3A_226 = tpu.vector_load %arg9[%parallel_loop3A_224, %parallel_loop3A_225] {strides = array<i32>} : memref<128x32xf32, #tpu.memory_space<vmem>>, vector<16xf32>,
          %parallel_loop3A_227 = tpu.iota {dimensions = array<i32: 0>} : vector<16xi32>
          %parallel_loop3A_228 = arith.constant 0 : i32
          %parallel_loop3A_229 = vector.broadcast %parallel_loop3A_228 : i32 to vector<16xi32>
          %parallel_loop3A_230 = arith.addi %parallel_loop3A_227, %parallel_loop3A_229 : vector<16xi32>
          %parallel_loop3A_231 = vector.broadcast %parallel_loop3A_223 : i32 to vector<16xi32>
          tpu.vector_store_idx %arg15[%parallel_loop3A_230, %parallel_loop3A_231], %parallel_loop3A_226 : memref<32x128xf32, #tpu.memory_space<vmem>>[vector<16xi32>, vector<16xi32>], vector<16xf32>,
          %parallel_loop3A_232 = arith.index_cast %parallel_loop3A_223 : i32 to index
          %parallel_loop3A_233 = arith.constant 16 : index
          %parallel_loop3A_234 = tpu.vector_load %arg9[%parallel_loop3A_232, %parallel_loop3A_233] {strides = array<i32>} : memref<128x32xf32, #tpu.memory_space<vmem>>, vector<16xf32>,
          %parallel_loop3A_235 = tpu.iota {dimensions = array<i32: 0>} : vector<16xi32>
          %parallel_loop3A_236 = arith.constant 16 : i32
          %parallel_loop3A_237 = vector.broadcast %parallel_loop3A_236 : i32 to vector<16xi32>
          %parallel_loop3A_238 = arith.addi %parallel_loop3A_235, %parallel_loop3A_237 : vector<16xi32>
          %parallel_loop3A_239 = vector.broadcast %parallel_loop3A_223 : i32 to vector<16xi32>
          tpu.vector_store_idx %arg15[%parallel_loop3A_238, %parallel_loop3A_239], %parallel_loop3A_234 : memref<32x128xf32, #tpu.memory_space<vmem>>[vector<16xi32>, vector<16xi32>], vector<16xf32>,
        } {sc.loop_unroll_factor = 8 : i64, sc.parallel_access}
        %add3A_168 = arith.addi %mul3A_2, %sub3A_44 : i32
        %shift_right_arithmetic3A = arith.constant 7 : i32
        %shift_right_arithmetic3A_169 = arith.shrsi %add3A_168, %shift_right_arithmetic3A : i32
        %shift_left3A = arith.constant 12 : i32
        %shift_left3A_170 = arith.shli %shift_right_arithmetic3A_169, %shift_left3A : i32
        %and3A_171 = arith.constant 127 : i32
        %and3A_172 = arith.andi %add3A_168, %and3A_171 : i32
        %shift_left3A_173 = arith.constant 3 : i32
        %shift_left3A_174 = arith.shli %and3A_172, %shift_left3A_173 : i32
        %add3A_175 = arith.addi %shift_left3A_170, %shift_left3A_174 : i32
        %multiple_of3A = tpu.assume_multiple %add3A_175, 8 : i32
        %add3A_176 = arith.constant 0 : i32
        %add3A_177 = arith.addi %multiple_of3A, %add3A_176 : i32
        %dma_start3A = arith.constant 0 : i32
        %dma_start3A_178 = arith.constant 0 : i32
        %dma_start3A_179 = tpu.memref_slice %arg15[%dma_start3A, %dma_start3A_178] : memref<32x128xf32, #tpu.memory_space<vmem>> -> memref<8x128xf32, #tpu.memory_space<vmem>>
        %dma_start3A_180 = arith.constant 0 : i32
        %dma_start3A_181 = tpu.memref_slice %arg4[%add3A_177, %dma_start3A_180] : memref<204800x128xf32, #tpu.memory_space<hbm>> -> memref<8x128xf32, #tpu.memory_space<hbm>>
        %dma_start3A_182 = arith.constant 0 : i32
        %dma_start3A_183 = tpu.memref_slice %arg4[%add3A_177, %dma_start3A_182] : memref<204800x128xf32, #tpu.memory_space<hbm>> -> memref<8x128xf32, #tpu.memory_space<hbm>>
        %dma_start3A_184 = arith.constant 0 : i32
        %dma_start3A_185 = arith.constant 0 : i32
        %dma_start3A_186 = tpu.memref_slice %arg15[%dma_start3A_184, %dma_start3A_185] : memref<32x128xf32, #tpu.memory_space<vmem>> -> memref<8x128xf32, #tpu.memory_space<vmem>>
        tpu.enqueue_dma source(%dma_start3A_186 : memref<8x128xf32, #tpu.memory_space<vmem>>) target(%dma_start3A_183 : memref<8x128xf32, #tpu.memory_space<hbm>>) target_semaphore(%arg25 : memref<!tpu.dma_semaphore, #tpu.memory_space<semaphore_mem>>)
        %add3A_187 = arith.constant 1024 : i32
        %add3A_188 = arith.addi %multiple_of3A, %add3A_187 : i32
        %dma_start3A_189 = arith.constant 8 : i32
        %dma_start3A_190 = arith.constant 0 : i32
        %dma_start3A_191 = tpu.memref_slice %arg15[%dma_start3A_189, %dma_start3A_190] : memref<32x128xf32, #tpu.memory_space<vmem>> -> memref<8x128xf32, #tpu.memory_space<vmem>>
        %dma_start3A_192 = arith.constant 0 : i32
        %dma_start3A_193 = tpu.memref_slice %arg4[%add3A_188, %dma_start3A_192] : memref<204800x128xf32, #tpu.memory_space<hbm>> -> memref<8x128xf32, #tpu.memory_space<hbm>>
        %dma_start3A_194 = arith.constant 0 : i32
        %dma_start3A_195 = tpu.memref_slice %arg4[%add3A_188, %dma_start3A_194] : memref<204800x128xf32, #tpu.memory_space<hbm>> -> memref<8x128xf32, #tpu.memory_space<hbm>>
        %dma_start3A_196 = arith.constant 8 : i32
        %dma_start3A_197 = arith.constant 0 : i32
        %dma_start3A_198 = tpu.memref_slice %arg15[%dma_start3A_196, %dma_start3A_197] : memref<32x128xf32, #tpu.memory_space<vmem>> -> memref<8x128xf32, #tpu.memory_space<vmem>>
        tpu.enqueue_dma source(%dma_start3A_198 : memref<8x128xf32, #tpu.memory_space<vmem>>) target(%dma_start3A_195 : memref<8x128xf32, #tpu.memory_space<hbm>>) target_semaphore(%arg25 : memref<!tpu.dma_semaphore, #tpu.memory_space<semaphore_mem>>)
        %add3A_199 = arith.constant 2048 : i32
        %add3A_200 = arith.addi %multiple_of3A, %add3A_199 : i32
        %dma_start3A_201 = arith.constant 16 : i32
        %dma_start3A_202 = arith.constant 0 : i32
        %dma_start3A_203 = tpu.memref_slice %arg15[%dma_start3A_201, %dma_start3A_202] : memref<32x128xf32, #tpu.memory_space<vmem>> -> memref<8x128xf32, #tpu.memory_space<vmem>>
        %dma_start3A_204 = arith.constant 0 : i32
        %dma_start3A_205 = tpu.memref_slice %arg4[%add3A_200, %dma_start3A_204] : memref<204800x128xf32, #tpu.memory_space<hbm>> -> memref<8x128xf32, #tpu.memory_space<hbm>>
        %dma_start3A_206 = arith.constant 0 : i32
        %dma_start3A_207 = tpu.memref_slice %arg4[%add3A_200, %dma_start3A_206] : memref<204800x128xf32, #tpu.memory_space<hbm>> -> memref<8x128xf32, #tpu.memory_space<hbm>>
        %dma_start3A_208 = arith.constant 16 : i32
        %dma_start3A_209 = arith.constant 0 : i32
        %dma_start3A_210 = tpu.memref_slice %arg15[%dma_start3A_208, %dma_start3A_209] : memref<32x128xf32, #tpu.memory_space<vmem>> -> memref<8x128xf32, #tpu.memory_space<vmem>>
        tpu.enqueue_dma source(%dma_start3A_210 : memref<8x128xf32, #tpu.memory_space<vmem>>) target(%dma_start3A_207 : memref<8x128xf32, #tpu.memory_space<hbm>>) target_semaphore(%arg25 : memref<!tpu.dma_semaphore, #tpu.memory_space<semaphore_mem>>)
        %add3A_211 = arith.constant 3072 : i32
        %add3A_212 = arith.addi %multiple_of3A, %add3A_211 : i32
        %dma_start3A_213 = arith.constant 24 : i32
        %dma_start3A_214 = arith.constant 0 : i32
        %dma_start3A_215 = tpu.memref_slice %arg15[%dma_start3A_213, %dma_start3A_214] : memref<32x128xf32, #tpu.memory_space<vmem>> -> memref<8x128xf32, #tpu.memory_space<vmem>>
        %dma_start3A_216 = arith.constant 0 : i32
        %dma_start3A_217 = tpu.memref_slice %arg4[%add3A_212, %dma_start3A_216] : memref<204800x128xf32, #tpu.memory_space<hbm>> -> memref<8x128xf32, #tpu.memory_space<hbm>>
        %dma_start3A_218 = arith.constant 0 : i32
        %dma_start3A_219 = tpu.memref_slice %arg4[%add3A_212, %dma_start3A_218] : memref<204800x128xf32, #tpu.memory_space<hbm>> -> memref<8x128xf32, #tpu.memory_space<hbm>>
        %dma_start3A_220 = arith.constant 24 : i32
        %dma_start3A_221 = arith.constant 0 : i32
        %dma_start3A_222 = tpu.memref_slice %arg15[%dma_start3A_220, %dma_start3A_221] : memref<32x128xf32, #tpu.memory_space<vmem>> -> memref<8x128xf32, #tpu.memory_space<vmem>>
        tpu.enqueue_dma source(%dma_start3A_222 : memref<8x128xf32, #tpu.memory_space<vmem>>) target(%dma_start3A_219 : memref<8x128xf32, #tpu.memory_space<hbm>>) target_semaphore(%arg25 : memref<!tpu.dma_semaphore, #tpu.memory_space<semaphore_mem>>)
      } else {
      }
      %add3A_53 = arith.constant 2 : i32
      %add3A_54 = arith.addi %add3A_24, %add3A_53 : i32
      %lt3A_55 = arith.constant 200 : i32
      %lt3A_56 = arith.cmpi slt, %add3A_54, %lt3A_55 : i32
      %convert_element_type3A_57 = arith.extui %lt3A_56 : i1 to i32
      %cond3A_58 = arith.constant 0 : i32
      %cond3A_59 = arith.cmpi ne, %convert_element_type3A_57, %cond3A_58 : i32
      scf.if %cond3A_59 {
        %mul3A_155 = arith.constant 128 : i32
        %mul3A_156 = arith.muli %add3A_54, %mul3A_155 : i32
        %multiple_of3A = tpu.assume_multiple %mul3A_156, 128 : i32
        %dma_start3A = tpu.memref_slice %arg5[%multiple_of3A] : memref<25600xi32, #tpu.memory_space<vmem>> -> memref<128xi32, #tpu.memory_space<vmem>>
        %dma_start3A_157 = arith.constant 0 : i32
        %dma_start3A_158 = arith.constant 0 : i32
        %dma_start3A_159 = tpu.memref_slice %arg3[%dma_start3A_157, %dma_start3A_158] : memref<1000000x32xf32, #tpu.memory_space<hbm>> -> memref<1000000x32xf32, #tpu.memory_space<hbm>>
        tpu.enqueue_indirect_dma source(%dma_start3A_159 : memref<1000000x32xf32, #tpu.memory_space<hbm>>) target(%arg8 : memref<128x32xf32, #tpu.memory_space<vmem>>) offsets(%dma_start3A : memref<128xi32, #tpu.memory_space<vmem>>) semaphore(%arg18 : memref<!tpu.dma_semaphore, #tpu.memory_space<semaphore_mem>>)
      } else {
      }
      %sub3A_60 = arith.constant 6 : i32
      %sub3A_61 = arith.subi %add3A_54, %sub3A_60 : i32
      %ge3A_62 = arith.constant 0 : i32
      %ge3A_63 = arith.cmpi sge, %sub3A_61, %ge3A_62 : i32
      %lt3A_64 = arith.constant 200 : i32
      %lt3A_65 = arith.cmpi slt, %sub3A_61, %lt3A_64 : i32
      %and3A_66 = arith.andi %ge3A_63, %lt3A_65 : i1
      %convert_element_type3A_67 = arith.extui %and3A_66 : i1 to i32
      %cond3A_68 = arith.constant 0 : i32
      %cond3A_69 = arith.cmpi ne, %convert_element_type3A_67, %cond3A_68 : i32
      scf.if %cond3A_69 {
        %dma_wait3A_155 = arith.constant 0 : i32
        %dma_wait3A_156 = arith.constant 0 : i32
        %dma_wait3A_157 = tpu.memref_slice %arg3[%dma_wait3A_155, %dma_wait3A_156] : memref<1000000x32xf32, #tpu.memory_space<hbm>> -> memref<128x32xf32, #tpu.memory_space<hbm>>
        %dma_wait3A_158 = arith.constant 0 : i32
        %dma_wait3A_159 = arith.constant 0 : i32
        %dma_wait3A_160 = tpu.memref_slice %arg3[%dma_wait3A_158, %dma_wait3A_159] : memref<1000000x32xf32, #tpu.memory_space<hbm>> -> memref<128x32xf32, #tpu.memory_space<hbm>>
        tpu.wait_dma2 semaphore(%arg20 : memref<!tpu.dma_semaphore, #tpu.memory_space<semaphore_mem>>) src(%dma_wait3A_160 : memref<128x32xf32, #tpu.memory_space<hbm>>) dst(%arg10 : memref<128x32xf32, #tpu.memory_space<vmem>>)
        %ge3A_161 = arith.constant 2 : i32
        %ge3A_162 = arith.cmpi sge, %sub3A_61, %ge3A_161 : i32
        %convert_element_type3A_163 = arith.extui %ge3A_162 : i1 to i32
        %cond3A_164 = arith.constant 0 : i32
        %cond3A_165 = arith.cmpi ne, %convert_element_type3A_163, %cond3A_164 : i32
        scf.if %cond3A_165 {
          %dma_wait3A_223 = arith.constant 0 : i32
          %dma_wait3A_224 = arith.constant 0 : i32
          %dma_wait3A_225 = tpu.memref_slice %arg4[%dma_wait3A_223, %dma_wait3A_224] : memref<204800x128xf32, #tpu.memory_space<hbm>> -> memref<32x128xf32, #tpu.memory_space<hbm>>
          %dma_wait3A_226 = arith.constant 0 : i32
          %dma_wait3A_227 = arith.constant 0 : i32
          %dma_wait3A_228 = tpu.memref_slice %arg4[%dma_wait3A_226, %dma_wait3A_227] : memref<204800x128xf32, #tpu.memory_space<hbm>> -> memref<32x128xf32, #tpu.memory_space<hbm>>
          tpu.wait_dma2 semaphore(%arg24 : memref<!tpu.dma_semaphore, #tpu.memory_space<semaphore_mem>>) src(%arg14 : memref<32x128xf32, #tpu.memory_space<vmem>>) dst(%dma_wait3A_228 : memref<32x128xf32, #tpu.memory_space<hbm>>)
        } else {
        }
        %parallel_loop3A = arith.constant 0 : i32
        %parallel_loop3A_166 = arith.constant 128 : i32
        %parallel_loop3A_167 = arith.constant 1 : i32
        scf.for %parallel_loop3A_223 = %parallel_loop3A to %parallel_loop3A_166 step %parallel_loop3A_167  : i32 {
          %parallel_loop3A_224 = arith.index_cast %parallel_loop3A_223 : i32 to index
          %parallel_loop3A_225 = arith.constant 0 : index
          %parallel_loop3A_226 = tpu.vector_load %arg10[%parallel_loop3A_224, %parallel_loop3A_225] {strides = array<i32>} : memref<128x32xf32, #tpu.memory_space<vmem>>, vector<16xf32>,
          %parallel_loop3A_227 = tpu.iota {dimensions = array<i32: 0>} : vector<16xi32>
          %parallel_loop3A_228 = arith.constant 0 : i32
          %parallel_loop3A_229 = vector.broadcast %parallel_loop3A_228 : i32 to vector<16xi32>
          %parallel_loop3A_230 = arith.addi %parallel_loop3A_227, %parallel_loop3A_229 : vector<16xi32>
          %parallel_loop3A_231 = vector.broadcast %parallel_loop3A_223 : i32 to vector<16xi32>
          tpu.vector_store_idx %arg14[%parallel_loop3A_230, %parallel_loop3A_231], %parallel_loop3A_226 : memref<32x128xf32, #tpu.memory_space<vmem>>[vector<16xi32>, vector<16xi32>], vector<16xf32>,
          %parallel_loop3A_232 = arith.index_cast %parallel_loop3A_223 : i32 to index
          %parallel_loop3A_233 = arith.constant 16 : index
          %parallel_loop3A_234 = tpu.vector_load %arg10[%parallel_loop3A_232, %parallel_loop3A_233] {strides = array<i32>} : memref<128x32xf32, #tpu.memory_space<vmem>>, vector<16xf32>,
          %parallel_loop3A_235 = tpu.iota {dimensions = array<i32: 0>} : vector<16xi32>
          %parallel_loop3A_236 = arith.constant 16 : i32
          %parallel_loop3A_237 = vector.broadcast %parallel_loop3A_236 : i32 to vector<16xi32>
          %parallel_loop3A_238 = arith.addi %parallel_loop3A_235, %parallel_loop3A_237 : vector<16xi32>
          %parallel_loop3A_239 = vector.broadcast %parallel_loop3A_223 : i32 to vector<16xi32>
          tpu.vector_store_idx %arg14[%parallel_loop3A_238, %parallel_loop3A_239], %parallel_loop3A_234 : memref<32x128xf32, #tpu.memory_space<vmem>>[vector<16xi32>, vector<16xi32>], vector<16xf32>,
        } {sc.loop_unroll_factor = 8 : i64, sc.parallel_access}
        %add3A_168 = arith.addi %mul3A_2, %sub3A_61 : i32
        %shift_right_arithmetic3A = arith.constant 7 : i32
        %shift_right_arithmetic3A_169 = arith.shrsi %add3A_168, %shift_right_arithmetic3A : i32
        %shift_left3A = arith.constant 12 : i32
        %shift_left3A_170 = arith.shli %shift_right_arithmetic3A_169, %shift_left3A : i32
        %and3A_171 = arith.constant 127 : i32
        %and3A_172 = arith.andi %add3A_168, %and3A_171 : i32
        %shift_left3A_173 = arith.constant 3 : i32
        %shift_left3A_174 = arith.shli %and3A_172, %shift_left3A_173 : i32
        %add3A_175 = arith.addi %shift_left3A_170, %shift_left3A_174 : i32
        %multiple_of3A = tpu.assume_multiple %add3A_175, 8 : i32
        %add3A_176 = arith.constant 0 : i32
        %add3A_177 = arith.addi %multiple_of3A, %add3A_176 : i32
        %dma_start3A = arith.constant 0 : i32
        %dma_start3A_178 = arith.constant 0 : i32
        %dma_start3A_179 = tpu.memref_slice %arg14[%dma_start3A, %dma_start3A_178] : memref<32x128xf32, #tpu.memory_space<vmem>> -> memref<8x128xf32, #tpu.memory_space<vmem>>
        %dma_start3A_180 = arith.constant 0 : i32
        %dma_start3A_181 = tpu.memref_slice %arg4[%add3A_177, %dma_start3A_180] : memref<204800x128xf32, #tpu.memory_space<hbm>> -> memref<8x128xf32, #tpu.memory_space<hbm>>
        %dma_start3A_182 = arith.constant 0 : i32
        %dma_start3A_183 = tpu.memref_slice %arg4[%add3A_177, %dma_start3A_182] : memref<204800x128xf32, #tpu.memory_space<hbm>> -> memref<8x128xf32, #tpu.memory_space<hbm>>
        %dma_start3A_184 = arith.constant 0 : i32
        %dma_start3A_185 = arith.constant 0 : i32
        %dma_start3A_186 = tpu.memref_slice %arg14[%dma_start3A_184, %dma_start3A_185] : memref<32x128xf32, #tpu.memory_space<vmem>> -> memref<8x128xf32, #tpu.memory_space<vmem>>
        tpu.enqueue_dma source(%dma_start3A_186 : memref<8x128xf32, #tpu.memory_space<vmem>>) target(%dma_start3A_183 : memref<8x128xf32, #tpu.memory_space<hbm>>) target_semaphore(%arg24 : memref<!tpu.dma_semaphore, #tpu.memory_space<semaphore_mem>>)
        %add3A_187 = arith.constant 1024 : i32
        %add3A_188 = arith.addi %multiple_of3A, %add3A_187 : i32
        %dma_start3A_189 = arith.constant 8 : i32
        %dma_start3A_190 = arith.constant 0 : i32
        %dma_start3A_191 = tpu.memref_slice %arg14[%dma_start3A_189, %dma_start3A_190] : memref<32x128xf32, #tpu.memory_space<vmem>> -> memref<8x128xf32, #tpu.memory_space<vmem>>
        %dma_start3A_192 = arith.constant 0 : i32
        %dma_start3A_193 = tpu.memref_slice %arg4[%add3A_188, %dma_start3A_192] : memref<204800x128xf32, #tpu.memory_space<hbm>> -> memref<8x128xf32, #tpu.memory_space<hbm>>
        %dma_start3A_194 = arith.constant 0 : i32
        %dma_start3A_195 = tpu.memref_slice %arg4[%add3A_188, %dma_start3A_194] : memref<204800x128xf32, #tpu.memory_space<hbm>> -> memref<8x128xf32, #tpu.memory_space<hbm>>
        %dma_start3A_196 = arith.constant 8 : i32
        %dma_start3A_197 = arith.constant 0 : i32
        %dma_start3A_198 = tpu.memref_slice %arg14[%dma_start3A_196, %dma_start3A_197] : memref<32x128xf32, #tpu.memory_space<vmem>> -> memref<8x128xf32, #tpu.memory_space<vmem>>
        tpu.enqueue_dma source(%dma_start3A_198 : memref<8x128xf32, #tpu.memory_space<vmem>>) target(%dma_start3A_195 : memref<8x128xf32, #tpu.memory_space<hbm>>) target_semaphore(%arg24 : memref<!tpu.dma_semaphore, #tpu.memory_space<semaphore_mem>>)
        %add3A_199 = arith.constant 2048 : i32
        %add3A_200 = arith.addi %multiple_of3A, %add3A_199 : i32
        %dma_start3A_201 = arith.constant 16 : i32
        %dma_start3A_202 = arith.constant 0 : i32
        %dma_start3A_203 = tpu.memref_slice %arg14[%dma_start3A_201, %dma_start3A_202] : memref<32x128xf32, #tpu.memory_space<vmem>> -> memref<8x128xf32, #tpu.memory_space<vmem>>
        %dma_start3A_204 = arith.constant 0 : i32
        %dma_start3A_205 = tpu.memref_slice %arg4[%add3A_200, %dma_start3A_204] : memref<204800x128xf32, #tpu.memory_space<hbm>> -> memref<8x128xf32, #tpu.memory_space<hbm>>
        %dma_start3A_206 = arith.constant 0 : i32
        %dma_start3A_207 = tpu.memref_slice %arg4[%add3A_200, %dma_start3A_206] : memref<204800x128xf32, #tpu.memory_space<hbm>> -> memref<8x128xf32, #tpu.memory_space<hbm>>
        %dma_start3A_208 = arith.constant 16 : i32
        %dma_start3A_209 = arith.constant 0 : i32
        %dma_start3A_210 = tpu.memref_slice %arg14[%dma_start3A_208, %dma_start3A_209] : memref<32x128xf32, #tpu.memory_space<vmem>> -> memref<8x128xf32, #tpu.memory_space<vmem>>
        tpu.enqueue_dma source(%dma_start3A_210 : memref<8x128xf32, #tpu.memory_space<vmem>>) target(%dma_start3A_207 : memref<8x128xf32, #tpu.memory_space<hbm>>) target_semaphore(%arg24 : memref<!tpu.dma_semaphore, #tpu.memory_space<semaphore_mem>>)
        %add3A_211 = arith.constant 3072 : i32
        %add3A_212 = arith.addi %multiple_of3A, %add3A_211 : i32
        %dma_start3A_213 = arith.constant 24 : i32
        %dma_start3A_214 = arith.constant 0 : i32
        %dma_start3A_215 = tpu.memref_slice %arg14[%dma_start3A_213, %dma_start3A_214] : memref<32x128xf32, #tpu.memory_space<vmem>> -> memref<8x128xf32, #tpu.memory_space<vmem>>
        %dma_start3A_216 = arith.constant 0 : i32
        %dma_start3A_217 = tpu.memref_slice %arg4[%add3A_212, %dma_start3A_216] : memref<204800x128xf32, #tpu.memory_space<hbm>> -> memref<8x128xf32, #tpu.memory_space<hbm>>
        %dma_start3A_218 = arith.constant 0 : i32
        %dma_start3A_219 = tpu.memref_slice %arg4[%add3A_212, %dma_start3A_218] : memref<204800x128xf32, #tpu.memory_space<hbm>> -> memref<8x128xf32, #tpu.memory_space<hbm>>
        %dma_start3A_220 = arith.constant 24 : i32
        %dma_start3A_221 = arith.constant 0 : i32
        %dma_start3A_222 = tpu.memref_slice %arg14[%dma_start3A_220, %dma_start3A_221] : memref<32x128xf32, #tpu.memory_space<vmem>> -> memref<8x128xf32, #tpu.memory_space<vmem>>
        tpu.enqueue_dma source(%dma_start3A_222 : memref<8x128xf32, #tpu.memory_space<vmem>>) target(%dma_start3A_219 : memref<8x128xf32, #tpu.memory_space<hbm>>) target_semaphore(%arg24 : memref<!tpu.dma_semaphore, #tpu.memory_space<semaphore_mem>>)
      } else {
      }
      %add3A_70 = arith.constant 3 : i32
      %add3A_71 = arith.addi %add3A_24, %add3A_70 : i32
      %lt3A_72 = arith.constant 200 : i32
      %lt3A_73 = arith.cmpi slt, %add3A_71, %lt3A_72 : i32
      %convert_element_type3A_74 = arith.extui %lt3A_73 : i1 to i32
      %cond3A_75 = arith.constant 0 : i32
      %cond3A_76 = arith.cmpi ne, %convert_element_type3A_74, %cond3A_75 : i32
      scf.if %cond3A_76 {
        %mul3A_155 = arith.constant 128 : i32
        %mul3A_156 = arith.muli %add3A_71, %mul3A_155 : i32
        %multiple_of3A = tpu.assume_multiple %mul3A_156, 128 : i32
        %dma_start3A = tpu.memref_slice %arg5[%multiple_of3A] : memref<25600xi32, #tpu.memory_space<vmem>> -> memref<128xi32, #tpu.memory_space<vmem>>
        %dma_start3A_157 = arith.constant 0 : i32
        %dma_start3A_158 = arith.constant 0 : i32
        %dma_start3A_159 = tpu.memref_slice %arg3[%dma_start3A_157, %dma_start3A_158] : memref<1000000x32xf32, #tpu.memory_space<hbm>> -> memref<1000000x32xf32, #tpu.memory_space<hbm>>
        tpu.enqueue_indirect_dma source(%dma_start3A_159 : memref<1000000x32xf32, #tpu.memory_space<hbm>>) target(%arg9 : memref<128x32xf32, #tpu.memory_space<vmem>>) offsets(%dma_start3A : memref<128xi32, #tpu.memory_space<vmem>>) semaphore(%arg19 : memref<!tpu.dma_semaphore, #tpu.memory_space<semaphore_mem>>)
      } else {
      }
      %sub3A_77 = arith.constant 6 : i32
      %sub3A_78 = arith.subi %add3A_71, %sub3A_77 : i32
      %ge3A_79 = arith.constant 0 : i32
      %ge3A_80 = arith.cmpi sge, %sub3A_78, %ge3A_79 : i32
      %lt3A_81 = arith.constant 200 : i32
      %lt3A_82 = arith.cmpi slt, %sub3A_78, %lt3A_81 : i32
      %and3A_83 = arith.andi %ge3A_80, %lt3A_82 : i1
      %convert_element_type3A_84 = arith.extui %and3A_83 : i1 to i32
      %cond3A_85 = arith.constant 0 : i32
      %cond3A_86 = arith.cmpi ne, %convert_element_type3A_84, %cond3A_85 : i32
      scf.if %cond3A_86 {
        %dma_wait3A_155 = arith.constant 0 : i32
        %dma_wait3A_156 = arith.constant 0 : i32
        %dma_wait3A_157 = tpu.memref_slice %arg3[%dma_wait3A_155, %dma_wait3A_156] : memref<1000000x32xf32, #tpu.memory_space<hbm>> -> memref<128x32xf32, #tpu.memory_space<hbm>>
        %dma_wait3A_158 = arith.constant 0 : i32
        %dma_wait3A_159 = arith.constant 0 : i32
        %dma_wait3A_160 = tpu.memref_slice %arg3[%dma_wait3A_158, %dma_wait3A_159] : memref<1000000x32xf32, #tpu.memory_space<hbm>> -> memref<128x32xf32, #tpu.memory_space<hbm>>
        tpu.wait_dma2 semaphore(%arg21 : memref<!tpu.dma_semaphore, #tpu.memory_space<semaphore_mem>>) src(%dma_wait3A_160 : memref<128x32xf32, #tpu.memory_space<hbm>>) dst(%arg11 : memref<128x32xf32, #tpu.memory_space<vmem>>)
        %ge3A_161 = arith.constant 2 : i32
        %ge3A_162 = arith.cmpi sge, %sub3A_78, %ge3A_161 : i32
        %convert_element_type3A_163 = arith.extui %ge3A_162 : i1 to i32
        %cond3A_164 = arith.constant 0 : i32
        %cond3A_165 = arith.cmpi ne, %convert_element_type3A_163, %cond3A_164 : i32
        scf.if %cond3A_165 {
          %dma_wait3A_223 = arith.constant 0 : i32
          %dma_wait3A_224 = arith.constant 0 : i32
          %dma_wait3A_225 = tpu.memref_slice %arg4[%dma_wait3A_223, %dma_wait3A_224] : memref<204800x128xf32, #tpu.memory_space<hbm>> -> memref<32x128xf32, #tpu.memory_space<hbm>>
          %dma_wait3A_226 = arith.constant 0 : i32
          %dma_wait3A_227 = arith.constant 0 : i32
          %dma_wait3A_228 = tpu.memref_slice %arg4[%dma_wait3A_226, %dma_wait3A_227] : memref<204800x128xf32, #tpu.memory_space<hbm>> -> memref<32x128xf32, #tpu.memory_space<hbm>>
          tpu.wait_dma2 semaphore(%arg25 : memref<!tpu.dma_semaphore, #tpu.memory_space<semaphore_mem>>) src(%arg15 : memref<32x128xf32, #tpu.memory_space<vmem>>) dst(%dma_wait3A_228 : memref<32x128xf32, #tpu.memory_space<hbm>>)
        } else {
        }
        %parallel_loop3A = arith.constant 0 : i32
        %parallel_loop3A_166 = arith.constant 128 : i32
        %parallel_loop3A_167 = arith.constant 1 : i32
        scf.for %parallel_loop3A_223 = %parallel_loop3A to %parallel_loop3A_166 step %parallel_loop3A_167  : i32 {
          %parallel_loop3A_224 = arith.index_cast %parallel_loop3A_223 : i32 to index
          %parallel_loop3A_225 = arith.constant 0 : index
          %parallel_loop3A_226 = tpu.vector_load %arg11[%parallel_loop3A_224, %parallel_loop3A_225] {strides = array<i32>} : memref<128x32xf32, #tpu.memory_space<vmem>>, vector<16xf32>,
          %parallel_loop3A_227 = tpu.iota {dimensions = array<i32: 0>} : vector<16xi32>
          %parallel_loop3A_228 = arith.constant 0 : i32
          %parallel_loop3A_229 = vector.broadcast %parallel_loop3A_228 : i32 to vector<16xi32>
          %parallel_loop3A_230 = arith.addi %parallel_loop3A_227, %parallel_loop3A_229 : vector<16xi32>
          %parallel_loop3A_231 = vector.broadcast %parallel_loop3A_223 : i32 to vector<16xi32>
          tpu.vector_store_idx %arg15[%parallel_loop3A_230, %parallel_loop3A_231], %parallel_loop3A_226 : memref<32x128xf32, #tpu.memory_space<vmem>>[vector<16xi32>, vector<16xi32>], vector<16xf32>,
          %parallel_loop3A_232 = arith.index_cast %parallel_loop3A_223 : i32 to index
          %parallel_loop3A_233 = arith.constant 16 : index
          %parallel_loop3A_234 = tpu.vector_load %arg11[%parallel_loop3A_232, %parallel_loop3A_233] {strides = array<i32>} : memref<128x32xf32, #tpu.memory_space<vmem>>, vector<16xf32>,
          %parallel_loop3A_235 = tpu.iota {dimensions = array<i32: 0>} : vector<16xi32>
          %parallel_loop3A_236 = arith.constant 16 : i32
          %parallel_loop3A_237 = vector.broadcast %parallel_loop3A_236 : i32 to vector<16xi32>
          %parallel_loop3A_238 = arith.addi %parallel_loop3A_235, %parallel_loop3A_237 : vector<16xi32>
          %parallel_loop3A_239 = vector.broadcast %parallel_loop3A_223 : i32 to vector<16xi32>
          tpu.vector_store_idx %arg15[%parallel_loop3A_238, %parallel_loop3A_239], %parallel_loop3A_234 : memref<32x128xf32, #tpu.memory_space<vmem>>[vector<16xi32>, vector<16xi32>], vector<16xf32>,
        } {sc.loop_unroll_factor = 8 : i64, sc.parallel_access}
        %add3A_168 = arith.addi %mul3A_2, %sub3A_78 : i32
        %shift_right_arithmetic3A = arith.constant 7 : i32
        %shift_right_arithmetic3A_169 = arith.shrsi %add3A_168, %shift_right_arithmetic3A : i32
        %shift_left3A = arith.constant 12 : i32
        %shift_left3A_170 = arith.shli %shift_right_arithmetic3A_169, %shift_left3A : i32
        %and3A_171 = arith.constant 127 : i32
        %and3A_172 = arith.andi %add3A_168, %and3A_171 : i32
        %shift_left3A_173 = arith.constant 3 : i32
        %shift_left3A_174 = arith.shli %and3A_172, %shift_left3A_173 : i32
        %add3A_175 = arith.addi %shift_left3A_170, %shift_left3A_174 : i32
        %multiple_of3A = tpu.assume_multiple %add3A_175, 8 : i32
        %add3A_176 = arith.constant 0 : i32
        %add3A_177 = arith.addi %multiple_of3A, %add3A_176 : i32
        %dma_start3A = arith.constant 0 : i32
        %dma_start3A_178 = arith.constant 0 : i32
        %dma_start3A_179 = tpu.memref_slice %arg15[%dma_start3A, %dma_start3A_178] : memref<32x128xf32, #tpu.memory_space<vmem>> -> memref<8x128xf32, #tpu.memory_space<vmem>>
        %dma_start3A_180 = arith.constant 0 : i32
        %dma_start3A_181 = tpu.memref_slice %arg4[%add3A_177, %dma_start3A_180] : memref<204800x128xf32, #tpu.memory_space<hbm>> -> memref<8x128xf32, #tpu.memory_space<hbm>>
        %dma_start3A_182 = arith.constant 0 : i32
        %dma_start3A_183 = tpu.memref_slice %arg4[%add3A_177, %dma_start3A_182] : memref<204800x128xf32, #tpu.memory_space<hbm>> -> memref<8x128xf32, #tpu.memory_space<hbm>>
        %dma_start3A_184 = arith.constant 0 : i32
        %dma_start3A_185 = arith.constant 0 : i32
        %dma_start3A_186 = tpu.memref_slice %arg15[%dma_start3A_184, %dma_start3A_185] : memref<32x128xf32, #tpu.memory_space<vmem>> -> memref<8x128xf32, #tpu.memory_space<vmem>>
        tpu.enqueue_dma source(%dma_start3A_186 : memref<8x128xf32, #tpu.memory_space<vmem>>) target(%dma_start3A_183 : memref<8x128xf32, #tpu.memory_space<hbm>>) target_semaphore(%arg25 : memref<!tpu.dma_semaphore, #tpu.memory_space<semaphore_mem>>)
        %add3A_187 = arith.constant 1024 : i32
        %add3A_188 = arith.addi %multiple_of3A, %add3A_187 : i32
        %dma_start3A_189 = arith.constant 8 : i32
        %dma_start3A_190 = arith.constant 0 : i32
        %dma_start3A_191 = tpu.memref_slice %arg15[%dma_start3A_189, %dma_start3A_190] : memref<32x128xf32, #tpu.memory_space<vmem>> -> memref<8x128xf32, #tpu.memory_space<vmem>>
        %dma_start3A_192 = arith.constant 0 : i32
        %dma_start3A_193 = tpu.memref_slice %arg4[%add3A_188, %dma_start3A_192] : memref<204800x128xf32, #tpu.memory_space<hbm>> -> memref<8x128xf32, #tpu.memory_space<hbm>>
        %dma_start3A_194 = arith.constant 0 : i32
        %dma_start3A_195 = tpu.memref_slice %arg4[%add3A_188, %dma_start3A_194] : memref<204800x128xf32, #tpu.memory_space<hbm>> -> memref<8x128xf32, #tpu.memory_space<hbm>>
        %dma_start3A_196 = arith.constant 8 : i32
        %dma_start3A_197 = arith.constant 0 : i32
        %dma_start3A_198 = tpu.memref_slice %arg15[%dma_start3A_196, %dma_start3A_197] : memref<32x128xf32, #tpu.memory_space<vmem>> -> memref<8x128xf32, #tpu.memory_space<vmem>>
        tpu.enqueue_dma source(%dma_start3A_198 : memref<8x128xf32, #tpu.memory_space<vmem>>) target(%dma_start3A_195 : memref<8x128xf32, #tpu.memory_space<hbm>>) target_semaphore(%arg25 : memref<!tpu.dma_semaphore, #tpu.memory_space<semaphore_mem>>)
        %add3A_199 = arith.constant 2048 : i32
        %add3A_200 = arith.addi %multiple_of3A, %add3A_199 : i32
        %dma_start3A_201 = arith.constant 16 : i32
        %dma_start3A_202 = arith.constant 0 : i32
        %dma_start3A_203 = tpu.memref_slice %arg15[%dma_start3A_201, %dma_start3A_202] : memref<32x128xf32, #tpu.memory_space<vmem>> -> memref<8x128xf32, #tpu.memory_space<vmem>>
        %dma_start3A_204 = arith.constant 0 : i32
        %dma_start3A_205 = tpu.memref_slice %arg4[%add3A_200, %dma_start3A_204] : memref<204800x128xf32, #tpu.memory_space<hbm>> -> memref<8x128xf32, #tpu.memory_space<hbm>>
        %dma_start3A_206 = arith.constant 0 : i32
        %dma_start3A_207 = tpu.memref_slice %arg4[%add3A_200, %dma_start3A_206] : memref<204800x128xf32, #tpu.memory_space<hbm>> -> memref<8x128xf32, #tpu.memory_space<hbm>>
        %dma_start3A_208 = arith.constant 16 : i32
        %dma_start3A_209 = arith.constant 0 : i32
        %dma_start3A_210 = tpu.memref_slice %arg15[%dma_start3A_208, %dma_start3A_209] : memref<32x128xf32, #tpu.memory_space<vmem>> -> memref<8x128xf32, #tpu.memory_space<vmem>>
        tpu.enqueue_dma source(%dma_start3A_210 : memref<8x128xf32, #tpu.memory_space<vmem>>) target(%dma_start3A_207 : memref<8x128xf32, #tpu.memory_space<hbm>>) target_semaphore(%arg25 : memref<!tpu.dma_semaphore, #tpu.memory_space<semaphore_mem>>)
        %add3A_211 = arith.constant 3072 : i32
        %add3A_212 = arith.addi %multiple_of3A, %add3A_211 : i32
        %dma_start3A_213 = arith.constant 24 : i32
        %dma_start3A_214 = arith.constant 0 : i32
        %dma_start3A_215 = tpu.memref_slice %arg15[%dma_start3A_213, %dma_start3A_214] : memref<32x128xf32, #tpu.memory_space<vmem>> -> memref<8x128xf32, #tpu.memory_space<vmem>>
        %dma_start3A_216 = arith.constant 0 : i32
        %dma_start3A_217 = tpu.memref_slice %arg4[%add3A_212, %dma_start3A_216] : memref<204800x128xf32, #tpu.memory_space<hbm>> -> memref<8x128xf32, #tpu.memory_space<hbm>>
        %dma_start3A_218 = arith.constant 0 : i32
        %dma_start3A_219 = tpu.memref_slice %arg4[%add3A_212, %dma_start3A_218] : memref<204800x128xf32, #tpu.memory_space<hbm>> -> memref<8x128xf32, #tpu.memory_space<hbm>>
        %dma_start3A_220 = arith.constant 24 : i32
        %dma_start3A_221 = arith.constant 0 : i32
        %dma_start3A_222 = tpu.memref_slice %arg15[%dma_start3A_220, %dma_start3A_221] : memref<32x128xf32, #tpu.memory_space<vmem>> -> memref<8x128xf32, #tpu.memory_space<vmem>>
        tpu.enqueue_dma source(%dma_start3A_222 : memref<8x128xf32, #tpu.memory_space<vmem>>) target(%dma_start3A_219 : memref<8x128xf32, #tpu.memory_space<hbm>>) target_semaphore(%arg25 : memref<!tpu.dma_semaphore, #tpu.memory_space<semaphore_mem>>)
      } else {
      }
      %add3A_87 = arith.constant 4 : i32
      %add3A_88 = arith.addi %add3A_24, %add3A_87 : i32
      %lt3A_89 = arith.constant 200 : i32
      %lt3A_90 = arith.cmpi slt, %add3A_88, %lt3A_89 : i32
      %convert_element_type3A_91 = arith.extui %lt3A_90 : i1 to i32
      %cond3A_92 = arith.constant 0 : i32
      %cond3A_93 = arith.cmpi ne, %convert_element_type3A_91, %cond3A_92 : i32
      scf.if %cond3A_93 {
        %mul3A_155 = arith.constant 128 : i32
        %mul3A_156 = arith.muli %add3A_88, %mul3A_155 : i32
        %multiple_of3A = tpu.assume_multiple %mul3A_156, 128 : i32
        %dma_start3A = tpu.memref_slice %arg5[%multiple_of3A] : memref<25600xi32, #tpu.memory_space<vmem>> -> memref<128xi32, #tpu.memory_space<vmem>>
        %dma_start3A_157 = arith.constant 0 : i32
        %dma_start3A_158 = arith.constant 0 : i32
        %dma_start3A_159 = tpu.memref_slice %arg3[%dma_start3A_157, %dma_start3A_158] : memref<1000000x32xf32, #tpu.memory_space<hbm>> -> memref<1000000x32xf32, #tpu.memory_space<hbm>>
        tpu.enqueue_indirect_dma source(%dma_start3A_159 : memref<1000000x32xf32, #tpu.memory_space<hbm>>) target(%arg10 : memref<128x32xf32, #tpu.memory_space<vmem>>) offsets(%dma_start3A : memref<128xi32, #tpu.memory_space<vmem>>) semaphore(%arg20 : memref<!tpu.dma_semaphore, #tpu.memory_space<semaphore_mem>>)
      } else {
      }
      %sub3A_94 = arith.constant 6 : i32
      %sub3A_95 = arith.subi %add3A_88, %sub3A_94 : i32
      %ge3A_96 = arith.constant 0 : i32
      %ge3A_97 = arith.cmpi sge, %sub3A_95, %ge3A_96 : i32
      %lt3A_98 = arith.constant 200 : i32
      %lt3A_99 = arith.cmpi slt, %sub3A_95, %lt3A_98 : i32
      %and3A_100 = arith.andi %ge3A_97, %lt3A_99 : i1
      %convert_element_type3A_101 = arith.extui %and3A_100 : i1 to i32
      %cond3A_102 = arith.constant 0 : i32
      %cond3A_103 = arith.cmpi ne, %convert_element_type3A_101, %cond3A_102 : i32
      scf.if %cond3A_103 {
        %dma_wait3A_155 = arith.constant 0 : i32
        %dma_wait3A_156 = arith.constant 0 : i32
        %dma_wait3A_157 = tpu.memref_slice %arg3[%dma_wait3A_155, %dma_wait3A_156] : memref<1000000x32xf32, #tpu.memory_space<hbm>> -> memref<128x32xf32, #tpu.memory_space<hbm>>
        %dma_wait3A_158 = arith.constant 0 : i32
        %dma_wait3A_159 = arith.constant 0 : i32
        %dma_wait3A_160 = tpu.memref_slice %arg3[%dma_wait3A_158, %dma_wait3A_159] : memref<1000000x32xf32, #tpu.memory_space<hbm>> -> memref<128x32xf32, #tpu.memory_space<hbm>>
        tpu.wait_dma2 semaphore(%arg22 : memref<!tpu.dma_semaphore, #tpu.memory_space<semaphore_mem>>) src(%dma_wait3A_160 : memref<128x32xf32, #tpu.memory_space<hbm>>) dst(%arg12 : memref<128x32xf32, #tpu.memory_space<vmem>>)
        %ge3A_161 = arith.constant 2 : i32
        %ge3A_162 = arith.cmpi sge, %sub3A_95, %ge3A_161 : i32
        %convert_element_type3A_163 = arith.extui %ge3A_162 : i1 to i32
        %cond3A_164 = arith.constant 0 : i32
        %cond3A_165 = arith.cmpi ne, %convert_element_type3A_163, %cond3A_164 : i32
        scf.if %cond3A_165 {
          %dma_wait3A_223 = arith.constant 0 : i32
          %dma_wait3A_224 = arith.constant 0 : i32
          %dma_wait3A_225 = tpu.memref_slice %arg4[%dma_wait3A_223, %dma_wait3A_224] : memref<204800x128xf32, #tpu.memory_space<hbm>> -> memref<32x128xf32, #tpu.memory_space<hbm>>
          %dma_wait3A_226 = arith.constant 0 : i32
          %dma_wait3A_227 = arith.constant 0 : i32
          %dma_wait3A_228 = tpu.memref_slice %arg4[%dma_wait3A_226, %dma_wait3A_227] : memref<204800x128xf32, #tpu.memory_space<hbm>> -> memref<32x128xf32, #tpu.memory_space<hbm>>
          tpu.wait_dma2 semaphore(%arg24 : memref<!tpu.dma_semaphore, #tpu.memory_space<semaphore_mem>>) src(%arg14 : memref<32x128xf32, #tpu.memory_space<vmem>>) dst(%dma_wait3A_228 : memref<32x128xf32, #tpu.memory_space<hbm>>)
        } else {
        }
        %parallel_loop3A = arith.constant 0 : i32
        %parallel_loop3A_166 = arith.constant 128 : i32
        %parallel_loop3A_167 = arith.constant 1 : i32
        scf.for %parallel_loop3A_223 = %parallel_loop3A to %parallel_loop3A_166 step %parallel_loop3A_167  : i32 {
          %parallel_loop3A_224 = arith.index_cast %parallel_loop3A_223 : i32 to index
          %parallel_loop3A_225 = arith.constant 0 : index
          %parallel_loop3A_226 = tpu.vector_load %arg12[%parallel_loop3A_224, %parallel_loop3A_225] {strides = array<i32>} : memref<128x32xf32, #tpu.memory_space<vmem>>, vector<16xf32>,
          %parallel_loop3A_227 = tpu.iota {dimensions = array<i32: 0>} : vector<16xi32>
          %parallel_loop3A_228 = arith.constant 0 : i32
          %parallel_loop3A_229 = vector.broadcast %parallel_loop3A_228 : i32 to vector<16xi32>
          %parallel_loop3A_230 = arith.addi %parallel_loop3A_227, %parallel_loop3A_229 : vector<16xi32>
          %parallel_loop3A_231 = vector.broadcast %parallel_loop3A_223 : i32 to vector<16xi32>
          tpu.vector_store_idx %arg14[%parallel_loop3A_230, %parallel_loop3A_231], %parallel_loop3A_226 : memref<32x128xf32, #tpu.memory_space<vmem>>[vector<16xi32>, vector<16xi32>], vector<16xf32>,
          %parallel_loop3A_232 = arith.index_cast %parallel_loop3A_223 : i32 to index
          %parallel_loop3A_233 = arith.constant 16 : index
          %parallel_loop3A_234 = tpu.vector_load %arg12[%parallel_loop3A_232, %parallel_loop3A_233] {strides = array<i32>} : memref<128x32xf32, #tpu.memory_space<vmem>>, vector<16xf32>,
          %parallel_loop3A_235 = tpu.iota {dimensions = array<i32: 0>} : vector<16xi32>
          %parallel_loop3A_236 = arith.constant 16 : i32
          %parallel_loop3A_237 = vector.broadcast %parallel_loop3A_236 : i32 to vector<16xi32>
          %parallel_loop3A_238 = arith.addi %parallel_loop3A_235, %parallel_loop3A_237 : vector<16xi32>
          %parallel_loop3A_239 = vector.broadcast %parallel_loop3A_223 : i32 to vector<16xi32>
          tpu.vector_store_idx %arg14[%parallel_loop3A_238, %parallel_loop3A_239], %parallel_loop3A_234 : memref<32x128xf32, #tpu.memory_space<vmem>>[vector<16xi32>, vector<16xi32>], vector<16xf32>,
        } {sc.loop_unroll_factor = 8 : i64, sc.parallel_access}
        %add3A_168 = arith.addi %mul3A_2, %sub3A_95 : i32
        %shift_right_arithmetic3A = arith.constant 7 : i32
        %shift_right_arithmetic3A_169 = arith.shrsi %add3A_168, %shift_right_arithmetic3A : i32
        %shift_left3A = arith.constant 12 : i32
        %shift_left3A_170 = arith.shli %shift_right_arithmetic3A_169, %shift_left3A : i32
        %and3A_171 = arith.constant 127 : i32
        %and3A_172 = arith.andi %add3A_168, %and3A_171 : i32
        %shift_left3A_173 = arith.constant 3 : i32
        %shift_left3A_174 = arith.shli %and3A_172, %shift_left3A_173 : i32
        %add3A_175 = arith.addi %shift_left3A_170, %shift_left3A_174 : i32
        %multiple_of3A = tpu.assume_multiple %add3A_175, 8 : i32
        %add3A_176 = arith.constant 0 : i32
        %add3A_177 = arith.addi %multiple_of3A, %add3A_176 : i32
        %dma_start3A = arith.constant 0 : i32
        %dma_start3A_178 = arith.constant 0 : i32
        %dma_start3A_179 = tpu.memref_slice %arg14[%dma_start3A, %dma_start3A_178] : memref<32x128xf32, #tpu.memory_space<vmem>> -> memref<8x128xf32, #tpu.memory_space<vmem>>
        %dma_start3A_180 = arith.constant 0 : i32
        %dma_start3A_181 = tpu.memref_slice %arg4[%add3A_177, %dma_start3A_180] : memref<204800x128xf32, #tpu.memory_space<hbm>> -> memref<8x128xf32, #tpu.memory_space<hbm>>
        %dma_start3A_182 = arith.constant 0 : i32
        %dma_start3A_183 = tpu.memref_slice %arg4[%add3A_177, %dma_start3A_182] : memref<204800x128xf32, #tpu.memory_space<hbm>> -> memref<8x128xf32, #tpu.memory_space<hbm>>
        %dma_start3A_184 = arith.constant 0 : i32
        %dma_start3A_185 = arith.constant 0 : i32
        %dma_start3A_186 = tpu.memref_slice %arg14[%dma_start3A_184, %dma_start3A_185] : memref<32x128xf32, #tpu.memory_space<vmem>> -> memref<8x128xf32, #tpu.memory_space<vmem>>
        tpu.enqueue_dma source(%dma_start3A_186 : memref<8x128xf32, #tpu.memory_space<vmem>>) target(%dma_start3A_183 : memref<8x128xf32, #tpu.memory_space<hbm>>) target_semaphore(%arg24 : memref<!tpu.dma_semaphore, #tpu.memory_space<semaphore_mem>>)
        %add3A_187 = arith.constant 1024 : i32
        %add3A_188 = arith.addi %multiple_of3A, %add3A_187 : i32
        %dma_start3A_189 = arith.constant 8 : i32
        %dma_start3A_190 = arith.constant 0 : i32
        %dma_start3A_191 = tpu.memref_slice %arg14[%dma_start3A_189, %dma_start3A_190] : memref<32x128xf32, #tpu.memory_space<vmem>> -> memref<8x128xf32, #tpu.memory_space<vmem>>
        %dma_start3A_192 = arith.constant 0 : i32
        %dma_start3A_193 = tpu.memref_slice %arg4[%add3A_188, %dma_start3A_192] : memref<204800x128xf32, #tpu.memory_space<hbm>> -> memref<8x128xf32, #tpu.memory_space<hbm>>
        %dma_start3A_194 = arith.constant 0 : i32
        %dma_start3A_195 = tpu.memref_slice %arg4[%add3A_188, %dma_start3A_194] : memref<204800x128xf32, #tpu.memory_space<hbm>> -> memref<8x128xf32, #tpu.memory_space<hbm>>
        %dma_start3A_196 = arith.constant 8 : i32
        %dma_start3A_197 = arith.constant 0 : i32
        %dma_start3A_198 = tpu.memref_slice %arg14[%dma_start3A_196, %dma_start3A_197] : memref<32x128xf32, #tpu.memory_space<vmem>> -> memref<8x128xf32, #tpu.memory_space<vmem>>
        tpu.enqueue_dma source(%dma_start3A_198 : memref<8x128xf32, #tpu.memory_space<vmem>>) target(%dma_start3A_195 : memref<8x128xf32, #tpu.memory_space<hbm>>) target_semaphore(%arg24 : memref<!tpu.dma_semaphore, #tpu.memory_space<semaphore_mem>>)
        %add3A_199 = arith.constant 2048 : i32
        %add3A_200 = arith.addi %multiple_of3A, %add3A_199 : i32
        %dma_start3A_201 = arith.constant 16 : i32
        %dma_start3A_202 = arith.constant 0 : i32
        %dma_start3A_203 = tpu.memref_slice %arg14[%dma_start3A_201, %dma_start3A_202] : memref<32x128xf32, #tpu.memory_space<vmem>> -> memref<8x128xf32, #tpu.memory_space<vmem>>
        %dma_start3A_204 = arith.constant 0 : i32
        %dma_start3A_205 = tpu.memref_slice %arg4[%add3A_200, %dma_start3A_204] : memref<204800x128xf32, #tpu.memory_space<hbm>> -> memref<8x128xf32, #tpu.memory_space<hbm>>
        %dma_start3A_206 = arith.constant 0 : i32
        %dma_start3A_207 = tpu.memref_slice %arg4[%add3A_200, %dma_start3A_206] : memref<204800x128xf32, #tpu.memory_space<hbm>> -> memref<8x128xf32, #tpu.memory_space<hbm>>
        %dma_start3A_208 = arith.constant 16 : i32
        %dma_start3A_209 = arith.constant 0 : i32
        %dma_start3A_210 = tpu.memref_slice %arg14[%dma_start3A_208, %dma_start3A_209] : memref<32x128xf32, #tpu.memory_space<vmem>> -> memref<8x128xf32, #tpu.memory_space<vmem>>
        tpu.enqueue_dma source(%dma_start3A_210 : memref<8x128xf32, #tpu.memory_space<vmem>>) target(%dma_start3A_207 : memref<8x128xf32, #tpu.memory_space<hbm>>) target_semaphore(%arg24 : memref<!tpu.dma_semaphore, #tpu.memory_space<semaphore_mem>>)
        %add3A_211 = arith.constant 3072 : i32
        %add3A_212 = arith.addi %multiple_of3A, %add3A_211 : i32
        %dma_start3A_213 = arith.constant 24 : i32
        %dma_start3A_214 = arith.constant 0 : i32
        %dma_start3A_215 = tpu.memref_slice %arg14[%dma_start3A_213, %dma_start3A_214] : memref<32x128xf32, #tpu.memory_space<vmem>> -> memref<8x128xf32, #tpu.memory_space<vmem>>
        %dma_start3A_216 = arith.constant 0 : i32
        %dma_start3A_217 = tpu.memref_slice %arg4[%add3A_212, %dma_start3A_216] : memref<204800x128xf32, #tpu.memory_space<hbm>> -> memref<8x128xf32, #tpu.memory_space<hbm>>
        %dma_start3A_218 = arith.constant 0 : i32
        %dma_start3A_219 = tpu.memref_slice %arg4[%add3A_212, %dma_start3A_218] : memref<204800x128xf32, #tpu.memory_space<hbm>> -> memref<8x128xf32, #tpu.memory_space<hbm>>
        %dma_start3A_220 = arith.constant 24 : i32
        %dma_start3A_221 = arith.constant 0 : i32
        %dma_start3A_222 = tpu.memref_slice %arg14[%dma_start3A_220, %dma_start3A_221] : memref<32x128xf32, #tpu.memory_space<vmem>> -> memref<8x128xf32, #tpu.memory_space<vmem>>
        tpu.enqueue_dma source(%dma_start3A_222 : memref<8x128xf32, #tpu.memory_space<vmem>>) target(%dma_start3A_219 : memref<8x128xf32, #tpu.memory_space<hbm>>) target_semaphore(%arg24 : memref<!tpu.dma_semaphore, #tpu.memory_space<semaphore_mem>>)
      } else {
      }
      %add3A_104 = arith.constant 5 : i32
      %add3A_105 = arith.addi %add3A_24, %add3A_104 : i32
      %lt3A_106 = arith.constant 200 : i32
      %lt3A_107 = arith.cmpi slt, %add3A_105, %lt3A_106 : i32
      %convert_element_type3A_108 = arith.extui %lt3A_107 : i1 to i32
      %cond3A_109 = arith.constant 0 : i32
      %cond3A_110 = arith.cmpi ne, %convert_element_type3A_108, %cond3A_109 : i32
      scf.if %cond3A_110 {
        %mul3A_155 = arith.constant 128 : i32
        %mul3A_156 = arith.muli %add3A_105, %mul3A_155 : i32
        %multiple_of3A = tpu.assume_multiple %mul3A_156, 128 : i32
        %dma_start3A = tpu.memref_slice %arg5[%multiple_of3A] : memref<25600xi32, #tpu.memory_space<vmem>> -> memref<128xi32, #tpu.memory_space<vmem>>
        %dma_start3A_157 = arith.constant 0 : i32
        %dma_start3A_158 = arith.constant 0 : i32
        %dma_start3A_159 = tpu.memref_slice %arg3[%dma_start3A_157, %dma_start3A_158] : memref<1000000x32xf32, #tpu.memory_space<hbm>> -> memref<1000000x32xf32, #tpu.memory_space<hbm>>
        tpu.enqueue_indirect_dma source(%dma_start3A_159 : memref<1000000x32xf32, #tpu.memory_space<hbm>>) target(%arg11 : memref<128x32xf32, #tpu.memory_space<vmem>>) offsets(%dma_start3A : memref<128xi32, #tpu.memory_space<vmem>>) semaphore(%arg21 : memref<!tpu.dma_semaphore, #tpu.memory_space<semaphore_mem>>)
      } else {
      }
      %sub3A_111 = arith.constant 6 : i32
      %sub3A_112 = arith.subi %add3A_105, %sub3A_111 : i32
      %ge3A_113 = arith.constant 0 : i32
      %ge3A_114 = arith.cmpi sge, %sub3A_112, %ge3A_113 : i32
      %lt3A_115 = arith.constant 200 : i32
      %lt3A_116 = arith.cmpi slt, %sub3A_112, %lt3A_115 : i32
      %and3A_117 = arith.andi %ge3A_114, %lt3A_116 : i1
      %convert_element_type3A_118 = arith.extui %and3A_117 : i1 to i32
      %cond3A_119 = arith.constant 0 : i32
      %cond3A_120 = arith.cmpi ne, %convert_element_type3A_118, %cond3A_119 : i32
      scf.if %cond3A_120 {
        %dma_wait3A_155 = arith.constant 0 : i32
        %dma_wait3A_156 = arith.constant 0 : i32
        %dma_wait3A_157 = tpu.memref_slice %arg3[%dma_wait3A_155, %dma_wait3A_156] : memref<1000000x32xf32, #tpu.memory_space<hbm>> -> memref<128x32xf32, #tpu.memory_space<hbm>>
        %dma_wait3A_158 = arith.constant 0 : i32
        %dma_wait3A_159 = arith.constant 0 : i32
        %dma_wait3A_160 = tpu.memref_slice %arg3[%dma_wait3A_158, %dma_wait3A_159] : memref<1000000x32xf32, #tpu.memory_space<hbm>> -> memref<128x32xf32, #tpu.memory_space<hbm>>
        tpu.wait_dma2 semaphore(%arg23 : memref<!tpu.dma_semaphore, #tpu.memory_space<semaphore_mem>>) src(%dma_wait3A_160 : memref<128x32xf32, #tpu.memory_space<hbm>>) dst(%arg13 : memref<128x32xf32, #tpu.memory_space<vmem>>)
        %ge3A_161 = arith.constant 2 : i32
        %ge3A_162 = arith.cmpi sge, %sub3A_112, %ge3A_161 : i32
        %convert_element_type3A_163 = arith.extui %ge3A_162 : i1 to i32
        %cond3A_164 = arith.constant 0 : i32
        %cond3A_165 = arith.cmpi ne, %convert_element_type3A_163, %cond3A_164 : i32
        scf.if %cond3A_165 {
          %dma_wait3A_223 = arith.constant 0 : i32
          %dma_wait3A_224 = arith.constant 0 : i32
          %dma_wait3A_225 = tpu.memref_slice %arg4[%dma_wait3A_223, %dma_wait3A_224] : memref<204800x128xf32, #tpu.memory_space<hbm>> -> memref<32x128xf32, #tpu.memory_space<hbm>>
          %dma_wait3A_226 = arith.constant 0 : i32
          %dma_wait3A_227 = arith.constant 0 : i32
          %dma_wait3A_228 = tpu.memref_slice %arg4[%dma_wait3A_226, %dma_wait3A_227] : memref<204800x128xf32, #tpu.memory_space<hbm>> -> memref<32x128xf32, #tpu.memory_space<hbm>>
          tpu.wait_dma2 semaphore(%arg25 : memref<!tpu.dma_semaphore, #tpu.memory_space<semaphore_mem>>) src(%arg15 : memref<32x128xf32, #tpu.memory_space<vmem>>) dst(%dma_wait3A_228 : memref<32x128xf32, #tpu.memory_space<hbm>>)
        } else {
        }
        %parallel_loop3A = arith.constant 0 : i32
        %parallel_loop3A_166 = arith.constant 128 : i32
        %parallel_loop3A_167 = arith.constant 1 : i32
        scf.for %parallel_loop3A_223 = %parallel_loop3A to %parallel_loop3A_166 step %parallel_loop3A_167  : i32 {
          %parallel_loop3A_224 = arith.index_cast %parallel_loop3A_223 : i32 to index
          %parallel_loop3A_225 = arith.constant 0 : index
          %parallel_loop3A_226 = tpu.vector_load %arg13[%parallel_loop3A_224, %parallel_loop3A_225] {strides = array<i32>} : memref<128x32xf32, #tpu.memory_space<vmem>>, vector<16xf32>,
          %parallel_loop3A_227 = tpu.iota {dimensions = array<i32: 0>} : vector<16xi32>
          %parallel_loop3A_228 = arith.constant 0 : i32
          %parallel_loop3A_229 = vector.broadcast %parallel_loop3A_228 : i32 to vector<16xi32>
          %parallel_loop3A_230 = arith.addi %parallel_loop3A_227, %parallel_loop3A_229 : vector<16xi32>
          %parallel_loop3A_231 = vector.broadcast %parallel_loop3A_223 : i32 to vector<16xi32>
          tpu.vector_store_idx %arg15[%parallel_loop3A_230, %parallel_loop3A_231], %parallel_loop3A_226 : memref<32x128xf32, #tpu.memory_space<vmem>>[vector<16xi32>, vector<16xi32>], vector<16xf32>,
          %parallel_loop3A_232 = arith.index_cast %parallel_loop3A_223 : i32 to index
          %parallel_loop3A_233 = arith.constant 16 : index
          %parallel_loop3A_234 = tpu.vector_load %arg13[%parallel_loop3A_232, %parallel_loop3A_233] {strides = array<i32>} : memref<128x32xf32, #tpu.memory_space<vmem>>, vector<16xf32>,
          %parallel_loop3A_235 = tpu.iota {dimensions = array<i32: 0>} : vector<16xi32>
          %parallel_loop3A_236 = arith.constant 16 : i32
          %parallel_loop3A_237 = vector.broadcast %parallel_loop3A_236 : i32 to vector<16xi32>
          %parallel_loop3A_238 = arith.addi %parallel_loop3A_235, %parallel_loop3A_237 : vector<16xi32>
          %parallel_loop3A_239 = vector.broadcast %parallel_loop3A_223 : i32 to vector<16xi32>
          tpu.vector_store_idx %arg15[%parallel_loop3A_238, %parallel_loop3A_239], %parallel_loop3A_234 : memref<32x128xf32, #tpu.memory_space<vmem>>[vector<16xi32>, vector<16xi32>], vector<16xf32>,
        } {sc.loop_unroll_factor = 8 : i64, sc.parallel_access}
        %add3A_168 = arith.addi %mul3A_2, %sub3A_112 : i32
        %shift_right_arithmetic3A = arith.constant 7 : i32
        %shift_right_arithmetic3A_169 = arith.shrsi %add3A_168, %shift_right_arithmetic3A : i32
        %shift_left3A = arith.constant 12 : i32
        %shift_left3A_170 = arith.shli %shift_right_arithmetic3A_169, %shift_left3A : i32
        %and3A_171 = arith.constant 127 : i32
        %and3A_172 = arith.andi %add3A_168, %and3A_171 : i32
        %shift_left3A_173 = arith.constant 3 : i32
        %shift_left3A_174 = arith.shli %and3A_172, %shift_left3A_173 : i32
        %add3A_175 = arith.addi %shift_left3A_170, %shift_left3A_174 : i32
        %multiple_of3A = tpu.assume_multiple %add3A_175, 8 : i32
        %add3A_176 = arith.constant 0 : i32
        %add3A_177 = arith.addi %multiple_of3A, %add3A_176 : i32
        %dma_start3A = arith.constant 0 : i32
        %dma_start3A_178 = arith.constant 0 : i32
        %dma_start3A_179 = tpu.memref_slice %arg15[%dma_start3A, %dma_start3A_178] : memref<32x128xf32, #tpu.memory_space<vmem>> -> memref<8x128xf32, #tpu.memory_space<vmem>>
        %dma_start3A_180 = arith.constant 0 : i32
        %dma_start3A_181 = tpu.memref_slice %arg4[%add3A_177, %dma_start3A_180] : memref<204800x128xf32, #tpu.memory_space<hbm>> -> memref<8x128xf32, #tpu.memory_space<hbm>>
        %dma_start3A_182 = arith.constant 0 : i32
        %dma_start3A_183 = tpu.memref_slice %arg4[%add3A_177, %dma_start3A_182] : memref<204800x128xf32, #tpu.memory_space<hbm>> -> memref<8x128xf32, #tpu.memory_space<hbm>>
        %dma_start3A_184 = arith.constant 0 : i32
        %dma_start3A_185 = arith.constant 0 : i32
        %dma_start3A_186 = tpu.memref_slice %arg15[%dma_start3A_184, %dma_start3A_185] : memref<32x128xf32, #tpu.memory_space<vmem>> -> memref<8x128xf32, #tpu.memory_space<vmem>>
        tpu.enqueue_dma source(%dma_start3A_186 : memref<8x128xf32, #tpu.memory_space<vmem>>) target(%dma_start3A_183 : memref<8x128xf32, #tpu.memory_space<hbm>>) target_semaphore(%arg25 : memref<!tpu.dma_semaphore, #tpu.memory_space<semaphore_mem>>)
        %add3A_187 = arith.constant 1024 : i32
        %add3A_188 = arith.addi %multiple_of3A, %add3A_187 : i32
        %dma_start3A_189 = arith.constant 8 : i32
        %dma_start3A_190 = arith.constant 0 : i32
        %dma_start3A_191 = tpu.memref_slice %arg15[%dma_start3A_189, %dma_start3A_190] : memref<32x128xf32, #tpu.memory_space<vmem>> -> memref<8x128xf32, #tpu.memory_space<vmem>>
        %dma_start3A_192 = arith.constant 0 : i32
        %dma_start3A_193 = tpu.memref_slice %arg4[%add3A_188, %dma_start3A_192] : memref<204800x128xf32, #tpu.memory_space<hbm>> -> memref<8x128xf32, #tpu.memory_space<hbm>>
        %dma_start3A_194 = arith.constant 0 : i32
        %dma_start3A_195 = tpu.memref_slice %arg4[%add3A_188, %dma_start3A_194] : memref<204800x128xf32, #tpu.memory_space<hbm>> -> memref<8x128xf32, #tpu.memory_space<hbm>>
        %dma_start3A_196 = arith.constant 8 : i32
        %dma_start3A_197 = arith.constant 0 : i32
        %dma_start3A_198 = tpu.memref_slice %arg15[%dma_start3A_196, %dma_start3A_197] : memref<32x128xf32, #tpu.memory_space<vmem>> -> memref<8x128xf32, #tpu.memory_space<vmem>>
        tpu.enqueue_dma source(%dma_start3A_198 : memref<8x128xf32, #tpu.memory_space<vmem>>) target(%dma_start3A_195 : memref<8x128xf32, #tpu.memory_space<hbm>>) target_semaphore(%arg25 : memref<!tpu.dma_semaphore, #tpu.memory_space<semaphore_mem>>)
        %add3A_199 = arith.constant 2048 : i32
        %add3A_200 = arith.addi %multiple_of3A, %add3A_199 : i32
        %dma_start3A_201 = arith.constant 16 : i32
        %dma_start3A_202 = arith.constant 0 : i32
        %dma_start3A_203 = tpu.memref_slice %arg15[%dma_start3A_201, %dma_start3A_202] : memref<32x128xf32, #tpu.memory_space<vmem>> -> memref<8x128xf32, #tpu.memory_space<vmem>>
        %dma_start3A_204 = arith.constant 0 : i32
        %dma_start3A_205 = tpu.memref_slice %arg4[%add3A_200, %dma_start3A_204] : memref<204800x128xf32, #tpu.memory_space<hbm>> -> memref<8x128xf32, #tpu.memory_space<hbm>>
        %dma_start3A_206 = arith.constant 0 : i32
        %dma_start3A_207 = tpu.memref_slice %arg4[%add3A_200, %dma_start3A_206] : memref<204800x128xf32, #tpu.memory_space<hbm>> -> memref<8x128xf32, #tpu.memory_space<hbm>>
        %dma_start3A_208 = arith.constant 16 : i32
        %dma_start3A_209 = arith.constant 0 : i32
        %dma_start3A_210 = tpu.memref_slice %arg15[%dma_start3A_208, %dma_start3A_209] : memref<32x128xf32, #tpu.memory_space<vmem>> -> memref<8x128xf32, #tpu.memory_space<vmem>>
        tpu.enqueue_dma source(%dma_start3A_210 : memref<8x128xf32, #tpu.memory_space<vmem>>) target(%dma_start3A_207 : memref<8x128xf32, #tpu.memory_space<hbm>>) target_semaphore(%arg25 : memref<!tpu.dma_semaphore, #tpu.memory_space<semaphore_mem>>)
        %add3A_211 = arith.constant 3072 : i32
        %add3A_212 = arith.addi %multiple_of3A, %add3A_211 : i32
        %dma_start3A_213 = arith.constant 24 : i32
        %dma_start3A_214 = arith.constant 0 : i32
        %dma_start3A_215 = tpu.memref_slice %arg15[%dma_start3A_213, %dma_start3A_214] : memref<32x128xf32, #tpu.memory_space<vmem>> -> memref<8x128xf32, #tpu.memory_space<vmem>>
        %dma_start3A_216 = arith.constant 0 : i32
        %dma_start3A_217 = tpu.memref_slice %arg4[%add3A_212, %dma_start3A_216] : memref<204800x128xf32, #tpu.memory_space<hbm>> -> memref<8x128xf32, #tpu.memory_space<hbm>>
        %dma_start3A_218 = arith.constant 0 : i32
        %dma_start3A_219 = tpu.memref_slice %arg4[%add3A_212, %dma_start3A_218] : memref<204800x128xf32, #tpu.memory_space<hbm>> -> memref<8x128xf32, #tpu.memory_space<hbm>>
        %dma_start3A_220 = arith.constant 24 : i32
        %dma_start3A_221 = arith.constant 0 : i32
        %dma_start3A_222 = tpu.memref_slice %arg15[%dma_start3A_220, %dma_start3A_221] : memref<32x128xf32, #tpu.memory_space<vmem>> -> memref<8x128xf32, #tpu.memory_space<vmem>>
        tpu.enqueue_dma source(%dma_start3A_222 : memref<8x128xf32, #tpu.memory_space<vmem>>) target(%dma_start3A_219 : memref<8x128xf32, #tpu.memory_space<hbm>>) target_semaphore(%arg25 : memref<!tpu.dma_semaphore, #tpu.memory_space<semaphore_mem>>)
      } else {
      }
      %add3A_121 = arith.constant 6 : i32
      %add3A_122 = arith.addi %add3A_24, %add3A_121 : i32
      %lt3A_123 = arith.constant 200 : i32
      %lt3A_124 = arith.cmpi slt, %add3A_122, %lt3A_123 : i32
      %convert_element_type3A_125 = arith.extui %lt3A_124 : i1 to i32
      %cond3A_126 = arith.constant 0 : i32
      %cond3A_127 = arith.cmpi ne, %convert_element_type3A_125, %cond3A_126 : i32
      scf.if %cond3A_127 {
        %mul3A_155 = arith.constant 128 : i32
        %mul3A_156 = arith.muli %add3A_122, %mul3A_155 : i32
        %multiple_of3A = tpu.assume_multiple %mul3A_156, 128 : i32
        %dma_start3A = tpu.memref_slice %arg5[%multiple_of3A] : memref<25600xi32, #tpu.memory_space<vmem>> -> memref<128xi32, #tpu.memory_space<vmem>>
        %dma_start3A_157 = arith.constant 0 : i32
        %dma_start3A_158 = arith.constant 0 : i32
        %dma_start3A_159 = tpu.memref_slice %arg3[%dma_start3A_157, %dma_start3A_158] : memref<1000000x32xf32, #tpu.memory_space<hbm>> -> memref<1000000x32xf32, #tpu.memory_space<hbm>>
        tpu.enqueue_indirect_dma source(%dma_start3A_159 : memref<1000000x32xf32, #tpu.memory_space<hbm>>) target(%arg12 : memref<128x32xf32, #tpu.memory_space<vmem>>) offsets(%dma_start3A : memref<128xi32, #tpu.memory_space<vmem>>) semaphore(%arg22 : memref<!tpu.dma_semaphore, #tpu.memory_space<semaphore_mem>>)
      } else {
      }
      %sub3A_128 = arith.constant 6 : i32
      %sub3A_129 = arith.subi %add3A_122, %sub3A_128 : i32
      %ge3A_130 = arith.constant 0 : i32
      %ge3A_131 = arith.cmpi sge, %sub3A_129, %ge3A_130 : i32
      %lt3A_132 = arith.constant 200 : i32
      %lt3A_133 = arith.cmpi slt, %sub3A_129, %lt3A_132 : i32
      %and3A_134 = arith.andi %ge3A_131, %lt3A_133 : i1
      %convert_element_type3A_135 = arith.extui %and3A_134 : i1 to i32
      %cond3A_136 = arith.constant 0 : i32
      %cond3A_137 = arith.cmpi ne, %convert_element_type3A_135, %cond3A_136 : i32
      scf.if %cond3A_137 {
        %dma_wait3A_155 = arith.constant 0 : i32
        %dma_wait3A_156 = arith.constant 0 : i32
        %dma_wait3A_157 = tpu.memref_slice %arg3[%dma_wait3A_155, %dma_wait3A_156] : memref<1000000x32xf32, #tpu.memory_space<hbm>> -> memref<128x32xf32, #tpu.memory_space<hbm>>
        %dma_wait3A_158 = arith.constant 0 : i32
        %dma_wait3A_159 = arith.constant 0 : i32
        %dma_wait3A_160 = tpu.memref_slice %arg3[%dma_wait3A_158, %dma_wait3A_159] : memref<1000000x32xf32, #tpu.memory_space<hbm>> -> memref<128x32xf32, #tpu.memory_space<hbm>>
        tpu.wait_dma2 semaphore(%arg16 : memref<!tpu.dma_semaphore, #tpu.memory_space<semaphore_mem>>) src(%dma_wait3A_160 : memref<128x32xf32, #tpu.memory_space<hbm>>) dst(%arg6 : memref<128x32xf32, #tpu.memory_space<vmem>>)
        %ge3A_161 = arith.constant 2 : i32
        %ge3A_162 = arith.cmpi sge, %sub3A_129, %ge3A_161 : i32
        %convert_element_type3A_163 = arith.extui %ge3A_162 : i1 to i32
        %cond3A_164 = arith.constant 0 : i32
        %cond3A_165 = arith.cmpi ne, %convert_element_type3A_163, %cond3A_164 : i32
        scf.if %cond3A_165 {
          %dma_wait3A_223 = arith.constant 0 : i32
          %dma_wait3A_224 = arith.constant 0 : i32
          %dma_wait3A_225 = tpu.memref_slice %arg4[%dma_wait3A_223, %dma_wait3A_224] : memref<204800x128xf32, #tpu.memory_space<hbm>> -> memref<32x128xf32, #tpu.memory_space<hbm>>
          %dma_wait3A_226 = arith.constant 0 : i32
          %dma_wait3A_227 = arith.constant 0 : i32
          %dma_wait3A_228 = tpu.memref_slice %arg4[%dma_wait3A_226, %dma_wait3A_227] : memref<204800x128xf32, #tpu.memory_space<hbm>> -> memref<32x128xf32, #tpu.memory_space<hbm>>
          tpu.wait_dma2 semaphore(%arg24 : memref<!tpu.dma_semaphore, #tpu.memory_space<semaphore_mem>>) src(%arg14 : memref<32x128xf32, #tpu.memory_space<vmem>>) dst(%dma_wait3A_228 : memref<32x128xf32, #tpu.memory_space<hbm>>)
        } else {
        }
        %parallel_loop3A = arith.constant 0 : i32
        %parallel_loop3A_166 = arith.constant 128 : i32
        %parallel_loop3A_167 = arith.constant 1 : i32
        scf.for %parallel_loop3A_223 = %parallel_loop3A to %parallel_loop3A_166 step %parallel_loop3A_167  : i32 {
          %parallel_loop3A_224 = arith.index_cast %parallel_loop3A_223 : i32 to index
          %parallel_loop3A_225 = arith.constant 0 : index
          %parallel_loop3A_226 = tpu.vector_load %arg6[%parallel_loop3A_224, %parallel_loop3A_225] {strides = array<i32>} : memref<128x32xf32, #tpu.memory_space<vmem>>, vector<16xf32>,
          %parallel_loop3A_227 = tpu.iota {dimensions = array<i32: 0>} : vector<16xi32>
          %parallel_loop3A_228 = arith.constant 0 : i32
          %parallel_loop3A_229 = vector.broadcast %parallel_loop3A_228 : i32 to vector<16xi32>
          %parallel_loop3A_230 = arith.addi %parallel_loop3A_227, %parallel_loop3A_229 : vector<16xi32>
          %parallel_loop3A_231 = vector.broadcast %parallel_loop3A_223 : i32 to vector<16xi32>
          tpu.vector_store_idx %arg14[%parallel_loop3A_230, %parallel_loop3A_231], %parallel_loop3A_226 : memref<32x128xf32, #tpu.memory_space<vmem>>[vector<16xi32>, vector<16xi32>], vector<16xf32>,
          %parallel_loop3A_232 = arith.index_cast %parallel_loop3A_223 : i32 to index
          %parallel_loop3A_233 = arith.constant 16 : index
          %parallel_loop3A_234 = tpu.vector_load %arg6[%parallel_loop3A_232, %parallel_loop3A_233] {strides = array<i32>} : memref<128x32xf32, #tpu.memory_space<vmem>>, vector<16xf32>,
          %parallel_loop3A_235 = tpu.iota {dimensions = array<i32: 0>} : vector<16xi32>
          %parallel_loop3A_236 = arith.constant 16 : i32
          %parallel_loop3A_237 = vector.broadcast %parallel_loop3A_236 : i32 to vector<16xi32>
          %parallel_loop3A_238 = arith.addi %parallel_loop3A_235, %parallel_loop3A_237 : vector<16xi32>
          %parallel_loop3A_239 = vector.broadcast %parallel_loop3A_223 : i32 to vector<16xi32>
          tpu.vector_store_idx %arg14[%parallel_loop3A_238, %parallel_loop3A_239], %parallel_loop3A_234 : memref<32x128xf32, #tpu.memory_space<vmem>>[vector<16xi32>, vector<16xi32>], vector<16xf32>,
        } {sc.loop_unroll_factor = 8 : i64, sc.parallel_access}
        %add3A_168 = arith.addi %mul3A_2, %sub3A_129 : i32
        %shift_right_arithmetic3A = arith.constant 7 : i32
        %shift_right_arithmetic3A_169 = arith.shrsi %add3A_168, %shift_right_arithmetic3A : i32
        %shift_left3A = arith.constant 12 : i32
        %shift_left3A_170 = arith.shli %shift_right_arithmetic3A_169, %shift_left3A : i32
        %and3A_171 = arith.constant 127 : i32
        %and3A_172 = arith.andi %add3A_168, %and3A_171 : i32
        %shift_left3A_173 = arith.constant 3 : i32
        %shift_left3A_174 = arith.shli %and3A_172, %shift_left3A_173 : i32
        %add3A_175 = arith.addi %shift_left3A_170, %shift_left3A_174 : i32
        %multiple_of3A = tpu.assume_multiple %add3A_175, 8 : i32
        %add3A_176 = arith.constant 0 : i32
        %add3A_177 = arith.addi %multiple_of3A, %add3A_176 : i32
        %dma_start3A = arith.constant 0 : i32
        %dma_start3A_178 = arith.constant 0 : i32
        %dma_start3A_179 = tpu.memref_slice %arg14[%dma_start3A, %dma_start3A_178] : memref<32x128xf32, #tpu.memory_space<vmem>> -> memref<8x128xf32, #tpu.memory_space<vmem>>
        %dma_start3A_180 = arith.constant 0 : i32
        %dma_start3A_181 = tpu.memref_slice %arg4[%add3A_177, %dma_start3A_180] : memref<204800x128xf32, #tpu.memory_space<hbm>> -> memref<8x128xf32, #tpu.memory_space<hbm>>
        %dma_start3A_182 = arith.constant 0 : i32
        %dma_start3A_183 = tpu.memref_slice %arg4[%add3A_177, %dma_start3A_182] : memref<204800x128xf32, #tpu.memory_space<hbm>> -> memref<8x128xf32, #tpu.memory_space<hbm>>
        %dma_start3A_184 = arith.constant 0 : i32
        %dma_start3A_185 = arith.constant 0 : i32
        %dma_start3A_186 = tpu.memref_slice %arg14[%dma_start3A_184, %dma_start3A_185] : memref<32x128xf32, #tpu.memory_space<vmem>> -> memref<8x128xf32, #tpu.memory_space<vmem>>
        tpu.enqueue_dma source(%dma_start3A_186 : memref<8x128xf32, #tpu.memory_space<vmem>>) target(%dma_start3A_183 : memref<8x128xf32, #tpu.memory_space<hbm>>) target_semaphore(%arg24 : memref<!tpu.dma_semaphore, #tpu.memory_space<semaphore_mem>>)
        %add3A_187 = arith.constant 1024 : i32
        %add3A_188 = arith.addi %multiple_of3A, %add3A_187 : i32
        %dma_start3A_189 = arith.constant 8 : i32
        %dma_start3A_190 = arith.constant 0 : i32
        %dma_start3A_191 = tpu.memref_slice %arg14[%dma_start3A_189, %dma_start3A_190] : memref<32x128xf32, #tpu.memory_space<vmem>> -> memref<8x128xf32, #tpu.memory_space<vmem>>
        %dma_start3A_192 = arith.constant 0 : i32
        %dma_start3A_193 = tpu.memref_slice %arg4[%add3A_188, %dma_start3A_192] : memref<204800x128xf32, #tpu.memory_space<hbm>> -> memref<8x128xf32, #tpu.memory_space<hbm>>
        %dma_start3A_194 = arith.constant 0 : i32
        %dma_start3A_195 = tpu.memref_slice %arg4[%add3A_188, %dma_start3A_194] : memref<204800x128xf32, #tpu.memory_space<hbm>> -> memref<8x128xf32, #tpu.memory_space<hbm>>
        %dma_start3A_196 = arith.constant 8 : i32
        %dma_start3A_197 = arith.constant 0 : i32
        %dma_start3A_198 = tpu.memref_slice %arg14[%dma_start3A_196, %dma_start3A_197] : memref<32x128xf32, #tpu.memory_space<vmem>> -> memref<8x128xf32, #tpu.memory_space<vmem>>
        tpu.enqueue_dma source(%dma_start3A_198 : memref<8x128xf32, #tpu.memory_space<vmem>>) target(%dma_start3A_195 : memref<8x128xf32, #tpu.memory_space<hbm>>) target_semaphore(%arg24 : memref<!tpu.dma_semaphore, #tpu.memory_space<semaphore_mem>>)
        %add3A_199 = arith.constant 2048 : i32
        %add3A_200 = arith.addi %multiple_of3A, %add3A_199 : i32
        %dma_start3A_201 = arith.constant 16 : i32
        %dma_start3A_202 = arith.constant 0 : i32
        %dma_start3A_203 = tpu.memref_slice %arg14[%dma_start3A_201, %dma_start3A_202] : memref<32x128xf32, #tpu.memory_space<vmem>> -> memref<8x128xf32, #tpu.memory_space<vmem>>
        %dma_start3A_204 = arith.constant 0 : i32
        %dma_start3A_205 = tpu.memref_slice %arg4[%add3A_200, %dma_start3A_204] : memref<204800x128xf32, #tpu.memory_space<hbm>> -> memref<8x128xf32, #tpu.memory_space<hbm>>
        %dma_start3A_206 = arith.constant 0 : i32
        %dma_start3A_207 = tpu.memref_slice %arg4[%add3A_200, %dma_start3A_206] : memref<204800x128xf32, #tpu.memory_space<hbm>> -> memref<8x128xf32, #tpu.memory_space<hbm>>
        %dma_start3A_208 = arith.constant 16 : i32
        %dma_start3A_209 = arith.constant 0 : i32
        %dma_start3A_210 = tpu.memref_slice %arg14[%dma_start3A_208, %dma_start3A_209] : memref<32x128xf32, #tpu.memory_space<vmem>> -> memref<8x128xf32, #tpu.memory_space<vmem>>
        tpu.enqueue_dma source(%dma_start3A_210 : memref<8x128xf32, #tpu.memory_space<vmem>>) target(%dma_start3A_207 : memref<8x128xf32, #tpu.memory_space<hbm>>) target_semaphore(%arg24 : memref<!tpu.dma_semaphore, #tpu.memory_space<semaphore_mem>>)
        %add3A_211 = arith.constant 3072 : i32
        %add3A_212 = arith.addi %multiple_of3A, %add3A_211 : i32
        %dma_start3A_213 = arith.constant 24 : i32
        %dma_start3A_214 = arith.constant 0 : i32
        %dma_start3A_215 = tpu.memref_slice %arg14[%dma_start3A_213, %dma_start3A_214] : memref<32x128xf32, #tpu.memory_space<vmem>> -> memref<8x128xf32, #tpu.memory_space<vmem>>
        %dma_start3A_216 = arith.constant 0 : i32
        %dma_start3A_217 = tpu.memref_slice %arg4[%add3A_212, %dma_start3A_216] : memref<204800x128xf32, #tpu.memory_space<hbm>> -> memref<8x128xf32, #tpu.memory_space<hbm>>
        %dma_start3A_218 = arith.constant 0 : i32
        %dma_start3A_219 = tpu.memref_slice %arg4[%add3A_212, %dma_start3A_218] : memref<204800x128xf32, #tpu.memory_space<hbm>> -> memref<8x128xf32, #tpu.memory_space<hbm>>
        %dma_start3A_220 = arith.constant 24 : i32
        %dma_start3A_221 = arith.constant 0 : i32
        %dma_start3A_222 = tpu.memref_slice %arg14[%dma_start3A_220, %dma_start3A_221] : memref<32x128xf32, #tpu.memory_space<vmem>> -> memref<8x128xf32, #tpu.memory_space<vmem>>
        tpu.enqueue_dma source(%dma_start3A_222 : memref<8x128xf32, #tpu.memory_space<vmem>>) target(%dma_start3A_219 : memref<8x128xf32, #tpu.memory_space<hbm>>) target_semaphore(%arg24 : memref<!tpu.dma_semaphore, #tpu.memory_space<semaphore_mem>>)
      } else {
      }
      %add3A_138 = arith.constant 7 : i32
      %add3A_139 = arith.addi %add3A_24, %add3A_138 : i32
      %lt3A_140 = arith.constant 200 : i32
      %lt3A_141 = arith.cmpi slt, %add3A_139, %lt3A_140 : i32
      %convert_element_type3A_142 = arith.extui %lt3A_141 : i1 to i32
      %cond3A_143 = arith.constant 0 : i32
      %cond3A_144 = arith.cmpi ne, %convert_element_type3A_142, %cond3A_143 : i32
      scf.if %cond3A_144 {
        %mul3A_155 = arith.constant 128 : i32
        %mul3A_156 = arith.muli %add3A_139, %mul3A_155 : i32
        %multiple_of3A = tpu.assume_multiple %mul3A_156, 128 : i32
        %dma_start3A = tpu.memref_slice %arg5[%multiple_of3A] : memref<25600xi32, #tpu.memory_space<vmem>> -> memref<128xi32, #tpu.memory_space<vmem>>
        %dma_start3A_157 = arith.constant 0 : i32
        %dma_start3A_158 = arith.constant 0 : i32
        %dma_start3A_159 = tpu.memref_slice %arg3[%dma_start3A_157, %dma_start3A_158] : memref<1000000x32xf32, #tpu.memory_space<hbm>> -> memref<1000000x32xf32, #tpu.memory_space<hbm>>
        tpu.enqueue_indirect_dma source(%dma_start3A_159 : memref<1000000x32xf32, #tpu.memory_space<hbm>>) target(%arg13 : memref<128x32xf32, #tpu.memory_space<vmem>>) offsets(%dma_start3A : memref<128xi32, #tpu.memory_space<vmem>>) semaphore(%arg23 : memref<!tpu.dma_semaphore, #tpu.memory_space<semaphore_mem>>)
      } else {
      }
      %sub3A_145 = arith.constant 6 : i32
      %sub3A_146 = arith.subi %add3A_139, %sub3A_145 : i32
      %ge3A_147 = arith.constant 0 : i32
      %ge3A_148 = arith.cmpi sge, %sub3A_146, %ge3A_147 : i32
      %lt3A_149 = arith.constant 200 : i32
      %lt3A_150 = arith.cmpi slt, %sub3A_146, %lt3A_149 : i32
      %and3A_151 = arith.andi %ge3A_148, %lt3A_150 : i1
      %convert_element_type3A_152 = arith.extui %and3A_151 : i1 to i32
      %cond3A_153 = arith.constant 0 : i32
      %cond3A_154 = arith.cmpi ne, %convert_element_type3A_152, %cond3A_153 : i32
      scf.if %cond3A_154 {
        %dma_wait3A_155 = arith.constant 0 : i32
        %dma_wait3A_156 = arith.constant 0 : i32
        %dma_wait3A_157 = tpu.memref_slice %arg3[%dma_wait3A_155, %dma_wait3A_156] : memref<1000000x32xf32, #tpu.memory_space<hbm>> -> memref<128x32xf32, #tpu.memory_space<hbm>>
        %dma_wait3A_158 = arith.constant 0 : i32
        %dma_wait3A_159 = arith.constant 0 : i32
        %dma_wait3A_160 = tpu.memref_slice %arg3[%dma_wait3A_158, %dma_wait3A_159] : memref<1000000x32xf32, #tpu.memory_space<hbm>> -> memref<128x32xf32, #tpu.memory_space<hbm>>
        tpu.wait_dma2 semaphore(%arg17 : memref<!tpu.dma_semaphore, #tpu.memory_space<semaphore_mem>>) src(%dma_wait3A_160 : memref<128x32xf32, #tpu.memory_space<hbm>>) dst(%arg7 : memref<128x32xf32, #tpu.memory_space<vmem>>)
        %ge3A_161 = arith.constant 2 : i32
        %ge3A_162 = arith.cmpi sge, %sub3A_146, %ge3A_161 : i32
        %convert_element_type3A_163 = arith.extui %ge3A_162 : i1 to i32
        %cond3A_164 = arith.constant 0 : i32
        %cond3A_165 = arith.cmpi ne, %convert_element_type3A_163, %cond3A_164 : i32
        scf.if %cond3A_165 {
          %dma_wait3A_223 = arith.constant 0 : i32
          %dma_wait3A_224 = arith.constant 0 : i32
          %dma_wait3A_225 = tpu.memref_slice %arg4[%dma_wait3A_223, %dma_wait3A_224] : memref<204800x128xf32, #tpu.memory_space<hbm>> -> memref<32x128xf32, #tpu.memory_space<hbm>>
          %dma_wait3A_226 = arith.constant 0 : i32
          %dma_wait3A_227 = arith.constant 0 : i32
          %dma_wait3A_228 = tpu.memref_slice %arg4[%dma_wait3A_226, %dma_wait3A_227] : memref<204800x128xf32, #tpu.memory_space<hbm>> -> memref<32x128xf32, #tpu.memory_space<hbm>>
          tpu.wait_dma2 semaphore(%arg25 : memref<!tpu.dma_semaphore, #tpu.memory_space<semaphore_mem>>) src(%arg15 : memref<32x128xf32, #tpu.memory_space<vmem>>) dst(%dma_wait3A_228 : memref<32x128xf32, #tpu.memory_space<hbm>>)
        } else {
        }
        %parallel_loop3A = arith.constant 0 : i32
        %parallel_loop3A_166 = arith.constant 128 : i32
        %parallel_loop3A_167 = arith.constant 1 : i32
        scf.for %parallel_loop3A_223 = %parallel_loop3A to %parallel_loop3A_166 step %parallel_loop3A_167  : i32 {
          %parallel_loop3A_224 = arith.index_cast %parallel_loop3A_223 : i32 to index
          %parallel_loop3A_225 = arith.constant 0 : index
          %parallel_loop3A_226 = tpu.vector_load %arg7[%parallel_loop3A_224, %parallel_loop3A_225] {strides = array<i32>} : memref<128x32xf32, #tpu.memory_space<vmem>>, vector<16xf32>,
          %parallel_loop3A_227 = tpu.iota {dimensions = array<i32: 0>} : vector<16xi32>
          %parallel_loop3A_228 = arith.constant 0 : i32
          %parallel_loop3A_229 = vector.broadcast %parallel_loop3A_228 : i32 to vector<16xi32>
          %parallel_loop3A_230 = arith.addi %parallel_loop3A_227, %parallel_loop3A_229 : vector<16xi32>
          %parallel_loop3A_231 = vector.broadcast %parallel_loop3A_223 : i32 to vector<16xi32>
          tpu.vector_store_idx %arg15[%parallel_loop3A_230, %parallel_loop3A_231], %parallel_loop3A_226 : memref<32x128xf32, #tpu.memory_space<vmem>>[vector<16xi32>, vector<16xi32>], vector<16xf32>,
          %parallel_loop3A_232 = arith.index_cast %parallel_loop3A_223 : i32 to index
          %parallel_loop3A_233 = arith.constant 16 : index
          %parallel_loop3A_234 = tpu.vector_load %arg7[%parallel_loop3A_232, %parallel_loop3A_233] {strides = array<i32>} : memref<128x32xf32, #tpu.memory_space<vmem>>, vector<16xf32>,
          %parallel_loop3A_235 = tpu.iota {dimensions = array<i32: 0>} : vector<16xi32>
          %parallel_loop3A_236 = arith.constant 16 : i32
          %parallel_loop3A_237 = vector.broadcast %parallel_loop3A_236 : i32 to vector<16xi32>
          %parallel_loop3A_238 = arith.addi %parallel_loop3A_235, %parallel_loop3A_237 : vector<16xi32>
          %parallel_loop3A_239 = vector.broadcast %parallel_loop3A_223 : i32 to vector<16xi32>
          tpu.vector_store_idx %arg15[%parallel_loop3A_238, %parallel_loop3A_239], %parallel_loop3A_234 : memref<32x128xf32, #tpu.memory_space<vmem>>[vector<16xi32>, vector<16xi32>], vector<16xf32>,
        } {sc.loop_unroll_factor = 8 : i64, sc.parallel_access}
        %add3A_168 = arith.addi %mul3A_2, %sub3A_146 : i32
        %shift_right_arithmetic3A = arith.constant 7 : i32
        %shift_right_arithmetic3A_169 = arith.shrsi %add3A_168, %shift_right_arithmetic3A : i32
        %shift_left3A = arith.constant 12 : i32
        %shift_left3A_170 = arith.shli %shift_right_arithmetic3A_169, %shift_left3A : i32
        %and3A_171 = arith.constant 127 : i32
        %and3A_172 = arith.andi %add3A_168, %and3A_171 : i32
        %shift_left3A_173 = arith.constant 3 : i32
        %shift_left3A_174 = arith.shli %and3A_172, %shift_left3A_173 : i32
        %add3A_175 = arith.addi %shift_left3A_170, %shift_left3A_174 : i32
        %multiple_of3A = tpu.assume_multiple %add3A_175, 8 : i32
        %add3A_176 = arith.constant 0 : i32
        %add3A_177 = arith.addi %multiple_of3A, %add3A_176 : i32
        %dma_start3A = arith.constant 0 : i32
        %dma_start3A_178 = arith.constant 0 : i32
        %dma_start3A_179 = tpu.memref_slice %arg15[%dma_start3A, %dma_start3A_178] : memref<32x128xf32, #tpu.memory_space<vmem>> -> memref<8x128xf32, #tpu.memory_space<vmem>>
        %dma_start3A_180 = arith.constant 0 : i32
        %dma_start3A_181 = tpu.memref_slice %arg4[%add3A_177, %dma_start3A_180] : memref<204800x128xf32, #tpu.memory_space<hbm>> -> memref<8x128xf32, #tpu.memory_space<hbm>>
        %dma_start3A_182 = arith.constant 0 : i32
        %dma_start3A_183 = tpu.memref_slice %arg4[%add3A_177, %dma_start3A_182] : memref<204800x128xf32, #tpu.memory_space<hbm>> -> memref<8x128xf32, #tpu.memory_space<hbm>>
        %dma_start3A_184 = arith.constant 0 : i32
        %dma_start3A_185 = arith.constant 0 : i32
        %dma_start3A_186 = tpu.memref_slice %arg15[%dma_start3A_184, %dma_start3A_185] : memref<32x128xf32, #tpu.memory_space<vmem>> -> memref<8x128xf32, #tpu.memory_space<vmem>>
        tpu.enqueue_dma source(%dma_start3A_186 : memref<8x128xf32, #tpu.memory_space<vmem>>) target(%dma_start3A_183 : memref<8x128xf32, #tpu.memory_space<hbm>>) target_semaphore(%arg25 : memref<!tpu.dma_semaphore, #tpu.memory_space<semaphore_mem>>)
        %add3A_187 = arith.constant 1024 : i32
        %add3A_188 = arith.addi %multiple_of3A, %add3A_187 : i32
        %dma_start3A_189 = arith.constant 8 : i32
        %dma_start3A_190 = arith.constant 0 : i32
        %dma_start3A_191 = tpu.memref_slice %arg15[%dma_start3A_189, %dma_start3A_190] : memref<32x128xf32, #tpu.memory_space<vmem>> -> memref<8x128xf32, #tpu.memory_space<vmem>>
        %dma_start3A_192 = arith.constant 0 : i32
        %dma_start3A_193 = tpu.memref_slice %arg4[%add3A_188, %dma_start3A_192] : memref<204800x128xf32, #tpu.memory_space<hbm>> -> memref<8x128xf32, #tpu.memory_space<hbm>>
        %dma_start3A_194 = arith.constant 0 : i32
        %dma_start3A_195 = tpu.memref_slice %arg4[%add3A_188, %dma_start3A_194] : memref<204800x128xf32, #tpu.memory_space<hbm>> -> memref<8x128xf32, #tpu.memory_space<hbm>>
        %dma_start3A_196 = arith.constant 8 : i32
        %dma_start3A_197 = arith.constant 0 : i32
        %dma_start3A_198 = tpu.memref_slice %arg15[%dma_start3A_196, %dma_start3A_197] : memref<32x128xf32, #tpu.memory_space<vmem>> -> memref<8x128xf32, #tpu.memory_space<vmem>>
        tpu.enqueue_dma source(%dma_start3A_198 : memref<8x128xf32, #tpu.memory_space<vmem>>) target(%dma_start3A_195 : memref<8x128xf32, #tpu.memory_space<hbm>>) target_semaphore(%arg25 : memref<!tpu.dma_semaphore, #tpu.memory_space<semaphore_mem>>)
        %add3A_199 = arith.constant 2048 : i32
        %add3A_200 = arith.addi %multiple_of3A, %add3A_199 : i32
        %dma_start3A_201 = arith.constant 16 : i32
        %dma_start3A_202 = arith.constant 0 : i32
        %dma_start3A_203 = tpu.memref_slice %arg15[%dma_start3A_201, %dma_start3A_202] : memref<32x128xf32, #tpu.memory_space<vmem>> -> memref<8x128xf32, #tpu.memory_space<vmem>>
        %dma_start3A_204 = arith.constant 0 : i32
        %dma_start3A_205 = tpu.memref_slice %arg4[%add3A_200, %dma_start3A_204] : memref<204800x128xf32, #tpu.memory_space<hbm>> -> memref<8x128xf32, #tpu.memory_space<hbm>>
        %dma_start3A_206 = arith.constant 0 : i32
        %dma_start3A_207 = tpu.memref_slice %arg4[%add3A_200, %dma_start3A_206] : memref<204800x128xf32, #tpu.memory_space<hbm>> -> memref<8x128xf32, #tpu.memory_space<hbm>>
        %dma_start3A_208 = arith.constant 16 : i32
        %dma_start3A_209 = arith.constant 0 : i32
        %dma_start3A_210 = tpu.memref_slice %arg15[%dma_start3A_208, %dma_start3A_209] : memref<32x128xf32, #tpu.memory_space<vmem>> -> memref<8x128xf32, #tpu.memory_space<vmem>>
        tpu.enqueue_dma source(%dma_start3A_210 : memref<8x128xf32, #tpu.memory_space<vmem>>) target(%dma_start3A_207 : memref<8x128xf32, #tpu.memory_space<hbm>>) target_semaphore(%arg25 : memref<!tpu.dma_semaphore, #tpu.memory_space<semaphore_mem>>)
        %add3A_211 = arith.constant 3072 : i32
        %add3A_212 = arith.addi %multiple_of3A, %add3A_211 : i32
        %dma_start3A_213 = arith.constant 24 : i32
        %dma_start3A_214 = arith.constant 0 : i32
        %dma_start3A_215 = tpu.memref_slice %arg15[%dma_start3A_213, %dma_start3A_214] : memref<32x128xf32, #tpu.memory_space<vmem>> -> memref<8x128xf32, #tpu.memory_space<vmem>>
        %dma_start3A_216 = arith.constant 0 : i32
        %dma_start3A_217 = tpu.memref_slice %arg4[%add3A_212, %dma_start3A_216] : memref<204800x128xf32, #tpu.memory_space<hbm>> -> memref<8x128xf32, #tpu.memory_space<hbm>>
        %dma_start3A_218 = arith.constant 0 : i32
        %dma_start3A_219 = tpu.memref_slice %arg4[%add3A_212, %dma_start3A_218] : memref<204800x128xf32, #tpu.memory_space<hbm>> -> memref<8x128xf32, #tpu.memory_space<hbm>>
        %dma_start3A_220 = arith.constant 24 : i32
        %dma_start3A_221 = arith.constant 0 : i32
        %dma_start3A_222 = tpu.memref_slice %arg15[%dma_start3A_220, %dma_start3A_221] : memref<32x128xf32, #tpu.memory_space<vmem>> -> memref<8x128xf32, #tpu.memory_space<vmem>>
        tpu.enqueue_dma source(%dma_start3A_222 : memref<8x128xf32, #tpu.memory_space<vmem>>) target(%dma_start3A_219 : memref<8x128xf32, #tpu.memory_space<hbm>>) target_semaphore(%arg25 : memref<!tpu.dma_semaphore, #tpu.memory_space<semaphore_mem>>)
      } else {
      }
    }
    %scan3A_8 = arith.constant 26 : i32
    %dma_wait3A = arith.constant 0 : i32
    %dma_wait3A_9 = arith.constant 0 : i32
    %dma_wait3A_10 = tpu.memref_slice %arg4[%dma_wait3A, %dma_wait3A_9] : memref<204800x128xf32, #tpu.memory_space<hbm>> -> memref<32x128xf32, #tpu.memory_space<hbm>>
    %dma_wait3A_11 = arith.constant 0 : i32
    %dma_wait3A_12 = arith.constant 0 : i32
    %dma_wait3A_13 = tpu.memref_slice %arg4[%dma_wait3A_11, %dma_wait3A_12] : memref<204800x128xf32, #tpu.memory_space<hbm>> -> memref<32x128xf32, #tpu.memory_space<hbm>>
    tpu.wait_dma2 semaphore(%arg24 : memref<!tpu.dma_semaphore, #tpu.memory_space<semaphore_mem>>) src(%arg14 : memref<32x128xf32, #tpu.memory_space<vmem>>) dst(%dma_wait3A_13 : memref<32x128xf32, #tpu.memory_space<hbm>>)
    %dma_wait3A_14 = arith.constant 0 : i32
    %dma_wait3A_15 = arith.constant 0 : i32
    %dma_wait3A_16 = tpu.memref_slice %arg4[%dma_wait3A_14, %dma_wait3A_15] : memref<204800x128xf32, #tpu.memory_space<hbm>> -> memref<32x128xf32, #tpu.memory_space<hbm>>
    %dma_wait3A_17 = arith.constant 0 : i32
    %dma_wait3A_18 = arith.constant 0 : i32
    %dma_wait3A_19 = tpu.memref_slice %arg4[%dma_wait3A_17, %dma_wait3A_18] : memref<204800x128xf32, #tpu.memory_space<hbm>> -> memref<32x128xf32, #tpu.memory_space<hbm>>
    tpu.wait_dma2 semaphore(%arg25 : memref<!tpu.dma_semaphore, #tpu.memory_space<semaphore_mem>>) src(%arg15 : memref<32x128xf32, #tpu.memory_space<vmem>>) dst(%dma_wait3A_19 : memref<32x128xf32, #tpu.memory_space<hbm>>)
    return
  }
}

</mosaic_0001>

<sc_bundles>
// kernel: kernel.3.cloned.1.call-start
scs
__scs_entry_jumppad:
0x0: {  	(pc) =	sbr.rel $0x88, $3  }
0x1: {  	(tag) =	ssettag $0x0;
	lr =	simm.s32 $0x1  }
0x2: {  	[smem:$0x3F9F] =	sst lr;
	_ =	strace $0xD0000000  }
0x3: {  	_ = 	snop  }
0x4: {  	_ = 	snop  }
0x5: {  	_ = 	snop  }
0x6: {  	_ = 	snop  }
0x7: {  	_ = 	snop  }
__scs_overlays_trampoline_lowered:
0x8: {  	[smem:$0x3FAE] =	sst s0  }
0x9: {  	[smem:$0x3FAF] =	sst s1  }
0xa: {  	[smem:$0x3FB0] =	sst s2  }
0xb: {  	[smem:$0x3FB1] =	sst s3  }
0xc: {  	[smem:$0x3FB2] =	sst s4  }
0xd: {  	[smem:$0x3FB3] =	sst s5  }
0xe: {  	[smem:$0x3FB4] =	sst s6  }
0xf: {  	[smem:$0x3FB5] =	sst s7  }
0x10: {  	[smem:$0x3FB6] =	sst s8  }
0x11: {  	[smem:$0x3FB7] =	sst s9;
	s0 =	simm.s32 @!p0 $0x0  }
0x12: {  	s1 =	sld [smem:$0x3F9D];
	s0 =	simm.s32 @p0 $0x1  }
0x13: {  	[smem:$0x3FB8] =	sst s0;
	s0 =	simm.s32 @!p1 $0x0  }
0x14: {  	s2 =	sld [smem:$0x3F9C];
	s0 =	simm.s32 @p1 $0x1  }
0x15: {  	[smem:$0x3FB9] =	sst s0;
	s0 =	simm.s32 @!p2 $0x0  }
0x16: {  	s3 =	sld [smem:$0x3FDB];
	s0 =	simm.s32 @p2 $0x1  }
0x17: {  	s4 =	simm.s32 $0x1BF5;
	[smem:$0x3FBB] =	sst s0  }
0x18: {  	s0 =	sld [smem:$0x3F9E];
	_ =	swait.ge [sflag:s4], $0x0  }
0x19: {  	s7 =	sld [smem:$0x3F9F]  }
0x1a: {  	s8 =	sadd.s32 $0xFFFFE003, lr  }
0x1b: {  	s9 =	sadd.s32 $0xFFFFFEF7, lr;
	s5 =	simm.s32 $0xFFFFFFFF;
	p2 =	slt.u32 s8, $0xFFFFF086  }
0x1c: {  	p1 =	slt.u32 s9, $0xF7A;
	s5 =	simm.s32 @!p2 $0x0  }
0x1d: {  	s5 =	simm.s32 @p1 $0x1;
	p0 =	seq.s32 s7, s2  }
0x1e: {  	s7 =	smul.u32 @!p0 $0xF7A, s2;
	p2 =	seq.s32 @!p0 s5, $0x0  }
0x1f: {  	s9 =	smul.u32 $0xF7A, s1;
	s8 =	simm.s32 @!p0 $0x1BF5;
	p2 =	por !p2, p0  }
0x20: {  	[sflag:s8] =	ssyncset.s32 @!p0 $0xFFFFF086;
	s6 =	sadd.s32 @!p0 s3, s7;
	s7 =	simm.s32 @!p0 $0x108  }
0x21: {  	s3 =	sadd.s32 s3, s9;
	s6 =	sadd.s32 @!p0 $0x88, s6;
	s7 =	simm.s32 @p2 $0x1082  }
0x22: {  	[simem:s7], [sflag:s8] =	dma.local @!p0 [hbm:s6], $0xF7A  }
0x23: {  	s9 =	sor.u32 $0xD0000000, s2;
	s6 =	simm.s32 $0x108;
	_ =	swait.ge @!p0 [sflag:s8], $0x0  }
0x24: {  	s3 =	sadd.s32 $0x88, s3;
	s6 =	simm.s32 @!p1 $0x1082;
	[sflag:s4] =	ssyncset.s32 $0xFFFFF086  }
0x25: {  	[simem:s6], [sflag:s4] =	dma.local [hbm:s3], $0xF7A  }
0x26: {  	[smem:$0x3F9F] =	sst s1;
	(tag) =	ssettag s2;
	_ =	strace s9  }
0x27: {  	s1 =	sld [smem:$0x3FAF]  }
0x28: {  	s2 =	sld [smem:$0x3FB0]  }
0x29: {  	s4 =	sld [smem:$0x3FB2]  }
0x2a: {  	p0 =	seq.s32 s5, $0x0;
	s5 =	sld [smem:$0x3FB3]  }
0x2b: {  	s6 =	sld [smem:$0x3FB4]  }
0x2c: {  	s7 =	sld [smem:$0x3FB5]  }
0x2d: {  	s3 =	simm.s32 $0x108;
	s8 =	sld [smem:$0x3FB6]  }
0x2e: {  	s3 =	simm.s32 @!p0 $0x1082;
	s9 =	sld [smem:$0x3FB7]  }
0x2f: {  	lr =	sadd.s32 s0, s3;
	s0 =	sld [smem:$0x3FAE]  }
0x30: {  	s3 =	sld [smem:$0x3FB1]  }
0x31: {  	[smem:$0x3FBA] =	sst s10  }
0x32: {  	s10 =	sld [smem:$0x3FB8];
	_ =	sdelay $0x3  }
0x33: {  	p0 =	seq.s32 s10, $0x1;
	s10 =	sld [smem:$0x3FBA];
	_ =	sdelay $0x3  }
0x34: {  	[smem:$0x3FBA] =	sst s10  }
0x35: {  	s10 =	sld [smem:$0x3FB9];
	_ =	sdelay $0x3  }
0x36: {  	p1 =	seq.s32 s10, $0x1;
	s10 =	sld [smem:$0x3FBA];
	_ =	sdelay $0x3  }
0x37: {  	[smem:$0x3FBA] =	sst s10  }
0x38: {  	s10 =	sld [smem:$0x3FBB]  }
0x39: {  	_ = 	snop;
	(pc) =	sbr.ind lr, $3  }
0x3a: {  	_ = 	snop  }
0x3b: {  	_ = 	snop  }
0x3c: {  	p2 =	seq.s32 s10, $0x1;
	s10 =	sld [smem:$0x3FBA]  }
0x3d: {  	_ =	shalt  }
0x3e: {  	_ =	shalt  }
0x3f: {  	_ =	shalt  }
0x40: {  	_ =	shalt  }
0x41: {  	_ =	shalt  }
0x42: {  	_ =	shalt  }
0x43: {  	_ =	shalt  }
0x44: {  	_ =	shalt  }
0x45: {  	_ =	shalt  }
0x46: {  	_ =	shalt  }
0x47: {  	_ =	shalt  }
0x48: {  	_ =	shalt  }
0x49: {  	_ =	shalt  }
0x4a: {  	_ =	shalt  }
0x4b: {  	_ =	shalt  }
0x4c: {  	_ =	shalt  }
0x4d: {  	_ =	shalt  }
0x4e: {  	_ =	shalt  }
0x4f: {  	_ =	shalt  }
0x50: {  	_ =	shalt  }
0x51: {  	_ =	shalt  }
0x52: {  	_ =	shalt  }
0x53: {  	_ =	shalt  }
0x54: {  	_ =	shalt  }
0x55: {  	_ =	shalt  }
0x56: {  	_ =	shalt  }
0x57: {  	_ =	shalt  }
0x58: {  	_ =	shalt  }
0x59: {  	_ =	shalt  }
0x5a: {  	_ =	shalt  }
0x5b: {  	_ =	shalt  }
0x5c: {  	_ =	shalt  }
0x5d: {  	_ =	shalt  }
0x5e: {  	_ =	shalt  }
0x5f: {  	_ =	shalt  }
0x60: {  	_ =	shalt  }
0x61: {  	_ =	shalt  }
0x62: {  	_ =	shalt  }
0x63: {  	_ =	shalt  }
0x64: {  	_ =	shalt  }
0x65: {  	_ =	shalt  }
0x66: {  	_ =	shalt  }
0x67: {  	_ =	shalt  }
0x68: {  	_ =	shalt  }
0x69: {  	_ =	shalt  }
0x6a: {  	_ =	shalt  }
0x6b: {  	_ =	shalt  }
0x6c: {  	_ =	shalt  }
0x6d: {  	_ =	shalt  }
0x6e: {  	_ =	shalt  }
0x6f: {  	_ =	shalt  }
0x70: {  	_ =	shalt  }
0x71: {  	_ =	shalt  }
0x72: {  	_ =	shalt  }
0x73: {  	_ =	shalt  }
0x74: {  	_ =	shalt  }
0x75: {  	_ =	shalt  }
0x76: {  	_ =	shalt  }
0x77: {  	_ =	shalt  }
0x78: {  	_ =	shalt  }
0x79: {  	_ =	shalt  }
0x7a: {  	_ =	shalt  }
0x7b: {  	_ =	shalt  }
0x7c: {  	_ =	shalt  }
0x7d: {  	_ =	shalt  }
0x7e: {  	_ =	shalt  }
0x7f: {  	_ =	shalt  }
0x80: {  	_ =	shalt  }
0x81: {  	_ =	shalt  }
0x82: {  	_ =	shalt  }
0x83: {  	_ =	shalt  }
0x84: {  	_ =	shalt  }
0x85: {  	_ =	shalt  }
0x86: {  	_ =	shalt  }
0x87: {  	_ =	shalt  }
.Lfunc_end0:
.L_simem_size_0:
called_computation_lowered:
.L_overlay_start_0:
0x88: {  	s2 =	sld [smem:$0x3FD9]  }
0x89: {  	s3 =	sld [smem:$0x3FFE];
	_ =	sdelay $0x1  }
0x8a: {  	s1 =	srdreg.scid  }
0x8b: {  	s0 =	sand.u32 $0x1, s1  }
0x8c: {  	s17 =	sshll.u32 s0, $0xA;
	s2 =	sadd.s32 s3, s2  }
0x8d: {  	s2 =	sadd.s32 s2, s17  }
0x8e: {  	[smem:$0x3FC6] =	sst s2  }
0x8f: {  	_ = 	snop  }
0x90: {  	s2 =	sld [smem:$0x3FD0];
	(tm) =	ssettm $0x1  }
0x91: {  	s18 =	sld [smem:$0x3FFB];
	_ =	sdelay $0x3  }
0x92: {  	_ =	strace s18  }
0x93: {  	s3 =	sld [smem:$0x3FFC];
	_ =	sdelay $0x3  }
0x94: {  	_ =	strace s3  }
0x95: {  	s3 =	sld [smem:$0x3FFD];
	_ =	sdelay $0x3  }
0x96: {  	_ =	strace s3  }
0x97: {  	_ =	strace $0x8FFFFFFF  }
0x98: {  	s19 =	sld [smem:$0x3FDB];
	_ =	sdelay $0x1  }
0x99: {  	s4 =	simm.s32 $_scs_section_size  }
0x9a: {  	s5 =	simm.s32 $_size__tile_overlayer_lowered;
	s6 =	simm.s32 $_tile_overlayer_lowered  }
0x9b: {  	s22 =	simm.s32 $0x1BFF;
	s21 =	sshll.u32 s6, $0x1;
	s3 =	sadd.s32 s4, s19  }
0x9c: {  	s7 =	simm.s32 $0x0;
	s20 =	sshll.u32 s5, $0x1;
	s5 =	sadd.s32 s21, s3  }
0x9d: {  	[timem:s7], [sflag:s22] =	dma.local [hbm:s5], s20  }
0x9e: {  	_ =	swait.ge [sflag:s22], s20  }
0x9f: {  	s4 =	ssub.s32 $0x0, s20;
	[sflag:s22] =	ssyncset.done $0x0  }
0xa0: {  	[sflag:s22] =	ssyncadd.s32 s4;
	_ =	sdelay $0x1  }
0xa1: {  	s23 =	simm.s32 $0x1B8B  }
0xa2: {  	_ =	swait.ge [sflag:s23], $0x1  }
0xa3: {  	[sflag:s23] =	ssyncset.done $0x0  }
0xa4: {  	s25 =	simm.s32 $0x1B8E;
	s24 =	sld [smem:$0x3FFE];
	[sflag:s23] =	ssyncadd.s32 $0xFFFFFFFF  }
0xa5: {  	s26 =	simm.s32 $execute0_lowered;
	[smem:$0x3FD2] =	sst s25  }
0xa6: {  	s5 =	sshll.u32 s26, $0x1;
	_ =	strace $0x80000046;
	[dreg:$0x1] =	wrdreg $0xFFFFFFFF  }
0xa7: {  	s28 =	simm.s32 $_size_execute0_lowered;
	s3 =	sadd.s32 s3, s5;
	[dreg:$0x0] =	wrdreg $0x0  }
0xa8: {  	s5 =	sshll.u32 s28, $0x1;
	[dreg:$0x2] =	wrdreg s3  }
0xa9: {  	[dreg:$0x3] =	wrdreg s5  }
0xaa: {  	[dreg:$0x4] =	wrdreg $0xC0  }
0xab: {  	_ =	task [dreg:s7], $0x5FFFF  }
0xac: {  	[dreg:$0x1] =	wrdreg $0xFFFFFFFF  }
0xad: {  	[dreg:$0x0] =	wrdreg $0x60  }
0xae: {  	[dreg:$0x2] =	wrdreg s24  }
0xaf: {  	[dreg:$0x3] =	wrdreg s2  }
0xb0: {  	[dreg:$0x4] =	wrdreg $0x9  }
0xb1: {  	_ =	task.clear_ibuf [dreg:s7], $0x5FFFF;
	_ =	strace $0x90000046  }
0xb2: {  	s29 =	simm.s32 $0x9;
	_ =	strace $0x80000048  }
0xb3: {  	_ =	swait.ge [sflag:s29], $0x1  }
0xb4: {  	[sflag:s29] =	ssyncadd.s32 $0xFFFFFFFF  }
0xb5: {  	_ =	strace $0x90000048  }
0xb6: {  	_ =	sfence  }
0xb7: {  	s30 =	sld [smem:$0x0];
	_ =	sdelay $0x2  }
0xb8: {  	s31 =	sshll.u32 s1, $0xD;
	s1 =	sshrl.u32 s1, $0x2  }
0xb9: {  	s3 =	sand.u32 $0x4000, s31;
	s1 =	sadd.s32 s1, s30  }
0xba: {  	s0 =	sor.u32 s3, s0;
	s1 =	sshll.u32 s1, $0x11  }
0xbb: {  	s0 =	sor.u32 s1, s0  }
0xbc: {  	s0 =	sadd.s32 $0x8F2B, s0  }
0xbd: {  	[sflag:s0] =	ssyncadd.remote.s32 $0x1  }
0xbe: {  	_ =	sfence.sel $0xFFFF  }
0xbf: {  	[dreg:$0x0] =	wrdreg $0xFFFFFFFF;
	(pc) =	sbr.abs _section_cstart, $3  }
0xc0: {  	[dreg:$0x1] =	wrdreg $0xFFFFFFFF  }
0xc1: {  	_ =	task.clear_ibuf [dreg:s7], $0x2FFFF;
	_ =	strace $0x9FFFFFFF  }
0xc2: {  	(tm) =	ssettm $0x7FFFFFFF  }
0xc3: {  	_ =	shalt  }
tec
execute0_lowered:
.L_overlay_start_1:
0x0: {  	(tag) =	ssettag $0x1  }
0x1: {  	s0 =	srdreg.scid  }
0x2: {  	s2 =	stileid.u32;
	s1 =	rddreg [dreg:$0x0]  }
0x3: {  	s13 =	simm.s32 $0xE400;
	s14 =	simm.s32 $0xE800;
	s15 =	simm.s32 $0xEC00  }
0x4: {  	s16 =	simm.s32 $0xF000;
	s17 =	simm.s32 $0x4;
	s18 =	simm.s32 $0xF400  }
0x5: {  	s19 =	simm.s32 $0xF800;
	s20 =	simm.s32 $0xFC00;
	s21 =	simm.s32 $0x10000  }
0x6: {  	s22 =	simm.s32 $0x5;
	s23 =	simm.s32 $0x6;
	s24 =	simm.s32 $0x7  }
0x7: {  	s25 =	simm.s32 $0x8;
	s29 =	simm.s32 $0x80;
	s31 =	simm.s32 $0x1  }
0x8: {  	v0 =	vlaneseq.u32;
	s10 =	simm.s32 $0x0;
	s0 =	sand.u32 $0x1, s0;
	s3 =	sshll.u32 s2, $0x1  }
0x9: {  	v1 =	vimm.s32 $0x0;
	vm0 =	vcmask $0x300;
	s2 =	rddreg [dreg:$0x1];
	v0 =	vmul.u32 $0x80, v0;
	s5 =	sor.u32 s0, s3;
	s3 =	simm.s32 $0x0  }
0xa: {  	v1 =	vsel vm0, $0x3, v1;
	s0 =	ssub.s32 $0x2, s0;
	s8 =	sadd.s32 $0x8000, s2;
	s4 =	smul.u32 $0xC80, s5  }
.Ltmp0:
0xb: {  	s9 =	sadd.s32 $0xC000, s2;
	s7 =	sshrl.u32 s0, $0x1;
	v2 =	vor.u32 $0x800, v0;
	v3 =	vor.u32 $0x1, v0;
	v4 =	vor.u32 $0x801, v0;
	(pc) =	sbr.rel .LBB2_1-.Ltmp0, $4  }
0xc: {  	[smem:$0x7FF] =	sst s3;
	s5 =	smul.u32 $0xC8, s5;
	v5 =	vor.u32 $0x2, v0;
	v6 =	vor.u32 $0x802, v0;
	v7 =	vor.u32 $0x3, v0;
	s0 =	ssub.s32 s0, s7  }
0xd: {  	v8 =	vor.u32 $0x803, v0;
	v9 =	vor.u32 $0x4, v0;
	v10 =	vor.u32 $0x804, v0;
	_ =	strace $0x80000047;
	s6 =	sadd.s32 s4, s1;
	s0 =	smax.u32 s0, $0x1  }
0xe: {  	v11 =	vor.u32 $0x5, v0;
	v12 =	vor.u32 $0x805, v0;
	v13 =	vor.u32 $0x6, v0;
	s7 =	sadd.s32 $0x4000, s2;
	s30 =	sadd.s32 $0x600, s6;
	[dreg:$0x4] =	wrdreg s0  }
0xf: {  	v14 =	vor.u32 $0x806, v0;
	v15 =	vor.u32 $0x7, v0;
	v16 =	vor.u32 $0x807, v0;
	s4 =	sadd.s32 $0xF42A00, s1;
	s0 =	simm.s32 $0x2;
	[dreg:$0x3] =	wrdreg s30  }
.LBB2_36:
0x10: {  	s1 =	simm.s32 $0x9  }
0x11: {  	_ =	swait.ge [sflag:s1], $0x1000  }
0x12: {  	[sflag:s1] =	ssyncset.done $0x0  }
0x13: {  	s6 =	simm.s32 $0xA;
	[sflag:s1] =	ssyncadd.s32 $0xFFFFF000  }
0x14: {  	_ =	swait.ge [sflag:s6], $0x1000  }
0x15: {  	s10 =	rddreg [dreg:$0x5]  }
0x16: {  	s30 =	rddreg [dreg:$0x4];
	s10 =	sadd.s32 $0x1, s10  }
0x17: {  	p0 =	sne.s32 s10, s30  }
.Ltmp1:
0x18: {  	_ = 	snop;
	(pc) =	sbr.rel @!p0 .LBB2_37-.Ltmp1, $3  }
0x19: {  	_ =	sdelay $0x1  }
0x1a: {  	[sflag:s6] =	ssyncset.done $0x0  }
0x1b: {  	[sflag:s6] =	ssyncadd.s32 $0xFFFFF000  }
.LBB2_1:
0x1c: {  	[dreg:$0x5] =	wrdreg s10  }
0x1d: {  	s1 =	rddreg [dreg:$0x3];
	s30 =	simm.s32 $0xB  }
0x1e: {  	[tilespmem:s3], [sflag:$0xB] =	stream.linear.gather [hbm4b:s1+s3], $0x6400, $0x38;
	[tilespmem:$0x10400] =	vst v63  }
0x1f: {  	_ =	swait.ge [sflag:s30], $0x6400  }
0x20: {  	[sflag:s30] =	ssyncset.done $0x0  }
0x21: {  	s6 =	simm.s32 $0x0;
	[sflag:s30] =	ssyncadd.s32 $0xFFFF9C00  }
.LBB2_2:
0x22: {  	p0 =	seq.s32 s6, $0x19  }
0x23: {  	s10 =	sshll.u32 s6, $0x3;
	s1 =	sshll.u32 @!p0 s6, $0xA  }
0x24: {  	s11 =	simm.s32 @!p0 $0x80;
	s26 =	simm.s32 @!p0 $0x6400;
	s1 =	sand.u32 @!p0 $0x3FFFFC00, s1  }
0x25: {  	[tilespmem:s26], [sflag:$0x1] =	stream.indirect.gather @!p0 [hbm4b:s4+s11], $0x20, s1, s11, $0xb8;
	[tilespmem:$0x10400] =	vst v63  }
0x26: {  	s11 =	sadd.s32 @!p0 $0xFFFFFFFA, s10  }
0x27: {  	p1 =	slt.u32 @!p0 s11, $0xC8  }
0x28: {  	p1 =	por p0, p1  }
.Ltmp2:
0x29: {  	_ = 	snop;
	(pc) =	sbr.rel @!p1 .LBB2_3-.Ltmp2, $1  }
0x2a: {  	_ =	sdelay $0x3  }
0x2b: {  	s12 =	simm.s32 $0x3;
	s1 =	simm.s32 $0x0  }
0x2c: {  	s26 =	simm.s32 $0x2;
	s28 =	simm.s32 $0x3;
	v17 =	vmov s1;
	s1 =	simm.s32 $0x1  }
0x2d: {  	_ =	swait.ge [sflag:s12], $0x1000;
	v19 =	vmov s26;
	v20 =	vmov s28;
	s26 =	simm.s32 $0x5;
	s28 =	simm.s32 $0x7;
	v18 =	vmov s1  }
0x2e: {  	p1 =	seq.s32 s6, $0x0;
	s1 =	simm.s32 $0x4;
	[sflag:s12] =	ssyncset.done $0x0;
	v22 =	vmov s26;
	v23 =	vmov s28;
	v19 =	vshrl.u32 v19, $0x3  }
0x2f: {  	s26 =	simm.s32 @!p1 $0x9;
	v20 =	vshrl.u32 v20, $0x3;
	v21 =	vmov s1;
	[sflag:s12] =	ssyncadd.s32 $0xFFFFF000;
	v23 =	vshrl.u32 v23, $0x3  }
0x30: {  	s1 =	simm.s32 $0x6;
	v18 =	vshrl.u32 v18, $0x3;
	v22 =	vshrl.u32 v22, $0x3;
	_ =	swait.ge @!p1 [sflag:s26], $0x1000;
	v23 =	vshll.u32 v23, v1  }
0x31: {  	v24 =	vmov s1;
	v18 =	vshll.u32 v18, v1;
	[sflag:s26] =	ssyncset.done @!p1 $0x0;
	v25 =	vbroadcast v23, $0x0  }
0x32: {  	v21 =	vshrl.u32 v21, $0x3;
	v30 =	vbroadcast v18, $0x0;
	v18 =	vshll.u32 v19, v1;
	[sflag:s26] =	ssyncadd.s32 @!p1 $0xFFFFF000;
	s26 =	simm.s32 $0x8480  }
0x33: {  	v34 =	vbroadcast v18, $0x0;
	v18 =	vshll.u32 v20, v1;
	v23 =	vld [tilespmem:s26+$0x60];
	v26 =	vor.u32 v15, v25  }
0x34: {  	v27 =	vld [tilespmem:s26+$0xFFFFFFA0];
	v28 =	vor.u32 v3, v30;
	v20 =	vbroadcast v18, $0x0;
	v18 =	vshll.u32 v21, v1  }
0x35: {  	v21 =	vld [tilespmem:s26+$0xFFFFFFC0];
	v29 =	vor.u32 v5, v34;
	v19 =	vbroadcast v18, $0x0;
	v18 =	vshll.u32 v22, v1  }
0x36: {  	v31 =	vld [tilespmem:s26+$0xFFFFFFE0];
	v22 =	vshrl.u32 v24, $0x3;
	v33 =	vor.u32 v7, v20;
	v18 =	vbroadcast v18, $0x0  }
0x37: {  	v17 =	vshrl.u32 v17, $0x3;
	v37 =	vld [tilespmem:s26+$0x0];
	v22 =	vshll.u32 v22, v1;
	v39 =	vor.u32 v9, v19  }
0x38: {  	s12 =	simm.s32 $0x8;
	v40 =	vld [tilespmem:s26+$0x20];
	v24 =	vshll.u32 v17, v1;
	v22 =	vbroadcast v22, $0x0;
	v41 =	vor.u32 v11, v18;
	[tilespmem:v26+s13+$0x0] =	vst.idx.msk $0xffff, v23  }
0x39: {  	s28 =	simm.s32 $0xA;
	v25 =	vor.u32 v16, v25;
	v17 =	vmov s12;
	s12 =	simm.s32 $0x9;
	v23 =	vbroadcast v24, $0x0;
	[tilespmem:v28+s13+$0x0] =	vst.idx.msk $0xffff, v27;
	v24 =	vld [tilespmem:s26+$0x70]  }
0x3a: {  	v43 =	vmov s28;
	s28 =	simm.s32 $0xC;
	v42 =	vmov s12;
	s12 =	simm.s32 $0xB;
	v26 =	vld [tilespmem:s26+$0x40];
	v27 =	vor.u32 v13, v22;
	[tilespmem:v29+s13+$0x0] =	vst.idx.msk $0xffff, v21  }
0x3b: {  	v35 =	vmov s28;
	v38 =	vmov s12;
	s12 =	simm.s32 $0xD;
	v28 =	vld [tilespmem:s26+$0xFFFFFF80];
	v32 =	vor.u32 v0, v23;
	[tilespmem:v33+s13+$0x0] =	vst.idx.msk $0xffff, v31  }
0x3c: {  	s28 =	simm.s32 $0xE;
	v34 =	vor.u32 v6, v34;
	v36 =	vmov s12;
	v29 =	vld [tilespmem:s26+$0xFFFFFFB0];
	v33 =	vor.u32 v4, v30;
	[tilespmem:v39+s13+$0x0] =	vst.idx.msk $0xffff, v37  }
0x3d: {  	s11 =	simm.s32 @p0 $0xC2;
	s30 =	simm.s32 $0xF;
	v21 =	vmov s28;
	s28 =	simm.s32 $0x10;
	v30 =	vshrl.u32 v43, $0x3;
	v31 =	vld [tilespmem:s26+$0xFFFFFFD0];
	v37 =	vshrl.u32 v42, $0x3;
	[tilespmem:v41+s13+$0x0] =	vst.idx.msk $0xffff, v40  }
.LBB2_5:
0x3e: {  	p1 =	slt.u32 s28, $0x78;
	v38 =	vshrl.u32 v38, $0x3;
	v39 =	vmov s30;
	v40 =	vld [tilespmem:s26+$0xFFFFFFF0];
	v20 =	vor.u32 v8, v20;
	[tilespmem:v25+s13+$0x0] =	vst.idx.msk $0xffff, v24  }
0x3f: {  	v24 =	vshrl.u32 v35, $0x3;
	v19 =	vor.u32 v10, v19;
	v25 =	vshrl.u32 v39, $0x3;
	v35 =	vld [tilespmem:s26+$0x10];
	[tilespmem:v27+s13+$0x0] =	vst.idx.msk $0xffff, v26  }
0x40: {  	v18 =	vor.u32 v12, v18;
	v26 =	vshrl.u32 v36, $0x3;
	v25 =	vshll.u32 v25, v1;
	[tilespmem:v32+s13+$0x0] =	vst.idx.msk $0xffff, v28;
	v27 =	vld [tilespmem:s26+$0x30]  }
0x41: {  	v22 =	vor.u32 v14, v22;
	v28 =	vshll.u32 v37, v1;
	v25 =	vbroadcast v25, $0x0;
	[tilespmem:v33+s13+$0x0] =	vst.idx.msk $0xffff, v29;
	v29 =	vld [tilespmem:s26+$0x50]  }
0x42: {  	v23 =	vor.u32 v2, v23;
	v33 =	vbroadcast v28, $0x0;
	v28 =	vshll.u32 v30, v1;
	v30 =	vld [tilespmem:s26+$0xFFFFFF90];
	[tilespmem:v34+s13+$0x0] =	vst.idx.msk $0xffff, v31;
	s26 =	sadd.s32 $0x100, s26  }
0x43: {  	v34 =	vbroadcast v28, $0x0;
	v28 =	vshll.u32 v38, v1;
	v31 =	vld [tilespmem:s26+$0x60];
	v32 =	vor.u32 v15, v25;
	[tilespmem:v20+s13+$0x0] =	vst.idx.msk $0xffff, v40  }
0x44: {  	v24 =	vshll.u32 v24, v1;
	v37 =	vor.u32 v3, v33;
	v20 =	vbroadcast v28, $0x0;
	v36 =	vld [tilespmem:s26+$0xFFFFFFA0];
	[tilespmem:v19+s13+$0x0] =	vst.idx.msk $0xffff, v35  }
0x45: {  	v35 =	vor.u32 v5, v34;
	v19 =	vbroadcast v24, $0x0;
	v24 =	vshll.u32 v26, v1;
	v28 =	vld [tilespmem:s26+$0xFFFFFFC0];
	[tilespmem:v18+s13+$0x0] =	vst.idx.msk $0xffff, v27  }
0x46: {  	v21 =	vshrl.u32 v21, $0x3;
	v40 =	vor.u32 v7, v20;
	v18 =	vbroadcast v24, $0x0;
	v39 =	vld [tilespmem:s26+$0xFFFFFFE0];
	[tilespmem:v22+s13+$0x0] =	vst.idx.msk $0xffff, v29  }
0x47: {  	v17 =	vshrl.u32 v17, $0x3;
	v21 =	vshll.u32 v21, v1;
	v42 =	vor.u32 v9, v19;
	v41 =	vld [tilespmem:s26+$0x0];
	[tilespmem:v23+s13+$0x0] =	vst.idx.msk $0xffff, v30  }
0x48: {  	v22 =	vbroadcast v21, $0x0;
	v23 =	vshll.u32 v17, v1;
	v44 =	vor.u32 v11, v18;
	v43 =	vld [tilespmem:s26+$0x20];
	[tilespmem:v32+s13+$0x0] =	vst.idx.msk $0xffff, v31  }
.Ltmp3:
0x49: {  	s1 =	sadd.s32 $0x1, s28;
	s30 =	sadd.s32 $0x2, s28;
	v25 =	vor.u32 v16, v25;
	v17 =	vmov s28;
	v23 =	vbroadcast v23, $0x0;
	[tilespmem:v37+s13+$0x0] =	vst.idx.msk $0xffff, v36;
	v24 =	vld [tilespmem:s26+$0x70];
	(pc) =	sbr.rel @p1 .LBB2_5-.Ltmp3, $4  }
0x4a: {  	v30 =	vmov s1;
	s1 =	sadd.s32 $0x3, s28;
	v31 =	vmov s30;
	s30 =	sadd.s32 $0x4, s28;
	v27 =	vor.u32 v13, v22;
	[tilespmem:v35+s13+$0x0] =	vst.idx.msk $0xffff, v28;
	v26 =	vld [tilespmem:s26+$0x40]  }
0x4b: {  	v38 =	vmov s1;
	s1 =	sadd.s32 $0x5, s28;
	v35 =	vmov s30;
	s30 =	sadd.s32 $0x6, s28;
	v32 =	vor.u32 v0, v23;
	v28 =	vld [tilespmem:s26+$0xFFFFFF80];
	[tilespmem:v40+s13+$0x0] =	vst.idx.msk $0xffff, v39  }
0x4c: {  	v33 =	vor.u32 v4, v33;
	v36 =	vmov s1;
	v21 =	vmov s30;
	v29 =	vld [tilespmem:s26+$0xFFFFFFB0];
	[tilespmem:v42+s13+$0x0] =	vst.idx.msk $0xffff, v41  }
0x4d: {  	v34 =	vor.u32 v6, v34;
	v37 =	vshrl.u32 v30, $0x3;
	v30 =	vshrl.u32 v31, $0x3;
	s30 =	sadd.s32 $0x7, s28;
	s28 =	sadd.s32 $0x8, s28;
	v31 =	vld [tilespmem:s26+$0xFFFFFFD0];
	[tilespmem:v44+s13+$0x0] =	vst.idx.msk $0xffff, v43  }
0x4e: {  	_ =	sdelay $0x2  }
0x4f: {  	v38 =	vshrl.u32 v38, $0x3;
	v20 =	vor.u32 v8, v20  }
0x50: {  	v39 =	vmov s30;
	v40 =	vld [tilespmem:s26+$0xFFFFFFF0];
	[tilespmem:v25+s13+$0x0] =	vst.idx.msk $0xffff, v24;
	v19 =	vor.u32 v10, v19;
	v18 =	vor.u32 v12, v18  }
0x51: {  	v57 =	vshrl.u32 v35, $0x3;
	v59 =	vld [tilespmem:s26+$0x10];
	v62 =	vshll.u32 v37, v1;
	v22 =	vor.u32 v14, v22;
	[tilespmem:v27+s13+$0x0] =	vst.idx.msk $0xffff, v26  }
0x52: {  	v60 =	vshrl.u32 v36, $0x3;
	v61 =	vld [tilespmem:s26+$0x30];
	v30 =	vshll.u32 v30, v1;
	v23 =	vor.u32 v2, v23;
	[tilespmem:v32+s13+$0x0] =	vst.idx.msk $0xffff, v28  }
0x53: {  	v21 =	vshrl.u32 v21, $0x3;
	v24 =	vshll.u32 v57, v1;
	v63 =	vld [tilespmem:s26+$0x50];
	v28 =	vbroadcast v62, $0x0;
	[tilespmem:v33+s13+$0x0] =	vst.idx.msk $0xffff, v29  }
0x54: {  	s1 =	sadd.s32 $0x100, s26;
	v17 =	vshrl.u32 v17, $0x3;
	v58 =	vshrl.u32 v39, $0x3;
	v24 =	vbroadcast v24, $0x0;
	v32 =	vld [tilespmem:s26+$0xFFFFFF90];
	[tilespmem:v34+s13+$0x0] =	vst.idx.msk $0xffff, v31  }
0x55: {  	v30 =	vbroadcast v30, $0x0;
	v44 =	vld [tilespmem:s1+$0xFFFFFFA0];
	v17 =	vshll.u32 v17, v1;
	v45 =	vor.u32 v3, v28;
	[tilespmem:v20+s13+$0x0] =	vst.idx.msk $0xffff, v40  }
0x56: {  	v48 =	vld [tilespmem:s1+$0x0];
	v25 =	vshll.u32 v58, v1;
	v17 =	vbroadcast v17, $0x0;
	v49 =	vor.u32 v9, v24;
	[tilespmem:v19+s13+$0x0] =	vst.idx.msk $0xffff, v59  }
0x57: {  	v41 =	vshll.u32 v38, v1;
	v25 =	vbroadcast v25, $0x0;
	v46 =	vor.u32 v5, v30;
	v19 =	vld [tilespmem:s1+$0xFFFFFFC0];
	[tilespmem:v18+s13+$0x0] =	vst.idx.msk $0xffff, v61  }
0x58: {  	v26 =	vshll.u32 v60, v1;
	v54 =	vld [tilespmem:s1+$0xFFFFFF80];
	v31 =	vbroadcast v41, $0x0;
	v55 =	vor.u32 v0, v17;
	[tilespmem:v22+s13+$0x0] =	vst.idx.msk $0xffff, v63  }
0x59: {  	v42 =	vld [tilespmem:s1+$0x60];
	v21 =	vshll.u32 v21, v1;
	v26 =	vbroadcast v26, $0x0;
	v43 =	vor.u32 v15, v25;
	[tilespmem:v23+s13+$0x0] =	vst.idx.msk $0xffff, v32  }
0x5a: {  	v21 =	vbroadcast v21, $0x0;
	v18 =	vld [tilespmem:s1+$0xFFFFFFE0];
	v47 =	vor.u32 v7, v31;
	[tilespmem:v45+s13+$0x0] =	vst.idx.msk $0xffff, v44  }
0x5b: {  	v50 =	vld [tilespmem:s1+$0x20];
	v51 =	vor.u32 v11, v26;
	[tilespmem:v49+s13+$0x0] =	vst.idx.msk $0xffff, v48  }
0x5c: {  	v53 =	vor.u32 v13, v21;
	[tilespmem:v46+s13+$0x0] =	vst.idx.msk $0xffff, v19;
	v19 =	vld [tilespmem:s1+$0x40]  }
0x5d: {  	v24 =	vor.u32 v10, v24;
	[tilespmem:v55+s13+$0x0] =	vst.idx.msk $0xffff, v54;
	v61 =	vld [tilespmem:s1+$0x10]  }
0x5e: {  	v17 =	vor.u32 v2, v17;
	[tilespmem:v43+s13+$0x0] =	vst.idx.msk $0xffff, v42;
	v63 =	vld [tilespmem:s1+$0xFFFFFF90]  }
0x5f: {  	v56 =	vor.u32 v4, v28;
	[tilespmem:v47+s13+$0x0] =	vst.idx.msk $0xffff, v18;
	v18 =	vld [tilespmem:s1+$0xFFFFFFB0]  }
0x60: {  	v25 =	vor.u32 v16, v25;
	[tilespmem:v51+s13+$0x0] =	vst.idx.msk $0xffff, v50;
	v52 =	vld [tilespmem:s1+$0x70]  }
0x61: {  	v58 =	vor.u32 v6, v30;
	v57 =	vld [tilespmem:s1+$0xFFFFFFD0];
	[tilespmem:v53+s13+$0x0] =	vst.idx.msk $0xffff, v19  }
0x62: {  	v60 =	vor.u32 v8, v31;
	v59 =	vld [tilespmem:s1+$0xFFFFFFF0];
	[tilespmem:v24+s13+$0x0] =	vst.idx.msk $0xffff, v61  }
0x63: {  	v62 =	vor.u32 v12, v26;
	v19 =	vld [tilespmem:s1+$0x30];
	[tilespmem:v17+s13+$0x0] =	vst.idx.msk $0xffff, v63  }
0x64: {  	v21 =	vor.u32 v14, v21;
	[tilespmem:v56+s13+$0x0] =	vst.idx.msk $0xffff, v18;
	v18 =	vld [tilespmem:s1+$0x50]  }
0x65: {  	s26 =	sadd.s32 s5, s11;
	[tilespmem:v25+s13+$0x0] =	vst.idx.msk $0xffff, v52  }
0x66: {  	s11 =	sshll.u32 s26, $0x9;
	[tilespmem:v58+s13+$0x0] =	vst.idx.msk $0xffff, v57;
	s1 =	sshll.u32 s26, $0x7  }
0x67: {  	s11 =	sand.u32 $0x1FFF0000, s11;
	[tilespmem:v60+s13+$0x0] =	vst.idx.msk $0xffff, v59;
	s1 =	sand.u32 $0x3D00, s1  }
0x68: {  	s1 =	sor.u32 s1, s11;
	[tilespmem:v62+s13+$0x0] =	vst.idx.msk $0xffff, v19  }
0x69: {  	s11 =	sadd.s32 s2, s1;
	[tilespmem:v21+s13+$0x0] =	vst.idx.msk $0xffff, v18  }
0x6a: {  	[hbm4b:s11+s3] =	stream.linear.scatter [tilespmem:s13], [sflag:$0x9], $0x400, $0x38;
	[tilespmem:$0x10400] =	vst v63  }
0x6b: {  	s28 =	sadd.s32 s1, s7  }
0x6c: {  	[hbm4b:s28+s3] =	stream.linear.scatter [tilespmem:s14], [sflag:$0x9], $0x400, $0x38;
	[tilespmem:$0x10400] =	vst v63  }
.Ltmp4:
0x6d: {  	_ = 	snop;
	(pc) =	sbr.rel @p0 .LBB2_8-.Ltmp4, $4  }
.Ltmp5:
0x6e: {  	s30 =	sadd.s32 s1, s8;
	(pc) =	sbr.rel @!p0 .LBB2_7-.Ltmp5, $4  }
0x6f: {  	[hbm4b:s30+s3] =	stream.linear.scatter [tilespmem:s15], [sflag:$0x9], $0x400, $0x38;
	[tilespmem:$0x10400] =	vst v63  }
0x70: {  	s26 =	simm.s32 $0xC3;
	s1 =	sadd.s32 s1, s9;
	s11 =	sor.u32 $0x1, s10  }
0x71: {  	[hbm4b:s1+s3] =	stream.linear.scatter [tilespmem:s16], [sflag:$0x9], $0x400, $0x38;
	[tilespmem:$0x10400] =	vst v63  }
0x72: {  	_ = 	snop  }
.LBB2_3:
0x73: {  	s11 =	sor.u32 $0x1, s10  }
.LBB2_7:
0x74: {  	s26 =	sadd.s32 $0xFFFFFFFB, s10  }
0x75: {  	p1 =	sgt.u32 s26, $0xC7  }
.Ltmp6:
0x76: {  	_ = 	snop;
	(pc) =	sbr.rel @p1 .LBB2_11-.Ltmp6, $4  }
0x77: {  	_ = 	snop  }
0x78: {  	s1 =	sshll.u32 s11, $0x7  }
0x79: {  	s12 =	simm.s32 $0x7400;
	s1 =	sand.u32 $0x3FFFFF80, s1  }
0x7a: {  	[tilespmem:s12], [sflag:$0x2] =	stream.indirect.gather [hbm4b:s4+s29], $0x20, s1, s29, $0xb8;
	[tilespmem:$0x10400] =	vst v63  }
.LBB2_8:
0x7b: {  	_ =	swait.ge [sflag:s17], $0x1000;
	s1 =	simm.s32 $0x0  }
0x7c: {  	s12 =	simm.s32 $0x1;
	s28 =	simm.s32 $0x2;
	s30 =	simm.s32 $0x3;
	v17 =	vmov s1  }
0x7d: {  	v18 =	vmov s12;
	v19 =	vmov s28;
	s12 =	simm.s32 $0x4;
	v20 =	vmov s30;
	s28 =	simm.s32 $0x5;
	s30 =	simm.s32 $0x7  }
0x7e: {  	p1 =	seq.s32 s6, $0x0;
	[sflag:s17] =	ssyncset.done $0x0;
	v21 =	vmov s12;
	v22 =	vmov s28;
	v23 =	vmov s30  }
0x7f: {  	s12 =	simm.s32 $0x6;
	[sflag:s17] =	ssyncadd.s32 $0xFFFFF000;
	s28 =	simm.s32 @!p1 $0xA;
	v18 =	vshrl.u32 v18, $0x3;
	v19 =	vshrl.u32 v19, $0x3;
	v23 =	vshrl.u32 v23, $0x3  }
0x80: {  	v20 =	vshrl.u32 v20, $0x3;
	v24 =	vmov s12;
	_ =	swait.ge @!p1 [sflag:s28], $0x1000;
	v23 =	vshll.u32 v23, v1  }
0x81: {  	v21 =	vshrl.u32 v21, $0x3;
	v18 =	vshll.u32 v18, v1;
	[sflag:s28] =	ssyncset.done @!p1 $0x0;
	v25 =	vbroadcast v23, $0x0  }
0x82: {  	v22 =	vshrl.u32 v22, $0x3;
	v30 =	vbroadcast v18, $0x0;
	v18 =	vshll.u32 v19, v1;
	[sflag:s28] =	ssyncadd.s32 @!p1 $0xFFFFF000;
	s28 =	simm.s32 $0x9480  }
0x83: {  	v34 =	vbroadcast v18, $0x0;
	v18 =	vshll.u32 v20, v1;
	v23 =	vld [tilespmem:s28+$0x60];
	v26 =	vor.u32 v15, v25  }
0x84: {  	v27 =	vld [tilespmem:s28+$0xFFFFFFA0];
	v28 =	vor.u32 v3, v30;
	v20 =	vbroadcast v18, $0x0;
	v18 =	vshll.u32 v21, v1  }
0x85: {  	v21 =	vld [tilespmem:s28+$0xFFFFFFC0];
	v29 =	vor.u32 v5, v34;
	v19 =	vbroadcast v18, $0x0;
	v18 =	vshll.u32 v22, v1  }
0x86: {  	v31 =	vld [tilespmem:s28+$0xFFFFFFE0];
	v22 =	vshrl.u32 v24, $0x3;
	v33 =	vor.u32 v7, v20;
	v18 =	vbroadcast v18, $0x0  }
0x87: {  	v17 =	vshrl.u32 v17, $0x3;
	v37 =	vld [tilespmem:s28+$0x0];
	v22 =	vshll.u32 v22, v1;
	v39 =	vor.u32 v9, v19  }
0x88: {  	s12 =	simm.s32 $0x8;
	v40 =	vld [tilespmem:s28+$0x20];
	v24 =	vshll.u32 v17, v1;
	v22 =	vbroadcast v22, $0x0;
	v41 =	vor.u32 v11, v18;
	[tilespmem:v26+s18+$0x0] =	vst.idx.msk $0xffff, v23  }
0x89: {  	s30 =	simm.s32 $0xA;
	v17 =	vmov s12;
	s12 =	simm.s32 $0x9;
	v25 =	vor.u32 v16, v25;
	[tilespmem:v28+s18+$0x0] =	vst.idx.msk $0xffff, v27;
	v23 =	vbroadcast v24, $0x0;
	v24 =	vld [tilespmem:s28+$0x70]  }
0x8a: {  	v43 =	vmov s30;
	s30 =	simm.s32 $0xC;
	v42 =	vmov s12;
	s12 =	simm.s32 $0xB;
	v27 =	vor.u32 v13, v22;
	[tilespmem:v29+s18+$0x0] =	vst.idx.msk $0xffff, v21;
	v26 =	vld [tilespmem:s28+$0x40]  }
0x8b: {  	v35 =	vmov s30;
	v38 =	vmov s12;
	s12 =	simm.s32 $0xD;
	v28 =	vld [tilespmem:s28+$0xFFFFFF80];
	[tilespmem:v33+s18+$0x0] =	vst.idx.msk $0xffff, v31;
	v32 =	vor.u32 v0, v23  }
0x8c: {  	s30 =	simm.s32 $0xE;
	v34 =	vor.u32 v6, v34;
	v36 =	vmov s12;
	v29 =	vld [tilespmem:s28+$0xFFFFFFB0];
	v33 =	vor.u32 v4, v30;
	[tilespmem:v39+s18+$0x0] =	vst.idx.msk $0xffff, v37  }
0x8d: {  	s1 =	simm.s32 $0xF;
	v21 =	vmov s30;
	s30 =	simm.s32 $0x10;
	v30 =	vshrl.u32 v43, $0x3;
	v31 =	vld [tilespmem:s28+$0xFFFFFFD0];
	v37 =	vshrl.u32 v42, $0x3;
	[tilespmem:v41+s18+$0x0] =	vst.idx.msk $0xffff, v40  }
.LBB2_9:
0x8e: {  	p1 =	slt.u32 s30, $0x78;
	v38 =	vshrl.u32 v38, $0x3;
	v39 =	vmov s1;
	v40 =	vld [tilespmem:s28+$0xFFFFFFF0];
	v20 =	vor.u32 v8, v20;
	[tilespmem:v25+s18+$0x0] =	vst.idx.msk $0xffff, v24  }
0x8f: {  	v24 =	vshrl.u32 v35, $0x3;
	v19 =	vor.u32 v10, v19;
	v25 =	vshrl.u32 v39, $0x3;
	v35 =	vld [tilespmem:s28+$0x10];
	[tilespmem:v27+s18+$0x0] =	vst.idx.msk $0xffff, v26  }
0x90: {  	v18 =	vor.u32 v12, v18;
	v26 =	vshrl.u32 v36, $0x3;
	v25 =	vshll.u32 v25, v1;
	[tilespmem:v32+s18+$0x0] =	vst.idx.msk $0xffff, v28;
	v27 =	vld [tilespmem:s28+$0x30]  }
0x91: {  	v22 =	vor.u32 v14, v22;
	v28 =	vshll.u32 v37, v1;
	v25 =	vbroadcast v25, $0x0;
	[tilespmem:v33+s18+$0x0] =	vst.idx.msk $0xffff, v29;
	v29 =	vld [tilespmem:s28+$0x50]  }
0x92: {  	v23 =	vor.u32 v2, v23;
	v33 =	vbroadcast v28, $0x0;
	v28 =	vshll.u32 v30, v1;
	v30 =	vld [tilespmem:s28+$0xFFFFFF90];
	[tilespmem:v34+s18+$0x0] =	vst.idx.msk $0xffff, v31;
	s28 =	sadd.s32 $0x100, s28  }
0x93: {  	v34 =	vbroadcast v28, $0x0;
	v28 =	vshll.u32 v38, v1;
	v31 =	vld [tilespmem:s28+$0x60];
	v32 =	vor.u32 v15, v25;
	[tilespmem:v20+s18+$0x0] =	vst.idx.msk $0xffff, v40  }
0x94: {  	v24 =	vshll.u32 v24, v1;
	v37 =	vor.u32 v3, v33;
	v20 =	vbroadcast v28, $0x0;
	v36 =	vld [tilespmem:s28+$0xFFFFFFA0];
	[tilespmem:v19+s18+$0x0] =	vst.idx.msk $0xffff, v35  }
0x95: {  	v35 =	vor.u32 v5, v34;
	v19 =	vbroadcast v24, $0x0;
	v24 =	vshll.u32 v26, v1;
	v28 =	vld [tilespmem:s28+$0xFFFFFFC0];
	[tilespmem:v18+s18+$0x0] =	vst.idx.msk $0xffff, v27  }
0x96: {  	v21 =	vshrl.u32 v21, $0x3;
	v40 =	vor.u32 v7, v20;
	v18 =	vbroadcast v24, $0x0;
	v39 =	vld [tilespmem:s28+$0xFFFFFFE0];
	[tilespmem:v22+s18+$0x0] =	vst.idx.msk $0xffff, v29  }
0x97: {  	v17 =	vshrl.u32 v17, $0x3;
	v21 =	vshll.u32 v21, v1;
	v42 =	vor.u32 v9, v19;
	v41 =	vld [tilespmem:s28+$0x0];
	[tilespmem:v23+s18+$0x0] =	vst.idx.msk $0xffff, v30  }
0x98: {  	v22 =	vbroadcast v21, $0x0;
	v23 =	vshll.u32 v17, v1;
	v44 =	vor.u32 v11, v18;
	v43 =	vld [tilespmem:s28+$0x20];
	[tilespmem:v32+s18+$0x0] =	vst.idx.msk $0xffff, v31  }
.Ltmp7:
0x99: {  	s1 =	sadd.s32 $0x1, s30;
	s12 =	sadd.s32 $0x2, s30;
	v25 =	vor.u32 v16, v25;
	v17 =	vmov s30;
	v23 =	vbroadcast v23, $0x0;
	[tilespmem:v37+s18+$0x0] =	vst.idx.msk $0xffff, v36;
	v24 =	vld [tilespmem:s28+$0x70];
	(pc) =	sbr.rel @p1 .LBB2_9-.Ltmp7, $4  }
0x9a: {  	v30 =	vmov s1;
	s1 =	sadd.s32 $0x3, s30;
	v31 =	vmov s12;
	s12 =	sadd.s32 $0x4, s30;
	v27 =	vor.u32 v13, v22;
	[tilespmem:v35+s18+$0x0] =	vst.idx.msk $0xffff, v28;
	v26 =	vld [tilespmem:s28+$0x40]  }
0x9b: {  	v38 =	vmov s1;
	s1 =	sadd.s32 $0x5, s30;
	v35 =	vmov s12;
	s12 =	sadd.s32 $0x6, s30;
	v32 =	vor.u32 v0, v23;
	v28 =	vld [tilespmem:s28+$0xFFFFFF80];
	[tilespmem:v40+s18+$0x0] =	vst.idx.msk $0xffff, v39  }
0x9c: {  	v33 =	vor.u32 v4, v33;
	v36 =	vmov s1;
	v21 =	vmov s12;
	v29 =	vld [tilespmem:s28+$0xFFFFFFB0];
	[tilespmem:v42+s18+$0x0] =	vst.idx.msk $0xffff, v41  }
0x9d: {  	v34 =	vor.u32 v6, v34;
	v37 =	vshrl.u32 v30, $0x3;
	v30 =	vshrl.u32 v31, $0x3;
	s1 =	sadd.s32 $0x7, s30;
	s30 =	sadd.s32 $0x8, s30;
	v31 =	vld [tilespmem:s28+$0xFFFFFFD0];
	[tilespmem:v44+s18+$0x0] =	vst.idx.msk $0xffff, v43  }
0x9e: {  	_ =	sdelay $0x2  }
0x9f: {  	v38 =	vshrl.u32 v38, $0x3;
	v20 =	vor.u32 v8, v20  }
0xa0: {  	v39 =	vmov s1;
	v40 =	vld [tilespmem:s28+$0xFFFFFFF0];
	[tilespmem:v25+s18+$0x0] =	vst.idx.msk $0xffff, v24;
	v19 =	vor.u32 v10, v19;
	v18 =	vor.u32 v12, v18  }
0xa1: {  	v57 =	vshrl.u32 v35, $0x3;
	v59 =	vld [tilespmem:s28+$0x10];
	v62 =	vshll.u32 v37, v1;
	v22 =	vor.u32 v14, v22;
	[tilespmem:v27+s18+$0x0] =	vst.idx.msk $0xffff, v26  }
0xa2: {  	v60 =	vshrl.u32 v36, $0x3;
	v61 =	vld [tilespmem:s28+$0x30];
	v30 =	vshll.u32 v30, v1;
	v23 =	vor.u32 v2, v23;
	[tilespmem:v32+s18+$0x0] =	vst.idx.msk $0xffff, v28  }
0xa3: {  	v21 =	vshrl.u32 v21, $0x3;
	v24 =	vshll.u32 v57, v1;
	v63 =	vld [tilespmem:s28+$0x50];
	v28 =	vbroadcast v62, $0x0;
	[tilespmem:v33+s18+$0x0] =	vst.idx.msk $0xffff, v29  }
0xa4: {  	s12 =	sadd.s32 $0x100, s28;
	v17 =	vshrl.u32 v17, $0x3;
	v58 =	vshrl.u32 v39, $0x3;
	v24 =	vbroadcast v24, $0x0;
	v32 =	vld [tilespmem:s28+$0xFFFFFF90];
	[tilespmem:v34+s18+$0x0] =	vst.idx.msk $0xffff, v31  }
0xa5: {  	v30 =	vbroadcast v30, $0x0;
	v44 =	vld [tilespmem:s12+$0xFFFFFFA0];
	v17 =	vshll.u32 v17, v1;
	v45 =	vor.u32 v3, v28;
	[tilespmem:v20+s18+$0x0] =	vst.idx.msk $0xffff, v40  }
0xa6: {  	v48 =	vld [tilespmem:s12+$0x0];
	v25 =	vshll.u32 v58, v1;
	v17 =	vbroadcast v17, $0x0;
	v49 =	vor.u32 v9, v24;
	[tilespmem:v19+s18+$0x0] =	vst.idx.msk $0xffff, v59  }
0xa7: {  	v41 =	vshll.u32 v38, v1;
	v25 =	vbroadcast v25, $0x0;
	v46 =	vor.u32 v5, v30;
	v19 =	vld [tilespmem:s12+$0xFFFFFFC0];
	[tilespmem:v18+s18+$0x0] =	vst.idx.msk $0xffff, v61  }
0xa8: {  	v26 =	vshll.u32 v60, v1;
	v54 =	vld [tilespmem:s12+$0xFFFFFF80];
	v31 =	vbroadcast v41, $0x0;
	v55 =	vor.u32 v0, v17;
	[tilespmem:v22+s18+$0x0] =	vst.idx.msk $0xffff, v63  }
0xa9: {  	v42 =	vld [tilespmem:s12+$0x60];
	v21 =	vshll.u32 v21, v1;
	v26 =	vbroadcast v26, $0x0;
	v43 =	vor.u32 v15, v25;
	[tilespmem:v23+s18+$0x0] =	vst.idx.msk $0xffff, v32  }
0xaa: {  	v21 =	vbroadcast v21, $0x0;
	v18 =	vld [tilespmem:s12+$0xFFFFFFE0];
	v47 =	vor.u32 v7, v31;
	[tilespmem:v45+s18+$0x0] =	vst.idx.msk $0xffff, v44  }
0xab: {  	v50 =	vld [tilespmem:s12+$0x20];
	v51 =	vor.u32 v11, v26;
	[tilespmem:v49+s18+$0x0] =	vst.idx.msk $0xffff, v48  }
0xac: {  	v53 =	vor.u32 v13, v21;
	[tilespmem:v46+s18+$0x0] =	vst.idx.msk $0xffff, v19;
	v19 =	vld [tilespmem:s12+$0x40]  }
0xad: {  	v24 =	vor.u32 v10, v24;
	[tilespmem:v55+s18+$0x0] =	vst.idx.msk $0xffff, v54;
	v61 =	vld [tilespmem:s12+$0x10]  }
0xae: {  	v17 =	vor.u32 v2, v17;
	[tilespmem:v43+s18+$0x0] =	vst.idx.msk $0xffff, v42;
	v63 =	vld [tilespmem:s12+$0xFFFFFF90]  }
0xaf: {  	v56 =	vor.u32 v4, v28;
	[tilespmem:v47+s18+$0x0] =	vst.idx.msk $0xffff, v18;
	v18 =	vld [tilespmem:s12+$0xFFFFFFB0]  }
0xb0: {  	v25 =	vor.u32 v16, v25;
	[tilespmem:v51+s18+$0x0] =	vst.idx.msk $0xffff, v50;
	v52 =	vld [tilespmem:s12+$0x70]  }
0xb1: {  	v58 =	vor.u32 v6, v30;
	v57 =	vld [tilespmem:s12+$0xFFFFFFD0];
	[tilespmem:v53+s18+$0x0] =	vst.idx.msk $0xffff, v19  }
0xb2: {  	v60 =	vor.u32 v8, v31;
	v59 =	vld [tilespmem:s12+$0xFFFFFFF0];
	[tilespmem:v24+s18+$0x0] =	vst.idx.msk $0xffff, v61  }
0xb3: {  	v62 =	vor.u32 v12, v26;
	v19 =	vld [tilespmem:s12+$0x30];
	[tilespmem:v17+s18+$0x0] =	vst.idx.msk $0xffff, v63  }
0xb4: {  	v21 =	vor.u32 v14, v21;
	[tilespmem:v56+s18+$0x0] =	vst.idx.msk $0xffff, v18;
	v18 =	vld [tilespmem:s12+$0x50]  }
0xb5: {  	s26 =	sadd.s32 s5, s26;
	[tilespmem:v25+s18+$0x0] =	vst.idx.msk $0xffff, v52  }
0xb6: {  	s1 =	sshll.u32 s26, $0x7;
	[tilespmem:v58+s18+$0x0] =	vst.idx.msk $0xffff, v57;
	s12 =	sshll.u32 s26, $0x9  }
0xb7: {  	s1 =	sand.u32 $0x3D80, s1;
	[tilespmem:v60+s18+$0x0] =	vst.idx.msk $0xffff, v59;
	s12 =	sand.u32 $0x1FFF0000, s12  }
0xb8: {  	s1 =	sor.u32 s1, s12;
	[tilespmem:v62+s18+$0x0] =	vst.idx.msk $0xffff, v19  }
0xb9: {  	s12 =	sadd.s32 s2, s1;
	[tilespmem:v21+s18+$0x0] =	vst.idx.msk $0xffff, v18  }
0xba: {  	[hbm4b:s12+s3] =	stream.linear.scatter [tilespmem:s18], [sflag:$0xA], $0x400, $0x38;
	[tilespmem:$0x10400] =	vst v63  }
0xbb: {  	s28 =	sadd.s32 s1, s7  }
0xbc: {  	[hbm4b:s28+s3] =	stream.linear.scatter [tilespmem:s19], [sflag:$0xA], $0x400, $0x38;
	[tilespmem:$0x10400] =	vst v63  }
.Ltmp8:
0xbd: {  	_ = 	snop;
	(pc) =	sbr.rel @p0 .LBB2_12-.Ltmp8, $4  }
0xbe: {  	s30 =	sadd.s32 s1, s8  }
0xbf: {  	[hbm4b:s30+s3] =	stream.linear.scatter [tilespmem:s20], [sflag:$0xA], $0x400, $0x38;
	[tilespmem:$0x10400] =	vst v63  }
0xc0: {  	s26 =	simm.s32 $0xC4;
	s1 =	sadd.s32 s1, s9  }
0xc1: {  	[hbm4b:s1+s3] =	stream.linear.scatter [tilespmem:s21], [sflag:$0xA], $0x400, $0x38;
	[tilespmem:$0x10400] =	vst v63  }
.LBB2_11:
0xc2: {  	s26 =	sadd.s32 $0xFFFFFFFC, s10  }
0xc3: {  	p1 =	sgt.u32 s26, $0xC7  }
.Ltmp9:
0xc4: {  	_ = 	snop;
	(pc) =	sbr.rel @p1 .LBB2_16-.Ltmp9, $4  }
0xc5: {  	s28 =	sshll.u32 s6, $0xC  }
0xc6: {  	s1 =	sshrl.u32 s28, $0x2  }
0xc7: {  	s12 =	simm.s32 $0x8400;
	s1 =	sor.u32 $0x100, s1  }
0xc8: {  	[tilespmem:s12], [sflag:$0x3] =	stream.indirect.gather [hbm4b:s4+s29], $0x20, s1, s29, $0xb8;
	[tilespmem:$0x10400] =	vst v63  }
.LBB2_12:
0xc9: {  	s1 =	simm.s32 $0x0  }
0xca: {  	s12 =	simm.s32 $0x2;
	s28 =	simm.s32 $0x3;
	v17 =	vmov s1;
	s1 =	simm.s32 $0x1  }
0xcb: {  	_ =	swait.ge [sflag:s22], $0x1000;
	v19 =	vmov s12;
	v20 =	vmov s28;
	s12 =	simm.s32 $0x5;
	s28 =	simm.s32 $0x7;
	v18 =	vmov s1  }
0xcc: {  	p1 =	seq.s32 s6, $0x0;
	[sflag:s22] =	ssyncset.done $0x0;
	s1 =	simm.s32 $0x4;
	v22 =	vmov s12;
	v23 =	vmov s28;
	v19 =	vshrl.u32 v19, $0x3  }
0xcd: {  	[sflag:s22] =	ssyncadd.s32 $0xFFFFF000;
	s12 =	simm.s32 @!p1 $0x9;
	v20 =	vshrl.u32 v20, $0x3;
	v21 =	vmov s1;
	v23 =	vshrl.u32 v23, $0x3  }
0xce: {  	s1 =	simm.s32 $0x6;
	v18 =	vshrl.u32 v18, $0x3;
	_ =	swait.ge @!p1 [sflag:s12], $0x1000;
	v22 =	vshrl.u32 v22, $0x3;
	v23 =	vshll.u32 v23, v1  }
0xcf: {  	v24 =	vmov s1;
	[sflag:s12] =	ssyncset.done @!p1 $0x0;
	v18 =	vshll.u32 v18, v1;
	v25 =	vbroadcast v23, $0x0  }
0xd0: {  	s28 =	simm.s32 $0xA480;
	v21 =	vshrl.u32 v21, $0x3;
	[sflag:s12] =	ssyncadd.s32 @!p1 $0xFFFFF000;
	v30 =	vbroadcast v18, $0x0;
	v18 =	vshll.u32 v19, v1  }
0xd1: {  	v34 =	vbroadcast v18, $0x0;
	v18 =	vshll.u32 v20, v1;
	v23 =	vld [tilespmem:s28+$0x60];
	v26 =	vor.u32 v15, v25  }
0xd2: {  	v27 =	vld [tilespmem:s28+$0xFFFFFFA0];
	v28 =	vor.u32 v3, v30;
	v20 =	vbroadcast v18, $0x0;
	v18 =	vshll.u32 v21, v1  }
0xd3: {  	v21 =	vld [tilespmem:s28+$0xFFFFFFC0];
	v29 =	vor.u32 v5, v34;
	v19 =	vbroadcast v18, $0x0;
	v18 =	vshll.u32 v22, v1  }
0xd4: {  	v31 =	vld [tilespmem:s28+$0xFFFFFFE0];
	v22 =	vshrl.u32 v24, $0x3;
	v33 =	vor.u32 v7, v20;
	v18 =	vbroadcast v18, $0x0  }
0xd5: {  	v17 =	vshrl.u32 v17, $0x3;
	v37 =	vld [tilespmem:s28+$0x0];
	v22 =	vshll.u32 v22, v1;
	v39 =	vor.u32 v9, v19  }
0xd6: {  	s1 =	simm.s32 $0x9;
	v40 =	vld [tilespmem:s28+$0x20];
	v24 =	vshll.u32 v17, v1;
	v22 =	vbroadcast v22, $0x0;
	v41 =	vor.u32 v11, v18;
	[tilespmem:v26+s13+$0x0] =	vst.idx.msk $0xffff, v23  }
0xd7: {  	s12 =	simm.s32 $0x8;
	v42 =	vmov s1;
	s1 =	simm.s32 $0xB;
	v25 =	vor.u32 v16, v25;
	v23 =	vbroadcast v24, $0x0;
	[tilespmem:v28+s13+$0x0] =	vst.idx.msk $0xffff, v27;
	v24 =	vld [tilespmem:s28+$0x70]  }
0xd8: {  	v38 =	vmov s1;
	s1 =	simm.s32 $0xD;
	v17 =	vmov s12;
	s12 =	simm.s32 $0xA;
	v26 =	vld [tilespmem:s28+$0x40];
	v27 =	vor.u32 v13, v22;
	[tilespmem:v29+s13+$0x0] =	vst.idx.msk $0xffff, v21  }
0xd9: {  	v36 =	vmov s1;
	v43 =	vmov s12;
	s12 =	simm.s32 $0xC;
	v28 =	vld [tilespmem:s28+$0xFFFFFF80];
	v32 =	vor.u32 v0, v23;
	[tilespmem:v33+s13+$0x0] =	vst.idx.msk $0xffff, v31  }
0xda: {  	v34 =	vor.u32 v6, v34;
	v35 =	vmov s12;
	s12 =	simm.s32 $0xE;
	v29 =	vld [tilespmem:s28+$0xFFFFFFB0];
	v33 =	vor.u32 v4, v30;
	[tilespmem:v39+s13+$0x0] =	vst.idx.msk $0xffff, v37  }
0xdb: {  	s30 =	simm.s32 $0x10;
	s1 =	simm.s32 $0xF;
	v21 =	vmov s12;
	v30 =	vshrl.u32 v43, $0x3;
	v31 =	vld [tilespmem:s28+$0xFFFFFFD0];
	v37 =	vshrl.u32 v42, $0x3;
	[tilespmem:v41+s13+$0x0] =	vst.idx.msk $0xffff, v40  }
.LBB2_13:
0xdc: {  	p1 =	slt.u32 s30, $0x78;
	v38 =	vshrl.u32 v38, $0x3;
	v39 =	vmov s1;
	v40 =	vld [tilespmem:s28+$0xFFFFFFF0];
	v20 =	vor.u32 v8, v20;
	[tilespmem:v25+s13+$0x0] =	vst.idx.msk $0xffff, v24  }
0xdd: {  	v24 =	vshrl.u32 v35, $0x3;
	v19 =	vor.u32 v10, v19;
	v25 =	vshrl.u32 v39, $0x3;
	v35 =	vld [tilespmem:s28+$0x10];
	[tilespmem:v27+s13+$0x0] =	vst.idx.msk $0xffff, v26  }
0xde: {  	v18 =	vor.u32 v12, v18;
	v26 =	vshrl.u32 v36, $0x3;
	v25 =	vshll.u32 v25, v1;
	[tilespmem:v32+s13+$0x0] =	vst.idx.msk $0xffff, v28;
	v27 =	vld [tilespmem:s28+$0x30]  }
0xdf: {  	v22 =	vor.u32 v14, v22;
	v28 =	vshll.u32 v37, v1;
	v25 =	vbroadcast v25, $0x0;
	[tilespmem:v33+s13+$0x0] =	vst.idx.msk $0xffff, v29;
	v29 =	vld [tilespmem:s28+$0x50]  }
0xe0: {  	v23 =	vor.u32 v2, v23;
	v33 =	vbroadcast v28, $0x0;
	v28 =	vshll.u32 v30, v1;
	v30 =	vld [tilespmem:s28+$0xFFFFFF90];
	[tilespmem:v34+s13+$0x0] =	vst.idx.msk $0xffff, v31;
	s28 =	sadd.s32 $0x100, s28  }
0xe1: {  	v34 =	vbroadcast v28, $0x0;
	v28 =	vshll.u32 v38, v1;
	v31 =	vld [tilespmem:s28+$0x60];
	v32 =	vor.u32 v15, v25;
	[tilespmem:v20+s13+$0x0] =	vst.idx.msk $0xffff, v40  }
0xe2: {  	v24 =	vshll.u32 v24, v1;
	v37 =	vor.u32 v3, v33;
	v20 =	vbroadcast v28, $0x0;
	v36 =	vld [tilespmem:s28+$0xFFFFFFA0];
	[tilespmem:v19+s13+$0x0] =	vst.idx.msk $0xffff, v35  }
0xe3: {  	v35 =	vor.u32 v5, v34;
	v19 =	vbroadcast v24, $0x0;
	v24 =	vshll.u32 v26, v1;
	v28 =	vld [tilespmem:s28+$0xFFFFFFC0];
	[tilespmem:v18+s13+$0x0] =	vst.idx.msk $0xffff, v27  }
0xe4: {  	v21 =	vshrl.u32 v21, $0x3;
	v40 =	vor.u32 v7, v20;
	v18 =	vbroadcast v24, $0x0;
	v39 =	vld [tilespmem:s28+$0xFFFFFFE0];
	[tilespmem:v22+s13+$0x0] =	vst.idx.msk $0xffff, v29  }
0xe5: {  	v17 =	vshrl.u32 v17, $0x3;
	v21 =	vshll.u32 v21, v1;
	v42 =	vor.u32 v9, v19;
	v41 =	vld [tilespmem:s28+$0x0];
	[tilespmem:v23+s13+$0x0] =	vst.idx.msk $0xffff, v30  }
0xe6: {  	v22 =	vbroadcast v21, $0x0;
	v23 =	vshll.u32 v17, v1;
	v44 =	vor.u32 v11, v18;
	v43 =	vld [tilespmem:s28+$0x20];
	[tilespmem:v32+s13+$0x0] =	vst.idx.msk $0xffff, v31  }
.Ltmp10:
0xe7: {  	s1 =	sadd.s32 $0x1, s30;
	s12 =	sadd.s32 $0x2, s30;
	v25 =	vor.u32 v16, v25;
	v17 =	vmov s30;
	v23 =	vbroadcast v23, $0x0;
	[tilespmem:v37+s13+$0x0] =	vst.idx.msk $0xffff, v36;
	v24 =	vld [tilespmem:s28+$0x70];
	(pc) =	sbr.rel @p1 .LBB2_13-.Ltmp10, $4  }
0xe8: {  	v30 =	vmov s1;
	s1 =	sadd.s32 $0x3, s30;
	v31 =	vmov s12;
	s12 =	sadd.s32 $0x4, s30;
	v27 =	vor.u32 v13, v22;
	[tilespmem:v35+s13+$0x0] =	vst.idx.msk $0xffff, v28;
	v26 =	vld [tilespmem:s28+$0x40]  }
0xe9: {  	v38 =	vmov s1;
	s1 =	sadd.s32 $0x5, s30;
	v35 =	vmov s12;
	s12 =	sadd.s32 $0x6, s30;
	v32 =	vor.u32 v0, v23;
	v28 =	vld [tilespmem:s28+$0xFFFFFF80];
	[tilespmem:v40+s13+$0x0] =	vst.idx.msk $0xffff, v39  }
0xea: {  	v33 =	vor.u32 v4, v33;
	v36 =	vmov s1;
	v21 =	vmov s12;
	v29 =	vld [tilespmem:s28+$0xFFFFFFB0];
	[tilespmem:v42+s13+$0x0] =	vst.idx.msk $0xffff, v41  }
0xeb: {  	v34 =	vor.u32 v6, v34;
	v37 =	vshrl.u32 v30, $0x3;
	v30 =	vshrl.u32 v31, $0x3;
	s1 =	sadd.s32 $0x7, s30;
	s30 =	sadd.s32 $0x8, s30;
	v31 =	vld [tilespmem:s28+$0xFFFFFFD0];
	[tilespmem:v44+s13+$0x0] =	vst.idx.msk $0xffff, v43  }
0xec: {  	_ =	sdelay $0x2  }
0xed: {  	v38 =	vshrl.u32 v38, $0x3;
	v20 =	vor.u32 v8, v20  }
0xee: {  	v39 =	vmov s1;
	v40 =	vld [tilespmem:s28+$0xFFFFFFF0];
	[tilespmem:v25+s13+$0x0] =	vst.idx.msk $0xffff, v24;
	v19 =	vor.u32 v10, v19;
	v18 =	vor.u32 v12, v18  }
0xef: {  	v57 =	vshrl.u32 v35, $0x3;
	v59 =	vld [tilespmem:s28+$0x10];
	v62 =	vshll.u32 v37, v1;
	v22 =	vor.u32 v14, v22;
	[tilespmem:v27+s13+$0x0] =	vst.idx.msk $0xffff, v26  }
0xf0: {  	v60 =	vshrl.u32 v36, $0x3;
	v61 =	vld [tilespmem:s28+$0x30];
	v30 =	vshll.u32 v30, v1;
	v23 =	vor.u32 v2, v23;
	[tilespmem:v32+s13+$0x0] =	vst.idx.msk $0xffff, v28  }
0xf1: {  	v21 =	vshrl.u32 v21, $0x3;
	v24 =	vshll.u32 v57, v1;
	v63 =	vld [tilespmem:s28+$0x50];
	v28 =	vbroadcast v62, $0x0;
	[tilespmem:v33+s13+$0x0] =	vst.idx.msk $0xffff, v29  }
0xf2: {  	s12 =	sadd.s32 $0x100, s28;
	v17 =	vshrl.u32 v17, $0x3;
	v58 =	vshrl.u32 v39, $0x3;
	v24 =	vbroadcast v24, $0x0;
	v32 =	vld [tilespmem:s28+$0xFFFFFF90];
	[tilespmem:v34+s13+$0x0] =	vst.idx.msk $0xffff, v31  }
0xf3: {  	v30 =	vbroadcast v30, $0x0;
	v44 =	vld [tilespmem:s12+$0xFFFFFFA0];
	v17 =	vshll.u32 v17, v1;
	v45 =	vor.u32 v3, v28;
	[tilespmem:v20+s13+$0x0] =	vst.idx.msk $0xffff, v40  }
0xf4: {  	v48 =	vld [tilespmem:s12+$0x0];
	v25 =	vshll.u32 v58, v1;
	v17 =	vbroadcast v17, $0x0;
	v49 =	vor.u32 v9, v24;
	[tilespmem:v19+s13+$0x0] =	vst.idx.msk $0xffff, v59  }
0xf5: {  	v41 =	vshll.u32 v38, v1;
	v25 =	vbroadcast v25, $0x0;
	v46 =	vor.u32 v5, v30;
	v19 =	vld [tilespmem:s12+$0xFFFFFFC0];
	[tilespmem:v18+s13+$0x0] =	vst.idx.msk $0xffff, v61  }
0xf6: {  	v26 =	vshll.u32 v60, v1;
	v54 =	vld [tilespmem:s12+$0xFFFFFF80];
	v31 =	vbroadcast v41, $0x0;
	v55 =	vor.u32 v0, v17;
	[tilespmem:v22+s13+$0x0] =	vst.idx.msk $0xffff, v63  }
0xf7: {  	v42 =	vld [tilespmem:s12+$0x60];
	v21 =	vshll.u32 v21, v1;
	v26 =	vbroadcast v26, $0x0;
	v43 =	vor.u32 v15, v25;
	[tilespmem:v23+s13+$0x0] =	vst.idx.msk $0xffff, v32  }
0xf8: {  	v21 =	vbroadcast v21, $0x0;
	v18 =	vld [tilespmem:s12+$0xFFFFFFE0];
	v47 =	vor.u32 v7, v31;
	[tilespmem:v45+s13+$0x0] =	vst.idx.msk $0xffff, v44  }
0xf9: {  	v50 =	vld [tilespmem:s12+$0x20];
	v51 =	vor.u32 v11, v26;
	[tilespmem:v49+s13+$0x0] =	vst.idx.msk $0xffff, v48  }
0xfa: {  	v53 =	vor.u32 v13, v21;
	[tilespmem:v46+s13+$0x0] =	vst.idx.msk $0xffff, v19;
	v19 =	vld [tilespmem:s12+$0x40]  }
0xfb: {  	v24 =	vor.u32 v10, v24;
	[tilespmem:v55+s13+$0x0] =	vst.idx.msk $0xffff, v54;
	v61 =	vld [tilespmem:s12+$0x10]  }
0xfc: {  	v17 =	vor.u32 v2, v17;
	[tilespmem:v43+s13+$0x0] =	vst.idx.msk $0xffff, v42;
	v63 =	vld [tilespmem:s12+$0xFFFFFF90]  }
0xfd: {  	v56 =	vor.u32 v4, v28;
	[tilespmem:v47+s13+$0x0] =	vst.idx.msk $0xffff, v18;
	v18 =	vld [tilespmem:s12+$0xFFFFFFB0]  }
0xfe: {  	v25 =	vor.u32 v16, v25;
	[tilespmem:v51+s13+$0x0] =	vst.idx.msk $0xffff, v50;
	v52 =	vld [tilespmem:s12+$0x70]  }
0xff: {  	v58 =	vor.u32 v6, v30;
	v57 =	vld [tilespmem:s12+$0xFFFFFFD0];
	[tilespmem:v53+s13+$0x0] =	vst.idx.msk $0xffff, v19  }
0x100: {  	v60 =	vor.u32 v8, v31;
	v59 =	vld [tilespmem:s12+$0xFFFFFFF0];
	[tilespmem:v24+s13+$0x0] =	vst.idx.msk $0xffff, v61  }
0x101: {  	v62 =	vor.u32 v12, v26;
	v19 =	vld [tilespmem:s12+$0x30];
	[tilespmem:v17+s13+$0x0] =	vst.idx.msk $0xffff, v63  }
0x102: {  	v21 =	vor.u32 v14, v21;
	[tilespmem:v56+s13+$0x0] =	vst.idx.msk $0xffff, v18;
	v18 =	vld [tilespmem:s12+$0x50]  }
0x103: {  	s26 =	sadd.s32 s5, s26;
	[tilespmem:v25+s13+$0x0] =	vst.idx.msk $0xffff, v52  }
0x104: {  	s1 =	sshll.u32 s26, $0x7;
	[tilespmem:v58+s13+$0x0] =	vst.idx.msk $0xffff, v57;
	s12 =	sshll.u32 s26, $0x9  }
0x105: {  	s1 =	sand.u32 $0x3E00, s1;
	[tilespmem:v60+s13+$0x0] =	vst.idx.msk $0xffff, v59;
	s12 =	sand.u32 $0x1FFF0000, s12  }
0x106: {  	s1 =	sor.u32 s1, s12;
	[tilespmem:v62+s13+$0x0] =	vst.idx.msk $0xffff, v19  }
0x107: {  	s12 =	sadd.s32 s2, s1;
	[tilespmem:v21+s13+$0x0] =	vst.idx.msk $0xffff, v18  }
0x108: {  	[hbm4b:s12+s3] =	stream.linear.scatter [tilespmem:s13], [sflag:$0x9], $0x400, $0x38;
	[tilespmem:$0x10400] =	vst v63  }
0x109: {  	s28 =	sadd.s32 s1, s7  }
0x10a: {  	[hbm4b:s28+s3] =	stream.linear.scatter [tilespmem:s14], [sflag:$0x9], $0x400, $0x38;
	[tilespmem:$0x10400] =	vst v63  }
.Ltmp11:
0x10b: {  	_ = 	snop;
	(pc) =	sbr.rel @p0 .LBB2_17-.Ltmp11, $4  }
0x10c: {  	s30 =	sadd.s32 s1, s8  }
0x10d: {  	[hbm4b:s30+s3] =	stream.linear.scatter [tilespmem:s15], [sflag:$0x9], $0x400, $0x38;
	[tilespmem:$0x10400] =	vst v63  }
0x10e: {  	s26 =	simm.s32 $0xC5;
	s1 =	sadd.s32 s1, s9  }
0x10f: {  	[hbm4b:s1+s3] =	stream.linear.scatter [tilespmem:s16], [sflag:$0x9], $0x400, $0x38;
	[tilespmem:$0x10400] =	vst v63  }
0x110: {  	s28 =	sshll.u32 s6, $0xC  }
.LBB2_16:
0x111: {  	s26 =	sadd.s32 $0xFFFFFFFD, s10  }
0x112: {  	p1 =	sgt.u32 s26, $0xC7  }
.Ltmp12:
0x113: {  	_ = 	snop;
	(pc) =	sbr.rel @p1 .LBB2_21-.Ltmp12, $4  }
0x114: {  	_ = 	snop  }
0x115: {  	s1 =	sshrl.u32 s28, $0x2  }
0x116: {  	s12 =	simm.s32 $0x9400;
	s1 =	sadd.s32 $0x180, s1  }
0x117: {  	[tilespmem:s12], [sflag:$0x4] =	stream.indirect.gather [hbm4b:s4+s29], $0x20, s1, s29, $0xb8;
	[tilespmem:$0x10400] =	vst v63  }
.LBB2_17:
0x118: {  	s1 =	simm.s32 $0x0  }
0x119: {  	s12 =	simm.s32 $0x2;
	s28 =	simm.s32 $0x3;
	v17 =	vmov s1;
	s1 =	simm.s32 $0x1  }
0x11a: {  	_ =	swait.ge [sflag:s23], $0x1000;
	v19 =	vmov s12;
	v20 =	vmov s28;
	s12 =	simm.s32 $0x5;
	s28 =	simm.s32 $0x7;
	v18 =	vmov s1  }
0x11b: {  	p1 =	seq.s32 s6, $0x0;
	[sflag:s23] =	ssyncset.done $0x0;
	s1 =	simm.s32 $0x4;
	v22 =	vmov s12;
	v23 =	vmov s28;
	v19 =	vshrl.u32 v19, $0x3  }
0x11c: {  	[sflag:s23] =	ssyncadd.s32 $0xFFFFF000;
	s12 =	simm.s32 @!p1 $0xA;
	v20 =	vshrl.u32 v20, $0x3;
	v21 =	vmov s1;
	v23 =	vshrl.u32 v23, $0x3  }
0x11d: {  	s1 =	simm.s32 $0x6;
	v18 =	vshrl.u32 v18, $0x3;
	_ =	swait.ge @!p1 [sflag:s12], $0x1000;
	v22 =	vshrl.u32 v22, $0x3;
	v23 =	vshll.u32 v23, v1  }
0x11e: {  	v24 =	vmov s1;
	[sflag:s12] =	ssyncset.done @!p1 $0x0;
	v18 =	vshll.u32 v18, v1;
	v25 =	vbroadcast v23, $0x0  }
0x11f: {  	s28 =	simm.s32 $0xB480;
	v21 =	vshrl.u32 v21, $0x3;
	[sflag:s12] =	ssyncadd.s32 @!p1 $0xFFFFF000;
	v30 =	vbroadcast v18, $0x0;
	v18 =	vshll.u32 v19, v1  }
0x120: {  	v34 =	vbroadcast v18, $0x0;
	v18 =	vshll.u32 v20, v1;
	v23 =	vld [tilespmem:s28+$0x60];
	v26 =	vor.u32 v15, v25  }
0x121: {  	v27 =	vld [tilespmem:s28+$0xFFFFFFA0];
	v28 =	vor.u32 v3, v30;
	v20 =	vbroadcast v18, $0x0;
	v18 =	vshll.u32 v21, v1  }
0x122: {  	v21 =	vld [tilespmem:s28+$0xFFFFFFC0];
	v29 =	vor.u32 v5, v34;
	v19 =	vbroadcast v18, $0x0;
	v18 =	vshll.u32 v22, v1  }
0x123: {  	v31 =	vld [tilespmem:s28+$0xFFFFFFE0];
	v22 =	vshrl.u32 v24, $0x3;
	v33 =	vor.u32 v7, v20;
	v18 =	vbroadcast v18, $0x0  }
0x124: {  	v17 =	vshrl.u32 v17, $0x3;
	v37 =	vld [tilespmem:s28+$0x0];
	v22 =	vshll.u32 v22, v1;
	v39 =	vor.u32 v9, v19  }
0x125: {  	s1 =	simm.s32 $0x9;
	v40 =	vld [tilespmem:s28+$0x20];
	v24 =	vshll.u32 v17, v1;
	v22 =	vbroadcast v22, $0x0;
	v41 =	vor.u32 v11, v18;
	[tilespmem:v26+s18+$0x0] =	vst.idx.msk $0xffff, v23  }
0x126: {  	s12 =	simm.s32 $0x8;
	v42 =	vmov s1;
	s1 =	simm.s32 $0xB;
	v25 =	vor.u32 v16, v25;
	v23 =	vbroadcast v24, $0x0;
	[tilespmem:v28+s18+$0x0] =	vst.idx.msk $0xffff, v27;
	v24 =	vld [tilespmem:s28+$0x70]  }
0x127: {  	v38 =	vmov s1;
	s1 =	simm.s32 $0xD;
	v17 =	vmov s12;
	s12 =	simm.s32 $0xA;
	v26 =	vld [tilespmem:s28+$0x40];
	v27 =	vor.u32 v13, v22;
	[tilespmem:v29+s18+$0x0] =	vst.idx.msk $0xffff, v21  }
0x128: {  	v36 =	vmov s1;
	v43 =	vmov s12;
	s12 =	simm.s32 $0xC;
	v28 =	vld [tilespmem:s28+$0xFFFFFF80];
	v32 =	vor.u32 v0, v23;
	[tilespmem:v33+s18+$0x0] =	vst.idx.msk $0xffff, v31  }
0x129: {  	v34 =	vor.u32 v6, v34;
	v35 =	vmov s12;
	s12 =	simm.s32 $0xE;
	v29 =	vld [tilespmem:s28+$0xFFFFFFB0];
	v33 =	vor.u32 v4, v30;
	[tilespmem:v39+s18+$0x0] =	vst.idx.msk $0xffff, v37  }
0x12a: {  	s30 =	simm.s32 $0x10;
	s1 =	simm.s32 $0xF;
	v21 =	vmov s12;
	v30 =	vshrl.u32 v43, $0x3;
	v31 =	vld [tilespmem:s28+$0xFFFFFFD0];
	v37 =	vshrl.u32 v42, $0x3;
	[tilespmem:v41+s18+$0x0] =	vst.idx.msk $0xffff, v40  }
.LBB2_18:
0x12b: {  	p1 =	slt.u32 s30, $0x78;
	v38 =	vshrl.u32 v38, $0x3;
	v39 =	vmov s1;
	v40 =	vld [tilespmem:s28+$0xFFFFFFF0];
	v20 =	vor.u32 v8, v20;
	[tilespmem:v25+s18+$0x0] =	vst.idx.msk $0xffff, v24  }
0x12c: {  	v24 =	vshrl.u32 v35, $0x3;
	v19 =	vor.u32 v10, v19;
	v25 =	vshrl.u32 v39, $0x3;
	v35 =	vld [tilespmem:s28+$0x10];
	[tilespmem:v27+s18+$0x0] =	vst.idx.msk $0xffff, v26  }
0x12d: {  	v18 =	vor.u32 v12, v18;
	v26 =	vshrl.u32 v36, $0x3;
	v25 =	vshll.u32 v25, v1;
	[tilespmem:v32+s18+$0x0] =	vst.idx.msk $0xffff, v28;
	v27 =	vld [tilespmem:s28+$0x30]  }
0x12e: {  	v22 =	vor.u32 v14, v22;
	v28 =	vshll.u32 v37, v1;
	v25 =	vbroadcast v25, $0x0;
	[tilespmem:v33+s18+$0x0] =	vst.idx.msk $0xffff, v29;
	v29 =	vld [tilespmem:s28+$0x50]  }
0x12f: {  	v23 =	vor.u32 v2, v23;
	v33 =	vbroadcast v28, $0x0;
	v28 =	vshll.u32 v30, v1;
	v30 =	vld [tilespmem:s28+$0xFFFFFF90];
	[tilespmem:v34+s18+$0x0] =	vst.idx.msk $0xffff, v31;
	s28 =	sadd.s32 $0x100, s28  }
0x130: {  	v34 =	vbroadcast v28, $0x0;
	v28 =	vshll.u32 v38, v1;
	v31 =	vld [tilespmem:s28+$0x60];
	v32 =	vor.u32 v15, v25;
	[tilespmem:v20+s18+$0x0] =	vst.idx.msk $0xffff, v40  }
0x131: {  	v24 =	vshll.u32 v24, v1;
	v37 =	vor.u32 v3, v33;
	v20 =	vbroadcast v28, $0x0;
	v36 =	vld [tilespmem:s28+$0xFFFFFFA0];
	[tilespmem:v19+s18+$0x0] =	vst.idx.msk $0xffff, v35  }
0x132: {  	v35 =	vor.u32 v5, v34;
	v19 =	vbroadcast v24, $0x0;
	v24 =	vshll.u32 v26, v1;
	v28 =	vld [tilespmem:s28+$0xFFFFFFC0];
	[tilespmem:v18+s18+$0x0] =	vst.idx.msk $0xffff, v27  }
0x133: {  	v21 =	vshrl.u32 v21, $0x3;
	v40 =	vor.u32 v7, v20;
	v18 =	vbroadcast v24, $0x0;
	v39 =	vld [tilespmem:s28+$0xFFFFFFE0];
	[tilespmem:v22+s18+$0x0] =	vst.idx.msk $0xffff, v29  }
0x134: {  	v17 =	vshrl.u32 v17, $0x3;
	v21 =	vshll.u32 v21, v1;
	v42 =	vor.u32 v9, v19;
	v41 =	vld [tilespmem:s28+$0x0];
	[tilespmem:v23+s18+$0x0] =	vst.idx.msk $0xffff, v30  }
0x135: {  	v22 =	vbroadcast v21, $0x0;
	v23 =	vshll.u32 v17, v1;
	v44 =	vor.u32 v11, v18;
	v43 =	vld [tilespmem:s28+$0x20];
	[tilespmem:v32+s18+$0x0] =	vst.idx.msk $0xffff, v31  }
.Ltmp13:
0x136: {  	s1 =	sadd.s32 $0x1, s30;
	s12 =	sadd.s32 $0x2, s30;
	v25 =	vor.u32 v16, v25;
	v17 =	vmov s30;
	v23 =	vbroadcast v23, $0x0;
	[tilespmem:v37+s18+$0x0] =	vst.idx.msk $0xffff, v36;
	v24 =	vld [tilespmem:s28+$0x70];
	(pc) =	sbr.rel @p1 .LBB2_18-.Ltmp13, $4  }
0x137: {  	v30 =	vmov s1;
	s1 =	sadd.s32 $0x3, s30;
	v31 =	vmov s12;
	s12 =	sadd.s32 $0x4, s30;
	v27 =	vor.u32 v13, v22;
	[tilespmem:v35+s18+$0x0] =	vst.idx.msk $0xffff, v28;
	v26 =	vld [tilespmem:s28+$0x40]  }
0x138: {  	v38 =	vmov s1;
	s1 =	sadd.s32 $0x5, s30;
	v35 =	vmov s12;
	s12 =	sadd.s32 $0x6, s30;
	v32 =	vor.u32 v0, v23;
	v28 =	vld [tilespmem:s28+$0xFFFFFF80];
	[tilespmem:v40+s18+$0x0] =	vst.idx.msk $0xffff, v39  }
0x139: {  	v33 =	vor.u32 v4, v33;
	v36 =	vmov s1;
	v21 =	vmov s12;
	v29 =	vld [tilespmem:s28+$0xFFFFFFB0];
	[tilespmem:v42+s18+$0x0] =	vst.idx.msk $0xffff, v41  }
0x13a: {  	v34 =	vor.u32 v6, v34;
	v37 =	vshrl.u32 v30, $0x3;
	v30 =	vshrl.u32 v31, $0x3;
	s1 =	sadd.s32 $0x7, s30;
	s30 =	sadd.s32 $0x8, s30;
	v31 =	vld [tilespmem:s28+$0xFFFFFFD0];
	[tilespmem:v44+s18+$0x0] =	vst.idx.msk $0xffff, v43  }
0x13b: {  	_ =	sdelay $0x2  }
0x13c: {  	v38 =	vshrl.u32 v38, $0x3;
	v20 =	vor.u32 v8, v20  }
0x13d: {  	v39 =	vmov s1;
	v40 =	vld [tilespmem:s28+$0xFFFFFFF0];
	[tilespmem:v25+s18+$0x0] =	vst.idx.msk $0xffff, v24;
	v19 =	vor.u32 v10, v19;
	v18 =	vor.u32 v12, v18  }
0x13e: {  	v57 =	vshrl.u32 v35, $0x3;
	v59 =	vld [tilespmem:s28+$0x10];
	v62 =	vshll.u32 v37, v1;
	v22 =	vor.u32 v14, v22;
	[tilespmem:v27+s18+$0x0] =	vst.idx.msk $0xffff, v26  }
0x13f: {  	v60 =	vshrl.u32 v36, $0x3;
	v61 =	vld [tilespmem:s28+$0x30];
	v30 =	vshll.u32 v30, v1;
	v23 =	vor.u32 v2, v23;
	[tilespmem:v32+s18+$0x0] =	vst.idx.msk $0xffff, v28  }
0x140: {  	v21 =	vshrl.u32 v21, $0x3;
	v24 =	vshll.u32 v57, v1;
	v63 =	vld [tilespmem:s28+$0x50];
	v28 =	vbroadcast v62, $0x0;
	[tilespmem:v33+s18+$0x0] =	vst.idx.msk $0xffff, v29  }
0x141: {  	s12 =	sadd.s32 $0x100, s28;
	v17 =	vshrl.u32 v17, $0x3;
	v58 =	vshrl.u32 v39, $0x3;
	v24 =	vbroadcast v24, $0x0;
	v32 =	vld [tilespmem:s28+$0xFFFFFF90];
	[tilespmem:v34+s18+$0x0] =	vst.idx.msk $0xffff, v31  }
0x142: {  	v30 =	vbroadcast v30, $0x0;
	v44 =	vld [tilespmem:s12+$0xFFFFFFA0];
	v17 =	vshll.u32 v17, v1;
	v45 =	vor.u32 v3, v28;
	[tilespmem:v20+s18+$0x0] =	vst.idx.msk $0xffff, v40  }
0x143: {  	v48 =	vld [tilespmem:s12+$0x0];
	v25 =	vshll.u32 v58, v1;
	v17 =	vbroadcast v17, $0x0;
	v49 =	vor.u32 v9, v24;
	[tilespmem:v19+s18+$0x0] =	vst.idx.msk $0xffff, v59  }
0x144: {  	v41 =	vshll.u32 v38, v1;
	v25 =	vbroadcast v25, $0x0;
	v46 =	vor.u32 v5, v30;
	v19 =	vld [tilespmem:s12+$0xFFFFFFC0];
	[tilespmem:v18+s18+$0x0] =	vst.idx.msk $0xffff, v61  }
0x145: {  	v26 =	vshll.u32 v60, v1;
	v54 =	vld [tilespmem:s12+$0xFFFFFF80];
	v31 =	vbroadcast v41, $0x0;
	v55 =	vor.u32 v0, v17;
	[tilespmem:v22+s18+$0x0] =	vst.idx.msk $0xffff, v63  }
0x146: {  	v42 =	vld [tilespmem:s12+$0x60];
	v21 =	vshll.u32 v21, v1;
	v26 =	vbroadcast v26, $0x0;
	v43 =	vor.u32 v15, v25;
	[tilespmem:v23+s18+$0x0] =	vst.idx.msk $0xffff, v32  }
0x147: {  	v21 =	vbroadcast v21, $0x0;
	v18 =	vld [tilespmem:s12+$0xFFFFFFE0];
	v47 =	vor.u32 v7, v31;
	[tilespmem:v45+s18+$0x0] =	vst.idx.msk $0xffff, v44  }
0x148: {  	v50 =	vld [tilespmem:s12+$0x20];
	v51 =	vor.u32 v11, v26;
	[tilespmem:v49+s18+$0x0] =	vst.idx.msk $0xffff, v48  }
0x149: {  	v53 =	vor.u32 v13, v21;
	[tilespmem:v46+s18+$0x0] =	vst.idx.msk $0xffff, v19;
	v19 =	vld [tilespmem:s12+$0x40]  }
0x14a: {  	v24 =	vor.u32 v10, v24;
	[tilespmem:v55+s18+$0x0] =	vst.idx.msk $0xffff, v54;
	v61 =	vld [tilespmem:s12+$0x10]  }
0x14b: {  	v17 =	vor.u32 v2, v17;
	[tilespmem:v43+s18+$0x0] =	vst.idx.msk $0xffff, v42;
	v63 =	vld [tilespmem:s12+$0xFFFFFF90]  }
0x14c: {  	v56 =	vor.u32 v4, v28;
	[tilespmem:v47+s18+$0x0] =	vst.idx.msk $0xffff, v18;
	v18 =	vld [tilespmem:s12+$0xFFFFFFB0]  }
0x14d: {  	v25 =	vor.u32 v16, v25;
	[tilespmem:v51+s18+$0x0] =	vst.idx.msk $0xffff, v50;
	v52 =	vld [tilespmem:s12+$0x70]  }
0x14e: {  	v58 =	vor.u32 v6, v30;
	v57 =	vld [tilespmem:s12+$0xFFFFFFD0];
	[tilespmem:v53+s18+$0x0] =	vst.idx.msk $0xffff, v19  }
0x14f: {  	v60 =	vor.u32 v8, v31;
	v59 =	vld [tilespmem:s12+$0xFFFFFFF0];
	[tilespmem:v24+s18+$0x0] =	vst.idx.msk $0xffff, v61  }
0x150: {  	v62 =	vor.u32 v12, v26;
	v19 =	vld [tilespmem:s12+$0x30];
	[tilespmem:v17+s18+$0x0] =	vst.idx.msk $0xffff, v63  }
0x151: {  	v21 =	vor.u32 v14, v21;
	[tilespmem:v56+s18+$0x0] =	vst.idx.msk $0xffff, v18;
	v18 =	vld [tilespmem:s12+$0x50]  }
0x152: {  	s26 =	sadd.s32 s5, s26;
	[tilespmem:v25+s18+$0x0] =	vst.idx.msk $0xffff, v52  }
0x153: {  	s1 =	sshll.u32 s26, $0x7;
	[tilespmem:v58+s18+$0x0] =	vst.idx.msk $0xffff, v57;
	s12 =	sshll.u32 s26, $0x9  }
0x154: {  	s1 =	sand.u32 $0x3E80, s1;
	[tilespmem:v60+s18+$0x0] =	vst.idx.msk $0xffff, v59;
	s12 =	sand.u32 $0x1FFF0000, s12  }
0x155: {  	s1 =	sor.u32 s1, s12;
	[tilespmem:v62+s18+$0x0] =	vst.idx.msk $0xffff, v19  }
0x156: {  	s12 =	sadd.s32 s2, s1;
	[tilespmem:v21+s18+$0x0] =	vst.idx.msk $0xffff, v18  }
0x157: {  	[hbm4b:s12+s3] =	stream.linear.scatter [tilespmem:s18], [sflag:$0xA], $0x400, $0x38;
	[tilespmem:$0x10400] =	vst v63  }
0x158: {  	s28 =	sadd.s32 s1, s7  }
0x159: {  	[hbm4b:s28+s3] =	stream.linear.scatter [tilespmem:s19], [sflag:$0xA], $0x400, $0x38;
	[tilespmem:$0x10400] =	vst v63  }
.Ltmp14:
0x15a: {  	_ = 	snop;
	(pc) =	sbr.rel @p0 .LBB2_22-.Ltmp14, $4  }
0x15b: {  	s30 =	sadd.s32 s1, s8  }
0x15c: {  	[hbm4b:s30+s3] =	stream.linear.scatter [tilespmem:s20], [sflag:$0xA], $0x400, $0x38;
	[tilespmem:$0x10400] =	vst v63  }
0x15d: {  	s26 =	simm.s32 $0xC6;
	s1 =	sadd.s32 s1, s9  }
0x15e: {  	[hbm4b:s1+s3] =	stream.linear.scatter [tilespmem:s21], [sflag:$0xA], $0x400, $0x38;
	[tilespmem:$0x10400] =	vst v63  }
0x15f: {  	s28 =	sshll.u32 s6, $0xC  }
.LBB2_21:
0x160: {  	s26 =	sadd.s32 $0xFFFFFFFE, s10  }
0x161: {  	p1 =	sgt.u32 s26, $0xC7  }
.Ltmp15:
0x162: {  	_ = 	snop;
	(pc) =	sbr.rel @p1 .LBB2_26-.Ltmp15, $4  }
0x163: {  	_ = 	snop  }
0x164: {  	s1 =	sshrl.u32 s28, $0x2  }
0x165: {  	s12 =	simm.s32 $0xA400;
	s1 =	sadd.s32 $0x200, s1  }
0x166: {  	[tilespmem:s12], [sflag:$0x5] =	stream.indirect.gather [hbm4b:s4+s29], $0x20, s1, s29, $0xb8;
	[tilespmem:$0x10400] =	vst v63  }
.LBB2_22:
0x167: {  	s1 =	simm.s32 $0x0  }
0x168: {  	s12 =	simm.s32 $0x2;
	s28 =	simm.s32 $0x3;
	v17 =	vmov s1;
	s1 =	simm.s32 $0x1  }
0x169: {  	_ =	swait.ge [sflag:s24], $0x1000;
	v19 =	vmov s12;
	v20 =	vmov s28;
	s12 =	simm.s32 $0x5;
	s28 =	simm.s32 $0x7;
	v18 =	vmov s1  }
0x16a: {  	p1 =	seq.s32 s6, $0x0;
	[sflag:s24] =	ssyncset.done $0x0;
	s1 =	simm.s32 $0x4;
	v22 =	vmov s12;
	v23 =	vmov s28;
	v19 =	vshrl.u32 v19, $0x3  }
0x16b: {  	[sflag:s24] =	ssyncadd.s32 $0xFFFFF000;
	s12 =	simm.s32 @!p1 $0x9;
	v20 =	vshrl.u32 v20, $0x3;
	v21 =	vmov s1;
	v23 =	vshrl.u32 v23, $0x3  }
0x16c: {  	s1 =	simm.s32 $0x6;
	v18 =	vshrl.u32 v18, $0x3;
	_ =	swait.ge @!p1 [sflag:s12], $0x1000;
	v22 =	vshrl.u32 v22, $0x3;
	v23 =	vshll.u32 v23, v1  }
0x16d: {  	v24 =	vmov s1;
	[sflag:s12] =	ssyncset.done @!p1 $0x0;
	v18 =	vshll.u32 v18, v1;
	v25 =	vbroadcast v23, $0x0  }
0x16e: {  	s28 =	simm.s32 $0xC480;
	v21 =	vshrl.u32 v21, $0x3;
	[sflag:s12] =	ssyncadd.s32 @!p1 $0xFFFFF000;
	v30 =	vbroadcast v18, $0x0;
	v18 =	vshll.u32 v19, v1  }
0x16f: {  	v34 =	vbroadcast v18, $0x0;
	v18 =	vshll.u32 v20, v1;
	v23 =	vld [tilespmem:s28+$0x60];
	v26 =	vor.u32 v15, v25  }
0x170: {  	v27 =	vld [tilespmem:s28+$0xFFFFFFA0];
	v28 =	vor.u32 v3, v30;
	v20 =	vbroadcast v18, $0x0;
	v18 =	vshll.u32 v21, v1  }
0x171: {  	v21 =	vld [tilespmem:s28+$0xFFFFFFC0];
	v29 =	vor.u32 v5, v34;
	v19 =	vbroadcast v18, $0x0;
	v18 =	vshll.u32 v22, v1  }
0x172: {  	v31 =	vld [tilespmem:s28+$0xFFFFFFE0];
	v22 =	vshrl.u32 v24, $0x3;
	v33 =	vor.u32 v7, v20;
	v18 =	vbroadcast v18, $0x0  }
0x173: {  	v17 =	vshrl.u32 v17, $0x3;
	v37 =	vld [tilespmem:s28+$0x0];
	v22 =	vshll.u32 v22, v1;
	v39 =	vor.u32 v9, v19  }
0x174: {  	s1 =	simm.s32 $0x9;
	v40 =	vld [tilespmem:s28+$0x20];
	v24 =	vshll.u32 v17, v1;
	v22 =	vbroadcast v22, $0x0;
	v41 =	vor.u32 v11, v18;
	[tilespmem:v26+s13+$0x0] =	vst.idx.msk $0xffff, v23  }
0x175: {  	s12 =	simm.s32 $0x8;
	v42 =	vmov s1;
	s1 =	simm.s32 $0xB;
	v25 =	vor.u32 v16, v25;
	v23 =	vbroadcast v24, $0x0;
	[tilespmem:v28+s13+$0x0] =	vst.idx.msk $0xffff, v27;
	v24 =	vld [tilespmem:s28+$0x70]  }
0x176: {  	v38 =	vmov s1;
	s1 =	simm.s32 $0xD;
	v17 =	vmov s12;
	s12 =	simm.s32 $0xA;
	v26 =	vld [tilespmem:s28+$0x40];
	v27 =	vor.u32 v13, v22;
	[tilespmem:v29+s13+$0x0] =	vst.idx.msk $0xffff, v21  }
0x177: {  	v36 =	vmov s1;
	v43 =	vmov s12;
	s12 =	simm.s32 $0xC;
	v28 =	vld [tilespmem:s28+$0xFFFFFF80];
	v32 =	vor.u32 v0, v23;
	[tilespmem:v33+s13+$0x0] =	vst.idx.msk $0xffff, v31  }
0x178: {  	v34 =	vor.u32 v6, v34;
	v35 =	vmov s12;
	s12 =	simm.s32 $0xE;
	v29 =	vld [tilespmem:s28+$0xFFFFFFB0];
	v33 =	vor.u32 v4, v30;
	[tilespmem:v39+s13+$0x0] =	vst.idx.msk $0xffff, v37  }
0x179: {  	s30 =	simm.s32 $0x10;
	s1 =	simm.s32 $0xF;
	v21 =	vmov s12;
	v30 =	vshrl.u32 v43, $0x3;
	v31 =	vld [tilespmem:s28+$0xFFFFFFD0];
	v37 =	vshrl.u32 v42, $0x3;
	[tilespmem:v41+s13+$0x0] =	vst.idx.msk $0xffff, v40  }
.LBB2_23:
0x17a: {  	p1 =	slt.u32 s30, $0x78;
	v38 =	vshrl.u32 v38, $0x3;
	v39 =	vmov s1;
	v40 =	vld [tilespmem:s28+$0xFFFFFFF0];
	v20 =	vor.u32 v8, v20;
	[tilespmem:v25+s13+$0x0] =	vst.idx.msk $0xffff, v24  }
0x17b: {  	v24 =	vshrl.u32 v35, $0x3;
	v19 =	vor.u32 v10, v19;
	v25 =	vshrl.u32 v39, $0x3;
	v35 =	vld [tilespmem:s28+$0x10];
	[tilespmem:v27+s13+$0x0] =	vst.idx.msk $0xffff, v26  }
0x17c: {  	v18 =	vor.u32 v12, v18;
	v26 =	vshrl.u32 v36, $0x3;
	v25 =	vshll.u32 v25, v1;
	[tilespmem:v32+s13+$0x0] =	vst.idx.msk $0xffff, v28;
	v27 =	vld [tilespmem:s28+$0x30]  }
0x17d: {  	v22 =	vor.u32 v14, v22;
	v28 =	vshll.u32 v37, v1;
	v25 =	vbroadcast v25, $0x0;
	[tilespmem:v33+s13+$0x0] =	vst.idx.msk $0xffff, v29;
	v29 =	vld [tilespmem:s28+$0x50]  }
0x17e: {  	v23 =	vor.u32 v2, v23;
	v33 =	vbroadcast v28, $0x0;
	v28 =	vshll.u32 v30, v1;
	v30 =	vld [tilespmem:s28+$0xFFFFFF90];
	[tilespmem:v34+s13+$0x0] =	vst.idx.msk $0xffff, v31;
	s28 =	sadd.s32 $0x100, s28  }
0x17f: {  	v34 =	vbroadcast v28, $0x0;
	v28 =	vshll.u32 v38, v1;
	v31 =	vld [tilespmem:s28+$0x60];
	v32 =	vor.u32 v15, v25;
	[tilespmem:v20+s13+$0x0] =	vst.idx.msk $0xffff, v40  }
0x180: {  	v24 =	vshll.u32 v24, v1;
	v37 =	vor.u32 v3, v33;
	v20 =	vbroadcast v28, $0x0;
	v36 =	vld [tilespmem:s28+$0xFFFFFFA0];
	[tilespmem:v19+s13+$0x0] =	vst.idx.msk $0xffff, v35  }
0x181: {  	v35 =	vor.u32 v5, v34;
	v19 =	vbroadcast v24, $0x0;
	v24 =	vshll.u32 v26, v1;
	v28 =	vld [tilespmem:s28+$0xFFFFFFC0];
	[tilespmem:v18+s13+$0x0] =	vst.idx.msk $0xffff, v27  }
0x182: {  	v21 =	vshrl.u32 v21, $0x3;
	v40 =	vor.u32 v7, v20;
	v18 =	vbroadcast v24, $0x0;
	v39 =	vld [tilespmem:s28+$0xFFFFFFE0];
	[tilespmem:v22+s13+$0x0] =	vst.idx.msk $0xffff, v29  }
0x183: {  	v17 =	vshrl.u32 v17, $0x3;
	v21 =	vshll.u32 v21, v1;
	v42 =	vor.u32 v9, v19;
	v41 =	vld [tilespmem:s28+$0x0];
	[tilespmem:v23+s13+$0x0] =	vst.idx.msk $0xffff, v30  }
0x184: {  	v22 =	vbroadcast v21, $0x0;
	v23 =	vshll.u32 v17, v1;
	v44 =	vor.u32 v11, v18;
	v43 =	vld [tilespmem:s28+$0x20];
	[tilespmem:v32+s13+$0x0] =	vst.idx.msk $0xffff, v31  }
.Ltmp16:
0x185: {  	s1 =	sadd.s32 $0x1, s30;
	s12 =	sadd.s32 $0x2, s30;
	v25 =	vor.u32 v16, v25;
	v17 =	vmov s30;
	v23 =	vbroadcast v23, $0x0;
	[tilespmem:v37+s13+$0x0] =	vst.idx.msk $0xffff, v36;
	v24 =	vld [tilespmem:s28+$0x70];
	(pc) =	sbr.rel @p1 .LBB2_23-.Ltmp16, $4  }
0x186: {  	v30 =	vmov s1;
	s1 =	sadd.s32 $0x3, s30;
	v31 =	vmov s12;
	s12 =	sadd.s32 $0x4, s30;
	v27 =	vor.u32 v13, v22;
	[tilespmem:v35+s13+$0x0] =	vst.idx.msk $0xffff, v28;
	v26 =	vld [tilespmem:s28+$0x40]  }
0x187: {  	v38 =	vmov s1;
	s1 =	sadd.s32 $0x5, s30;
	v35 =	vmov s12;
	s12 =	sadd.s32 $0x6, s30;
	v32 =	vor.u32 v0, v23;
	v28 =	vld [tilespmem:s28+$0xFFFFFF80];
	[tilespmem:v40+s13+$0x0] =	vst.idx.msk $0xffff, v39  }
0x188: {  	v33 =	vor.u32 v4, v33;
	v36 =	vmov s1;
	v21 =	vmov s12;
	v29 =	vld [tilespmem:s28+$0xFFFFFFB0];
	[tilespmem:v42+s13+$0x0] =	vst.idx.msk $0xffff, v41  }
0x189: {  	v34 =	vor.u32 v6, v34;
	v37 =	vshrl.u32 v30, $0x3;
	v30 =	vshrl.u32 v31, $0x3;
	s1 =	sadd.s32 $0x7, s30;
	s30 =	sadd.s32 $0x8, s30;
	v31 =	vld [tilespmem:s28+$0xFFFFFFD0];
	[tilespmem:v44+s13+$0x0] =	vst.idx.msk $0xffff, v43  }
0x18a: {  	_ =	sdelay $0x2  }
0x18b: {  	v38 =	vshrl.u32 v38, $0x3;
	v20 =	vor.u32 v8, v20  }
0x18c: {  	v39 =	vmov s1;
	v40 =	vld [tilespmem:s28+$0xFFFFFFF0];
	[tilespmem:v25+s13+$0x0] =	vst.idx.msk $0xffff, v24;
	v19 =	vor.u32 v10, v19;
	v18 =	vor.u32 v12, v18  }
0x18d: {  	v57 =	vshrl.u32 v35, $0x3;
	v59 =	vld [tilespmem:s28+$0x10];
	v62 =	vshll.u32 v37, v1;
	v22 =	vor.u32 v14, v22;
	[tilespmem:v27+s13+$0x0] =	vst.idx.msk $0xffff, v26  }
0x18e: {  	v60 =	vshrl.u32 v36, $0x3;
	v61 =	vld [tilespmem:s28+$0x30];
	v30 =	vshll.u32 v30, v1;
	v23 =	vor.u32 v2, v23;
	[tilespmem:v32+s13+$0x0] =	vst.idx.msk $0xffff, v28  }
0x18f: {  	v21 =	vshrl.u32 v21, $0x3;
	v24 =	vshll.u32 v57, v1;
	v63 =	vld [tilespmem:s28+$0x50];
	v28 =	vbroadcast v62, $0x0;
	[tilespmem:v33+s13+$0x0] =	vst.idx.msk $0xffff, v29  }
0x190: {  	s12 =	sadd.s32 $0x100, s28;
	v17 =	vshrl.u32 v17, $0x3;
	v58 =	vshrl.u32 v39, $0x3;
	v24 =	vbroadcast v24, $0x0;
	v32 =	vld [tilespmem:s28+$0xFFFFFF90];
	[tilespmem:v34+s13+$0x0] =	vst.idx.msk $0xffff, v31  }
0x191: {  	v30 =	vbroadcast v30, $0x0;
	v44 =	vld [tilespmem:s12+$0xFFFFFFA0];
	v17 =	vshll.u32 v17, v1;
	v45 =	vor.u32 v3, v28;
	[tilespmem:v20+s13+$0x0] =	vst.idx.msk $0xffff, v40  }
0x192: {  	v48 =	vld [tilespmem:s12+$0x0];
	v25 =	vshll.u32 v58, v1;
	v17 =	vbroadcast v17, $0x0;
	v49 =	vor.u32 v9, v24;
	[tilespmem:v19+s13+$0x0] =	vst.idx.msk $0xffff, v59  }
0x193: {  	v41 =	vshll.u32 v38, v1;
	v25 =	vbroadcast v25, $0x0;
	v46 =	vor.u32 v5, v30;
	v19 =	vld [tilespmem:s12+$0xFFFFFFC0];
	[tilespmem:v18+s13+$0x0] =	vst.idx.msk $0xffff, v61  }
0x194: {  	v26 =	vshll.u32 v60, v1;
	v54 =	vld [tilespmem:s12+$0xFFFFFF80];
	v31 =	vbroadcast v41, $0x0;
	v55 =	vor.u32 v0, v17;
	[tilespmem:v22+s13+$0x0] =	vst.idx.msk $0xffff, v63  }
0x195: {  	v42 =	vld [tilespmem:s12+$0x60];
	v21 =	vshll.u32 v21, v1;
	v26 =	vbroadcast v26, $0x0;
	v43 =	vor.u32 v15, v25;
	[tilespmem:v23+s13+$0x0] =	vst.idx.msk $0xffff, v32  }
0x196: {  	v21 =	vbroadcast v21, $0x0;
	v18 =	vld [tilespmem:s12+$0xFFFFFFE0];
	v47 =	vor.u32 v7, v31;
	[tilespmem:v45+s13+$0x0] =	vst.idx.msk $0xffff, v44  }
0x197: {  	v50 =	vld [tilespmem:s12+$0x20];
	v51 =	vor.u32 v11, v26;
	[tilespmem:v49+s13+$0x0] =	vst.idx.msk $0xffff, v48  }
0x198: {  	v53 =	vor.u32 v13, v21;
	[tilespmem:v46+s13+$0x0] =	vst.idx.msk $0xffff, v19;
	v19 =	vld [tilespmem:s12+$0x40]  }
0x199: {  	v24 =	vor.u32 v10, v24;
	[tilespmem:v55+s13+$0x0] =	vst.idx.msk $0xffff, v54;
	v61 =	vld [tilespmem:s12+$0x10]  }
0x19a: {  	v17 =	vor.u32 v2, v17;
	[tilespmem:v43+s13+$0x0] =	vst.idx.msk $0xffff, v42;
	v63 =	vld [tilespmem:s12+$0xFFFFFF90]  }
0x19b: {  	v56 =	vor.u32 v4, v28;
	[tilespmem:v47+s13+$0x0] =	vst.idx.msk $0xffff, v18;
	v18 =	vld [tilespmem:s12+$0xFFFFFFB0]  }
0x19c: {  	v25 =	vor.u32 v16, v25;
	[tilespmem:v51+s13+$0x0] =	vst.idx.msk $0xffff, v50;
	v52 =	vld [tilespmem:s12+$0x70]  }
0x19d: {  	v58 =	vor.u32 v6, v30;
	v57 =	vld [tilespmem:s12+$0xFFFFFFD0];
	[tilespmem:v53+s13+$0x0] =	vst.idx.msk $0xffff, v19  }
0x19e: {  	v60 =	vor.u32 v8, v31;
	v59 =	vld [tilespmem:s12+$0xFFFFFFF0];
	[tilespmem:v24+s13+$0x0] =	vst.idx.msk $0xffff, v61  }
0x19f: {  	v62 =	vor.u32 v12, v26;
	v19 =	vld [tilespmem:s12+$0x30];
	[tilespmem:v17+s13+$0x0] =	vst.idx.msk $0xffff, v63  }
0x1a0: {  	v21 =	vor.u32 v14, v21;
	[tilespmem:v56+s13+$0x0] =	vst.idx.msk $0xffff, v18;
	v18 =	vld [tilespmem:s12+$0x50]  }
0x1a1: {  	s26 =	sadd.s32 s5, s26;
	[tilespmem:v25+s13+$0x0] =	vst.idx.msk $0xffff, v52  }
0x1a2: {  	s1 =	sshll.u32 s26, $0x7;
	[tilespmem:v58+s13+$0x0] =	vst.idx.msk $0xffff, v57;
	s12 =	sshll.u32 s26, $0x9  }
0x1a3: {  	s1 =	sand.u32 $0x3F00, s1;
	[tilespmem:v60+s13+$0x0] =	vst.idx.msk $0xffff, v59;
	s12 =	sand.u32 $0x1FFF0000, s12  }
0x1a4: {  	s1 =	sor.u32 s1, s12;
	[tilespmem:v62+s13+$0x0] =	vst.idx.msk $0xffff, v19  }
0x1a5: {  	s12 =	sadd.s32 s2, s1;
	[tilespmem:v21+s13+$0x0] =	vst.idx.msk $0xffff, v18  }
0x1a6: {  	[hbm4b:s12+s3] =	stream.linear.scatter [tilespmem:s13], [sflag:$0x9], $0x400, $0x38;
	[tilespmem:$0x10400] =	vst v63  }
0x1a7: {  	s28 =	sadd.s32 s1, s7  }
0x1a8: {  	[hbm4b:s28+s3] =	stream.linear.scatter [tilespmem:s14], [sflag:$0x9], $0x400, $0x38;
	[tilespmem:$0x10400] =	vst v63  }
.Ltmp17:
0x1a9: {  	_ = 	snop;
	(pc) =	sbr.rel @p0 .LBB2_27-.Ltmp17, $4  }
0x1aa: {  	s30 =	sadd.s32 s1, s8  }
0x1ab: {  	[hbm4b:s30+s3] =	stream.linear.scatter [tilespmem:s15], [sflag:$0x9], $0x400, $0x38;
	[tilespmem:$0x10400] =	vst v63  }
0x1ac: {  	s26 =	simm.s32 $0xC7;
	s1 =	sadd.s32 s1, s9  }
0x1ad: {  	[hbm4b:s1+s3] =	stream.linear.scatter [tilespmem:s16], [sflag:$0x9], $0x400, $0x38;
	[tilespmem:$0x10400] =	vst v63  }
0x1ae: {  	s28 =	sshll.u32 s6, $0xC  }
.LBB2_26:
0x1af: {  	s26 =	sadd.s32 $0xFFFFFFFF, s10  }
0x1b0: {  	p1 =	sgt.u32 s26, $0xC7  }
.Ltmp18:
0x1b1: {  	_ = 	snop;
	(pc) =	sbr.rel @p1 .LBB2_31-.Ltmp18, $4  }
0x1b2: {  	_ = 	snop  }
0x1b3: {  	s1 =	sshrl.u32 s28, $0x2  }
0x1b4: {  	s12 =	simm.s32 $0xB400;
	s1 =	sadd.s32 $0x280, s1  }
0x1b5: {  	[tilespmem:s12], [sflag:$0x6] =	stream.indirect.gather [hbm4b:s4+s29], $0x20, s1, s29, $0xb8;
	[tilespmem:$0x10400] =	vst v63  }
.LBB2_27:
0x1b6: {  	s1 =	simm.s32 $0x0  }
0x1b7: {  	s12 =	simm.s32 $0x2;
	s28 =	simm.s32 $0x3;
	v17 =	vmov s1;
	s1 =	simm.s32 $0x1  }
0x1b8: {  	_ =	swait.ge [sflag:s25], $0x1000;
	v19 =	vmov s12;
	v20 =	vmov s28;
	s12 =	simm.s32 $0x5;
	s28 =	simm.s32 $0x7;
	v18 =	vmov s1  }
0x1b9: {  	p1 =	seq.s32 s6, $0x0;
	[sflag:s25] =	ssyncset.done $0x0;
	s1 =	simm.s32 $0x4;
	v22 =	vmov s12;
	v23 =	vmov s28;
	v19 =	vshrl.u32 v19, $0x3  }
0x1ba: {  	[sflag:s25] =	ssyncadd.s32 $0xFFFFF000;
	s12 =	simm.s32 @!p1 $0xA;
	v20 =	vshrl.u32 v20, $0x3;
	v21 =	vmov s1;
	v23 =	vshrl.u32 v23, $0x3  }
0x1bb: {  	s1 =	simm.s32 $0x6;
	v18 =	vshrl.u32 v18, $0x3;
	_ =	swait.ge @!p1 [sflag:s12], $0x1000;
	v22 =	vshrl.u32 v22, $0x3;
	v23 =	vshll.u32 v23, v1  }
0x1bc: {  	v24 =	vmov s1;
	[sflag:s12] =	ssyncset.done @!p1 $0x0;
	v18 =	vshll.u32 v18, v1;
	v25 =	vbroadcast v23, $0x0  }
0x1bd: {  	s28 =	simm.s32 $0xD480;
	v21 =	vshrl.u32 v21, $0x3;
	[sflag:s12] =	ssyncadd.s32 @!p1 $0xFFFFF000;
	v30 =	vbroadcast v18, $0x0;
	v18 =	vshll.u32 v19, v1  }
0x1be: {  	v34 =	vbroadcast v18, $0x0;
	v18 =	vshll.u32 v20, v1;
	v23 =	vld [tilespmem:s28+$0x60];
	v26 =	vor.u32 v15, v25  }
0x1bf: {  	v27 =	vld [tilespmem:s28+$0xFFFFFFA0];
	v28 =	vor.u32 v3, v30;
	v20 =	vbroadcast v18, $0x0;
	v18 =	vshll.u32 v21, v1  }
0x1c0: {  	v21 =	vld [tilespmem:s28+$0xFFFFFFC0];
	v29 =	vor.u32 v5, v34;
	v19 =	vbroadcast v18, $0x0;
	v18 =	vshll.u32 v22, v1  }
0x1c1: {  	v31 =	vld [tilespmem:s28+$0xFFFFFFE0];
	v22 =	vshrl.u32 v24, $0x3;
	v33 =	vor.u32 v7, v20;
	v18 =	vbroadcast v18, $0x0  }
0x1c2: {  	v17 =	vshrl.u32 v17, $0x3;
	v37 =	vld [tilespmem:s28+$0x0];
	v22 =	vshll.u32 v22, v1;
	v39 =	vor.u32 v9, v19  }
0x1c3: {  	s1 =	simm.s32 $0x9;
	v40 =	vld [tilespmem:s28+$0x20];
	v24 =	vshll.u32 v17, v1;
	v22 =	vbroadcast v22, $0x0;
	v41 =	vor.u32 v11, v18;
	[tilespmem:v26+s18+$0x0] =	vst.idx.msk $0xffff, v23  }
0x1c4: {  	s12 =	simm.s32 $0x8;
	v42 =	vmov s1;
	s1 =	simm.s32 $0xB;
	v25 =	vor.u32 v16, v25;
	v23 =	vbroadcast v24, $0x0;
	[tilespmem:v28+s18+$0x0] =	vst.idx.msk $0xffff, v27;
	v24 =	vld [tilespmem:s28+$0x70]  }
0x1c5: {  	v38 =	vmov s1;
	s1 =	simm.s32 $0xD;
	v17 =	vmov s12;
	s12 =	simm.s32 $0xA;
	v26 =	vld [tilespmem:s28+$0x40];
	v27 =	vor.u32 v13, v22;
	[tilespmem:v29+s18+$0x0] =	vst.idx.msk $0xffff, v21  }
0x1c6: {  	v36 =	vmov s1;
	v43 =	vmov s12;
	s12 =	simm.s32 $0xC;
	v28 =	vld [tilespmem:s28+$0xFFFFFF80];
	v32 =	vor.u32 v0, v23;
	[tilespmem:v33+s18+$0x0] =	vst.idx.msk $0xffff, v31  }
0x1c7: {  	v34 =	vor.u32 v6, v34;
	v35 =	vmov s12;
	s12 =	simm.s32 $0xE;
	v29 =	vld [tilespmem:s28+$0xFFFFFFB0];
	v33 =	vor.u32 v4, v30;
	[tilespmem:v39+s18+$0x0] =	vst.idx.msk $0xffff, v37  }
0x1c8: {  	s30 =	simm.s32 $0x10;
	s1 =	simm.s32 $0xF;
	v21 =	vmov s12;
	v30 =	vshrl.u32 v43, $0x3;
	v31 =	vld [tilespmem:s28+$0xFFFFFFD0];
	v37 =	vshrl.u32 v42, $0x3;
	[tilespmem:v41+s18+$0x0] =	vst.idx.msk $0xffff, v40  }
.LBB2_28:
0x1c9: {  	p1 =	slt.u32 s30, $0x78;
	v38 =	vshrl.u32 v38, $0x3;
	v39 =	vmov s1;
	v40 =	vld [tilespmem:s28+$0xFFFFFFF0];
	v20 =	vor.u32 v8, v20;
	[tilespmem:v25+s18+$0x0] =	vst.idx.msk $0xffff, v24  }
0x1ca: {  	v24 =	vshrl.u32 v35, $0x3;
	v19 =	vor.u32 v10, v19;
	v25 =	vshrl.u32 v39, $0x3;
	v35 =	vld [tilespmem:s28+$0x10];
	[tilespmem:v27+s18+$0x0] =	vst.idx.msk $0xffff, v26  }
0x1cb: {  	v18 =	vor.u32 v12, v18;
	v26 =	vshrl.u32 v36, $0x3;
	v25 =	vshll.u32 v25, v1;
	[tilespmem:v32+s18+$0x0] =	vst.idx.msk $0xffff, v28;
	v27 =	vld [tilespmem:s28+$0x30]  }
0x1cc: {  	v22 =	vor.u32 v14, v22;
	v28 =	vshll.u32 v37, v1;
	v25 =	vbroadcast v25, $0x0;
	[tilespmem:v33+s18+$0x0] =	vst.idx.msk $0xffff, v29;
	v29 =	vld [tilespmem:s28+$0x50]  }
0x1cd: {  	v23 =	vor.u32 v2, v23;
	v33 =	vbroadcast v28, $0x0;
	v28 =	vshll.u32 v30, v1;
	v30 =	vld [tilespmem:s28+$0xFFFFFF90];
	[tilespmem:v34+s18+$0x0] =	vst.idx.msk $0xffff, v31;
	s28 =	sadd.s32 $0x100, s28  }
0x1ce: {  	v34 =	vbroadcast v28, $0x0;
	v28 =	vshll.u32 v38, v1;
	v31 =	vld [tilespmem:s28+$0x60];
	v32 =	vor.u32 v15, v25;
	[tilespmem:v20+s18+$0x0] =	vst.idx.msk $0xffff, v40  }
0x1cf: {  	v24 =	vshll.u32 v24, v1;
	v37 =	vor.u32 v3, v33;
	v20 =	vbroadcast v28, $0x0;
	v36 =	vld [tilespmem:s28+$0xFFFFFFA0];
	[tilespmem:v19+s18+$0x0] =	vst.idx.msk $0xffff, v35  }
0x1d0: {  	v35 =	vor.u32 v5, v34;
	v19 =	vbroadcast v24, $0x0;
	v24 =	vshll.u32 v26, v1;
	v28 =	vld [tilespmem:s28+$0xFFFFFFC0];
	[tilespmem:v18+s18+$0x0] =	vst.idx.msk $0xffff, v27  }
0x1d1: {  	v21 =	vshrl.u32 v21, $0x3;
	v40 =	vor.u32 v7, v20;
	v18 =	vbroadcast v24, $0x0;
	v39 =	vld [tilespmem:s28+$0xFFFFFFE0];
	[tilespmem:v22+s18+$0x0] =	vst.idx.msk $0xffff, v29  }
0x1d2: {  	v17 =	vshrl.u32 v17, $0x3;
	v21 =	vshll.u32 v21, v1;
	v42 =	vor.u32 v9, v19;
	v41 =	vld [tilespmem:s28+$0x0];
	[tilespmem:v23+s18+$0x0] =	vst.idx.msk $0xffff, v30  }
0x1d3: {  	v22 =	vbroadcast v21, $0x0;
	v23 =	vshll.u32 v17, v1;
	v44 =	vor.u32 v11, v18;
	v43 =	vld [tilespmem:s28+$0x20];
	[tilespmem:v32+s18+$0x0] =	vst.idx.msk $0xffff, v31  }
.Ltmp19:
0x1d4: {  	s1 =	sadd.s32 $0x1, s30;
	s12 =	sadd.s32 $0x2, s30;
	v25 =	vor.u32 v16, v25;
	v17 =	vmov s30;
	v23 =	vbroadcast v23, $0x0;
	[tilespmem:v37+s18+$0x0] =	vst.idx.msk $0xffff, v36;
	v24 =	vld [tilespmem:s28+$0x70];
	(pc) =	sbr.rel @p1 .LBB2_28-.Ltmp19, $4  }
0x1d5: {  	v30 =	vmov s1;
	s1 =	sadd.s32 $0x3, s30;
	v31 =	vmov s12;
	s12 =	sadd.s32 $0x4, s30;
	v27 =	vor.u32 v13, v22;
	[tilespmem:v35+s18+$0x0] =	vst.idx.msk $0xffff, v28;
	v26 =	vld [tilespmem:s28+$0x40]  }
0x1d6: {  	v38 =	vmov s1;
	s1 =	sadd.s32 $0x5, s30;
	v35 =	vmov s12;
	s12 =	sadd.s32 $0x6, s30;
	v32 =	vor.u32 v0, v23;
	v28 =	vld [tilespmem:s28+$0xFFFFFF80];
	[tilespmem:v40+s18+$0x0] =	vst.idx.msk $0xffff, v39  }
0x1d7: {  	v33 =	vor.u32 v4, v33;
	v36 =	vmov s1;
	v21 =	vmov s12;
	v29 =	vld [tilespmem:s28+$0xFFFFFFB0];
	[tilespmem:v42+s18+$0x0] =	vst.idx.msk $0xffff, v41  }
0x1d8: {  	v34 =	vor.u32 v6, v34;
	v37 =	vshrl.u32 v30, $0x3;
	v30 =	vshrl.u32 v31, $0x3;
	s1 =	sadd.s32 $0x7, s30;
	s30 =	sadd.s32 $0x8, s30;
	v31 =	vld [tilespmem:s28+$0xFFFFFFD0];
	[tilespmem:v44+s18+$0x0] =	vst.idx.msk $0xffff, v43  }
0x1d9: {  	_ =	sdelay $0x2  }
0x1da: {  	v38 =	vshrl.u32 v38, $0x3;
	v20 =	vor.u32 v8, v20  }
0x1db: {  	v39 =	vmov s1;
	v40 =	vld [tilespmem:s28+$0xFFFFFFF0];
	[tilespmem:v25+s18+$0x0] =	vst.idx.msk $0xffff, v24;
	v19 =	vor.u32 v10, v19;
	v18 =	vor.u32 v12, v18  }
0x1dc: {  	v57 =	vshrl.u32 v35, $0x3;
	v59 =	vld [tilespmem:s28+$0x10];
	v62 =	vshll.u32 v37, v1;
	v22 =	vor.u32 v14, v22;
	[tilespmem:v27+s18+$0x0] =	vst.idx.msk $0xffff, v26  }
0x1dd: {  	v60 =	vshrl.u32 v36, $0x3;
	v61 =	vld [tilespmem:s28+$0x30];
	v30 =	vshll.u32 v30, v1;
	v23 =	vor.u32 v2, v23;
	[tilespmem:v32+s18+$0x0] =	vst.idx.msk $0xffff, v28  }
0x1de: {  	v21 =	vshrl.u32 v21, $0x3;
	v24 =	vshll.u32 v57, v1;
	v63 =	vld [tilespmem:s28+$0x50];
	v28 =	vbroadcast v62, $0x0;
	[tilespmem:v33+s18+$0x0] =	vst.idx.msk $0xffff, v29  }
0x1df: {  	s12 =	sadd.s32 $0x100, s28;
	v17 =	vshrl.u32 v17, $0x3;
	v58 =	vshrl.u32 v39, $0x3;
	v24 =	vbroadcast v24, $0x0;
	v32 =	vld [tilespmem:s28+$0xFFFFFF90];
	[tilespmem:v34+s18+$0x0] =	vst.idx.msk $0xffff, v31  }
0x1e0: {  	v30 =	vbroadcast v30, $0x0;
	v44 =	vld [tilespmem:s12+$0xFFFFFFA0];
	v17 =	vshll.u32 v17, v1;
	v45 =	vor.u32 v3, v28;
	[tilespmem:v20+s18+$0x0] =	vst.idx.msk $0xffff, v40  }
0x1e1: {  	v48 =	vld [tilespmem:s12+$0x0];
	v25 =	vshll.u32 v58, v1;
	v17 =	vbroadcast v17, $0x0;
	v49 =	vor.u32 v9, v24;
	[tilespmem:v19+s18+$0x0] =	vst.idx.msk $0xffff, v59  }
0x1e2: {  	v41 =	vshll.u32 v38, v1;
	v25 =	vbroadcast v25, $0x0;
	v46 =	vor.u32 v5, v30;
	v19 =	vld [tilespmem:s12+$0xFFFFFFC0];
	[tilespmem:v18+s18+$0x0] =	vst.idx.msk $0xffff, v61  }
0x1e3: {  	v26 =	vshll.u32 v60, v1;
	v54 =	vld [tilespmem:s12+$0xFFFFFF80];
	v31 =	vbroadcast v41, $0x0;
	v55 =	vor.u32 v0, v17;
	[tilespmem:v22+s18+$0x0] =	vst.idx.msk $0xffff, v63  }
0x1e4: {  	v42 =	vld [tilespmem:s12+$0x60];
	v21 =	vshll.u32 v21, v1;
	v26 =	vbroadcast v26, $0x0;
	v43 =	vor.u32 v15, v25;
	[tilespmem:v23+s18+$0x0] =	vst.idx.msk $0xffff, v32  }
0x1e5: {  	v21 =	vbroadcast v21, $0x0;
	v18 =	vld [tilespmem:s12+$0xFFFFFFE0];
	v47 =	vor.u32 v7, v31;
	[tilespmem:v45+s18+$0x0] =	vst.idx.msk $0xffff, v44  }
0x1e6: {  	v50 =	vld [tilespmem:s12+$0x20];
	v51 =	vor.u32 v11, v26;
	[tilespmem:v49+s18+$0x0] =	vst.idx.msk $0xffff, v48  }
0x1e7: {  	v53 =	vor.u32 v13, v21;
	[tilespmem:v46+s18+$0x0] =	vst.idx.msk $0xffff, v19;
	v19 =	vld [tilespmem:s12+$0x40]  }
0x1e8: {  	v24 =	vor.u32 v10, v24;
	[tilespmem:v55+s18+$0x0] =	vst.idx.msk $0xffff, v54;
	v61 =	vld [tilespmem:s12+$0x10]  }
0x1e9: {  	v17 =	vor.u32 v2, v17;
	[tilespmem:v43+s18+$0x0] =	vst.idx.msk $0xffff, v42;
	v63 =	vld [tilespmem:s12+$0xFFFFFF90]  }
0x1ea: {  	v56 =	vor.u32 v4, v28;
	[tilespmem:v47+s18+$0x0] =	vst.idx.msk $0xffff, v18;
	v18 =	vld [tilespmem:s12+$0xFFFFFFB0]  }
0x1eb: {  	v25 =	vor.u32 v16, v25;
	[tilespmem:v51+s18+$0x0] =	vst.idx.msk $0xffff, v50;
	v52 =	vld [tilespmem:s12+$0x70]  }
0x1ec: {  	v58 =	vor.u32 v6, v30;
	v57 =	vld [tilespmem:s12+$0xFFFFFFD0];
	[tilespmem:v53+s18+$0x0] =	vst.idx.msk $0xffff, v19  }
0x1ed: {  	v60 =	vor.u32 v8, v31;
	v59 =	vld [tilespmem:s12+$0xFFFFFFF0];
	[tilespmem:v24+s18+$0x0] =	vst.idx.msk $0xffff, v61  }
0x1ee: {  	v62 =	vor.u32 v12, v26;
	v19 =	vld [tilespmem:s12+$0x30];
	[tilespmem:v17+s18+$0x0] =	vst.idx.msk $0xffff, v63  }
0x1ef: {  	v21 =	vor.u32 v14, v21;
	[tilespmem:v56+s18+$0x0] =	vst.idx.msk $0xffff, v18;
	v18 =	vld [tilespmem:s12+$0x50]  }
0x1f0: {  	s26 =	sadd.s32 s5, s26;
	[tilespmem:v25+s18+$0x0] =	vst.idx.msk $0xffff, v52  }
0x1f1: {  	s1 =	sshll.u32 s26, $0x7;
	[tilespmem:v58+s18+$0x0] =	vst.idx.msk $0xffff, v57;
	s12 =	sshll.u32 s26, $0x9  }
0x1f2: {  	s1 =	sand.u32 $0x3F80, s1;
	[tilespmem:v60+s18+$0x0] =	vst.idx.msk $0xffff, v59;
	s12 =	sand.u32 $0x1FFF0000, s12  }
0x1f3: {  	s1 =	sor.u32 s1, s12;
	[tilespmem:v62+s18+$0x0] =	vst.idx.msk $0xffff, v19  }
0x1f4: {  	s12 =	sadd.s32 s2, s1;
	[tilespmem:v21+s18+$0x0] =	vst.idx.msk $0xffff, v18  }
0x1f5: {  	[hbm4b:s12+s3] =	stream.linear.scatter [tilespmem:s18], [sflag:$0xA], $0x400, $0x38;
	[tilespmem:$0x10400] =	vst v63  }
0x1f6: {  	s28 =	sadd.s32 s1, s7  }
0x1f7: {  	[hbm4b:s28+s3] =	stream.linear.scatter [tilespmem:s19], [sflag:$0xA], $0x400, $0x38;
	[tilespmem:$0x10400] =	vst v63  }
.Ltmp20:
0x1f8: {  	_ = 	snop;
	(pc) =	sbr.rel @p0 .LBB2_36-.Ltmp20, $4  }
0x1f9: {  	s30 =	sadd.s32 s1, s8  }
0x1fa: {  	[hbm4b:s30+s3] =	stream.linear.scatter [tilespmem:s20], [sflag:$0xA], $0x400, $0x38;
	[tilespmem:$0x10400] =	vst v63  }
0x1fb: {  	s1 =	sadd.s32 s1, s9  }
0x1fc: {  	[hbm4b:s1+s3] =	stream.linear.scatter [tilespmem:s21], [sflag:$0xA], $0x400, $0x38;
	[tilespmem:$0x10400] =	vst v63  }
0x1fd: {  	s28 =	sshll.u32 s6, $0xC  }
.LBB2_31:
0x1fe: {  	s26 =	sshrl.u32 s28, $0x2  }
0x1ff: {  	s12 =	simm.s32 $0xC400;
	s28 =	simm.s32 $0x3;
	s1 =	sadd.s32 $0x300, s26  }
0x200: {  	[tilespmem:s12], [sflag:$0x7] =	stream.indirect.gather [hbm4b:s4+s29], $0x20, s1, s29, $0xb8;
	[tilespmem:$0x10400] =	vst v63  }
0x201: {  	p0 =	seq.s32 s6, $0x0;
	v20 =	vmov s28;
	s28 =	simm.s32 $0x7;
	s12 =	simm.s32 $0x0  }
0x202: {  	s1 =	simm.s32 $0x1;
	v23 =	vmov s28;
	v20 =	vshrl.u32 v20, $0x3;
	_ =	swait.ge [sflag:s31], $0x1000;
	v17 =	vmov s12;
	s12 =	simm.s32 $0x2  }
0x203: {  	v18 =	vmov s1;
	s1 =	simm.s32 $0x4;
	v23 =	vshrl.u32 v23, $0x3;
	v19 =	vmov s12;
	s12 =	simm.s32 $0x5;
	[sflag:s31] =	ssyncset.done $0x0  }
0x204: {  	v21 =	vmov s1;
	s1 =	simm.s32 $0x6;
	v18 =	vshrl.u32 v18, $0x3;
	v22 =	vmov s12;
	[sflag:s31] =	ssyncadd.s32 $0xFFFFF000;
	s12 =	simm.s32 @!p0 $0x9  }
0x205: {  	v23 =	vshll.u32 v23, v1;
	v24 =	vmov s1;
	v19 =	vshrl.u32 v19, $0x3;
	_ =	swait.ge @!p0 [sflag:s12], $0x1000  }
0x206: {  	v21 =	vshrl.u32 v21, $0x3;
	v18 =	vshll.u32 v18, v1;
	v25 =	vbroadcast v23, $0x0;
	[sflag:s12] =	ssyncset.done @!p0 $0x0  }
0x207: {  	s28 =	simm.s32 $0x6480;
	v22 =	vshrl.u32 v22, $0x3;
	v30 =	vbroadcast v18, $0x0;
	v18 =	vshll.u32 v19, v1;
	[sflag:s12] =	ssyncadd.s32 @!p0 $0xFFFFF000  }
0x208: {  	v34 =	vbroadcast v18, $0x0;
	v18 =	vshll.u32 v20, v1;
	v26 =	vor.u32 v15, v25;
	v23 =	vld [tilespmem:s28+$0x60]  }
0x209: {  	v28 =	vor.u32 v3, v30;
	v20 =	vbroadcast v18, $0x0;
	v18 =	vshll.u32 v21, v1;
	v27 =	vld [tilespmem:s28+$0xFFFFFFA0]  }
0x20a: {  	v21 =	vld [tilespmem:s28+$0xFFFFFFC0];
	v29 =	vor.u32 v5, v34;
	v19 =	vbroadcast v18, $0x0;
	v18 =	vshll.u32 v22, v1  }
0x20b: {  	v31 =	vld [tilespmem:s28+$0xFFFFFFE0];
	v22 =	vshrl.u32 v24, $0x3;
	v33 =	vor.u32 v7, v20;
	v18 =	vbroadcast v18, $0x0  }
0x20c: {  	v17 =	vshrl.u32 v17, $0x3;
	v37 =	vld [tilespmem:s28+$0x0];
	v22 =	vshll.u32 v22, v1;
	v39 =	vor.u32 v9, v19  }
0x20d: {  	s1 =	simm.s32 $0x9;
	v24 =	vshll.u32 v17, v1;
	v40 =	vld [tilespmem:s28+$0x20];
	v22 =	vbroadcast v22, $0x0;
	v41 =	vor.u32 v11, v18;
	[tilespmem:v26+s13+$0x0] =	vst.idx.msk $0xffff, v23  }
0x20e: {  	v42 =	vmov s1;
	s1 =	simm.s32 $0xB;
	v25 =	vor.u32 v16, v25;
	s12 =	simm.s32 $0x8;
	v23 =	vbroadcast v24, $0x0;
	[tilespmem:v28+s13+$0x0] =	vst.idx.msk $0xffff, v27;
	v24 =	vld [tilespmem:s28+$0x70]  }
0x20f: {  	v38 =	vmov s1;
	s1 =	simm.s32 $0xD;
	v17 =	vmov s12;
	s12 =	simm.s32 $0xA;
	[tilespmem:v29+s13+$0x0] =	vst.idx.msk $0xffff, v21;
	v26 =	vld [tilespmem:s28+$0x40];
	v27 =	vor.u32 v13, v22  }
0x210: {  	v36 =	vmov s1;
	v43 =	vmov s12;
	s12 =	simm.s32 $0xC;
	v28 =	vld [tilespmem:s28+$0xFFFFFF80];
	[tilespmem:v33+s13+$0x0] =	vst.idx.msk $0xffff, v31;
	v32 =	vor.u32 v0, v23  }
0x211: {  	v34 =	vor.u32 v6, v34;
	v35 =	vmov s12;
	s12 =	simm.s32 $0xE;
	v29 =	vld [tilespmem:s28+$0xFFFFFFB0];
	v33 =	vor.u32 v4, v30;
	[tilespmem:v39+s13+$0x0] =	vst.idx.msk $0xffff, v37  }
0x212: {  	s30 =	simm.s32 $0x10;
	s1 =	simm.s32 $0xF;
	v21 =	vmov s12;
	v30 =	vshrl.u32 v43, $0x3;
	v31 =	vld [tilespmem:s28+$0xFFFFFFD0];
	v37 =	vshrl.u32 v42, $0x3;
	[tilespmem:v41+s13+$0x0] =	vst.idx.msk $0xffff, v40  }
.LBB2_32:
0x213: {  	p1 =	slt.u32 s30, $0x78;
	v38 =	vshrl.u32 v38, $0x3;
	v39 =	vmov s1;
	v40 =	vld [tilespmem:s28+$0xFFFFFFF0];
	v20 =	vor.u32 v8, v20;
	[tilespmem:v25+s13+$0x0] =	vst.idx.msk $0xffff, v24  }
0x214: {  	v24 =	vshrl.u32 v35, $0x3;
	v19 =	vor.u32 v10, v19;
	v25 =	vshrl.u32 v39, $0x3;
	v35 =	vld [tilespmem:s28+$0x10];
	[tilespmem:v27+s13+$0x0] =	vst.idx.msk $0xffff, v26  }
0x215: {  	v18 =	vor.u32 v12, v18;
	v26 =	vshrl.u32 v36, $0x3;
	v25 =	vshll.u32 v25, v1;
	[tilespmem:v32+s13+$0x0] =	vst.idx.msk $0xffff, v28;
	v27 =	vld [tilespmem:s28+$0x30]  }
0x216: {  	v22 =	vor.u32 v14, v22;
	v28 =	vshll.u32 v37, v1;
	v25 =	vbroadcast v25, $0x0;
	[tilespmem:v33+s13+$0x0] =	vst.idx.msk $0xffff, v29;
	v29 =	vld [tilespmem:s28+$0x50]  }
0x217: {  	v23 =	vor.u32 v2, v23;
	v33 =	vbroadcast v28, $0x0;
	v28 =	vshll.u32 v30, v1;
	v30 =	vld [tilespmem:s28+$0xFFFFFF90];
	[tilespmem:v34+s13+$0x0] =	vst.idx.msk $0xffff, v31;
	s28 =	sadd.s32 $0x100, s28  }
0x218: {  	v34 =	vbroadcast v28, $0x0;
	v28 =	vshll.u32 v38, v1;
	v31 =	vld [tilespmem:s28+$0x60];
	v32 =	vor.u32 v15, v25;
	[tilespmem:v20+s13+$0x0] =	vst.idx.msk $0xffff, v40  }
0x219: {  	v24 =	vshll.u32 v24, v1;
	v37 =	vor.u32 v3, v33;
	v20 =	vbroadcast v28, $0x0;
	v36 =	vld [tilespmem:s28+$0xFFFFFFA0];
	[tilespmem:v19+s13+$0x0] =	vst.idx.msk $0xffff, v35  }
0x21a: {  	v35 =	vor.u32 v5, v34;
	v19 =	vbroadcast v24, $0x0;
	v24 =	vshll.u32 v26, v1;
	v28 =	vld [tilespmem:s28+$0xFFFFFFC0];
	[tilespmem:v18+s13+$0x0] =	vst.idx.msk $0xffff, v27  }
0x21b: {  	v21 =	vshrl.u32 v21, $0x3;
	v40 =	vor.u32 v7, v20;
	v18 =	vbroadcast v24, $0x0;
	v39 =	vld [tilespmem:s28+$0xFFFFFFE0];
	[tilespmem:v22+s13+$0x0] =	vst.idx.msk $0xffff, v29  }
0x21c: {  	v17 =	vshrl.u32 v17, $0x3;
	v21 =	vshll.u32 v21, v1;
	v42 =	vor.u32 v9, v19;
	v41 =	vld [tilespmem:s28+$0x0];
	[tilespmem:v23+s13+$0x0] =	vst.idx.msk $0xffff, v30  }
0x21d: {  	v22 =	vbroadcast v21, $0x0;
	v23 =	vshll.u32 v17, v1;
	v44 =	vor.u32 v11, v18;
	v43 =	vld [tilespmem:s28+$0x20];
	[tilespmem:v32+s13+$0x0] =	vst.idx.msk $0xffff, v31  }
.Ltmp21:
0x21e: {  	s1 =	sadd.s32 $0x1, s30;
	s12 =	sadd.s32 $0x2, s30;
	v25 =	vor.u32 v16, v25;
	v17 =	vmov s30;
	v23 =	vbroadcast v23, $0x0;
	[tilespmem:v37+s13+$0x0] =	vst.idx.msk $0xffff, v36;
	v24 =	vld [tilespmem:s28+$0x70];
	(pc) =	sbr.rel @p1 .LBB2_32-.Ltmp21, $4  }
0x21f: {  	v30 =	vmov s1;
	s1 =	sadd.s32 $0x3, s30;
	v31 =	vmov s12;
	s12 =	sadd.s32 $0x4, s30;
	v27 =	vor.u32 v13, v22;
	[tilespmem:v35+s13+$0x0] =	vst.idx.msk $0xffff, v28;
	v26 =	vld [tilespmem:s28+$0x40]  }
0x220: {  	v38 =	vmov s1;
	s1 =	sadd.s32 $0x5, s30;
	v35 =	vmov s12;
	s12 =	sadd.s32 $0x6, s30;
	v32 =	vor.u32 v0, v23;
	v28 =	vld [tilespmem:s28+$0xFFFFFF80];
	[tilespmem:v40+s13+$0x0] =	vst.idx.msk $0xffff, v39  }
0x221: {  	v33 =	vor.u32 v4, v33;
	v36 =	vmov s1;
	v21 =	vmov s12;
	v29 =	vld [tilespmem:s28+$0xFFFFFFB0];
	[tilespmem:v42+s13+$0x0] =	vst.idx.msk $0xffff, v41  }
0x222: {  	v34 =	vor.u32 v6, v34;
	v37 =	vshrl.u32 v30, $0x3;
	v30 =	vshrl.u32 v31, $0x3;
	s1 =	sadd.s32 $0x7, s30;
	s30 =	sadd.s32 $0x8, s30;
	v31 =	vld [tilespmem:s28+$0xFFFFFFD0];
	[tilespmem:v44+s13+$0x0] =	vst.idx.msk $0xffff, v43  }
0x223: {  	_ =	sdelay $0x2  }
0x224: {  	v38 =	vshrl.u32 v38, $0x3  }
0x225: {  	v39 =	vmov s1;
	v40 =	vld [tilespmem:s28+$0xFFFFFFF0];
	v20 =	vor.u32 v8, v20;
	[tilespmem:v25+s13+$0x0] =	vst.idx.msk $0xffff, v24;
	v24 =	vshrl.u32 v35, $0x3  }
0x226: {  	v50 =	vld [tilespmem:s28+$0x10];
	v19 =	vor.u32 v10, v19;
	v18 =	vor.u32 v12, v18;
	v17 =	vshrl.u32 v17, $0x3;
	[tilespmem:v27+s13+$0x0] =	vst.idx.msk $0xffff, v26  }
0x227: {  	v22 =	vor.u32 v14, v22;
	v25 =	vshrl.u32 v39, $0x3;
	v27 =	vld [tilespmem:s28+$0x30];
	v17 =	vshll.u32 v17, v1;
	[tilespmem:v32+s13+$0x0] =	vst.idx.msk $0xffff, v28  }
0x228: {  	v30 =	vshll.u32 v30, v1;
	v25 =	vshll.u32 v25, v1;
	v17 =	vbroadcast v17, $0x0;
	[tilespmem:v33+s13+$0x0] =	vst.idx.msk $0xffff, v29;
	v29 =	vld [tilespmem:s28+$0x50]  }
0x229: {  	v23 =	vor.u32 v2, v23;
	s30 =	sadd.s32 $0x100, s28;
	v28 =	vshll.u32 v37, v1;
	v25 =	vbroadcast v25, $0x0;
	v32 =	vld [tilespmem:s28+$0xFFFFFF90];
	[tilespmem:v34+s13+$0x0] =	vst.idx.msk $0xffff, v31  }
0x22a: {  	v26 =	vshrl.u32 v36, $0x3;
	v57 =	vld [tilespmem:s30+$0xFFFFFF80];
	v28 =	vbroadcast v28, $0x0;
	v58 =	vor.u32 v0, v17;
	[tilespmem:v20+s13+$0x0] =	vst.idx.msk $0xffff, v40  }
0x22b: {  	v30 =	vbroadcast v30, $0x0;
	v51 =	vld [tilespmem:s30+$0x60];
	v31 =	vshll.u32 v38, v1;
	v52 =	vor.u32 v15, v25;
	[tilespmem:v19+s13+$0x0] =	vst.idx.msk $0xffff, v50  }
0x22c: {  	v24 =	vshll.u32 v24, v1;
	v20 =	vld [tilespmem:s30+$0xFFFFFFA0];
	v53 =	vor.u32 v3, v28;
	v31 =	vbroadcast v31, $0x0;
	[tilespmem:v18+s13+$0x0] =	vst.idx.msk $0xffff, v27  }
0x22d: {  	v24 =	vbroadcast v24, $0x0;
	v26 =	vshll.u32 v26, v1;
	v54 =	vor.u32 v5, v30;
	v19 =	vld [tilespmem:s30+$0xFFFFFFC0];
	[tilespmem:v22+s13+$0x0] =	vst.idx.msk $0xffff, v29  }
0x22e: {  	v21 =	vshrl.u32 v21, $0x3;
	v26 =	vbroadcast v26, $0x0;
	v18 =	vld [tilespmem:s30+$0xFFFFFFE0];
	v27 =	vor.u32 v7, v31;
	[tilespmem:v23+s13+$0x0] =	vst.idx.msk $0xffff, v32  }
0x22f: {  	v21 =	vshll.u32 v21, v1;
	v22 =	vld [tilespmem:s30+$0x0];
	v29 =	vor.u32 v9, v24;
	[tilespmem:v58+s13+$0x0] =	vst.idx.msk $0xffff, v57  }
0x230: {  	v21 =	vbroadcast v21, $0x0;
	v55 =	vor.u32 v11, v26;
	v23 =	vld [tilespmem:s30+$0x20];
	[tilespmem:v52+s13+$0x0] =	vst.idx.msk $0xffff, v51  }
0x231: {  	v25 =	vor.u32 v16, v25;
	[tilespmem:v53+s13+$0x0] =	vst.idx.msk $0xffff, v20;
	v20 =	vld [tilespmem:s30+$0x70]  }
0x232: {  	v56 =	vor.u32 v13, v21;
	[tilespmem:v54+s13+$0x0] =	vst.idx.msk $0xffff, v19;
	v19 =	vld [tilespmem:s30+$0x40]  }
0x233: {  	[tilespmem:v27+s13+$0x0] =	vst.idx.msk $0xffff, v18;
	v18 =	vld [tilespmem:s30+$0xFFFFFFB0];
	v27 =	vor.u32 v4, v28  }
0x234: {  	v28 =	vor.u32 v6, v30;
	[tilespmem:v29+s13+$0x0] =	vst.idx.msk $0xffff, v22;
	v22 =	vld [tilespmem:s30+$0xFFFFFFD0]  }
0x235: {  	[tilespmem:v55+s13+$0x0] =	vst.idx.msk $0xffff, v23;
	v23 =	vld [tilespmem:s30+$0xFFFFFFF0];
	v29 =	vor.u32 v8, v31  }
0x236: {  	v24 =	vor.u32 v10, v24;
	[tilespmem:v25+s13+$0x0] =	vst.idx.msk $0xffff, v20;
	v20 =	vld [tilespmem:s30+$0x10]  }
0x237: {  	[tilespmem:v56+s13+$0x0] =	vst.idx.msk $0xffff, v19;
	v19 =	vld [tilespmem:s30+$0x30];
	v25 =	vor.u32 v12, v26  }
0x238: {  	v17 =	vor.u32 v2, v17;
	v26 =	vld [tilespmem:s30+$0xFFFFFF90];
	[tilespmem:v27+s13+$0x0] =	vst.idx.msk $0xffff, v18  }
0x239: {  	v21 =	vor.u32 v14, v21;
	v18 =	vld [tilespmem:s30+$0x50];
	[tilespmem:v28+s13+$0x0] =	vst.idx.msk $0xffff, v22  }
0x23a: {  	s12 =	sadd.s32 s5, s10;
	[tilespmem:v29+s13+$0x0] =	vst.idx.msk $0xffff, v23  }
0x23b: {  	s10 =	sshll.u32 s12, $0x9;
	s1 =	sshll.u32 s12, $0x7;
	[tilespmem:v24+s13+$0x0] =	vst.idx.msk $0xffff, v20  }
0x23c: {  	s10 =	sand.u32 $0x1FFF0000, s10;
	s1 =	sand.u32 $0x3C00, s1;
	[tilespmem:v25+s13+$0x0] =	vst.idx.msk $0xffff, v19  }
0x23d: {  	s1 =	sor.u32 s1, s10;
	[tilespmem:v17+s13+$0x0] =	vst.idx.msk $0xffff, v26  }
0x23e: {  	s10 =	sadd.s32 s2, s1;
	[tilespmem:v21+s13+$0x0] =	vst.idx.msk $0xffff, v18  }
0x23f: {  	[hbm4b:s10+s3] =	stream.linear.scatter [tilespmem:s13], [sflag:$0x9], $0x400, $0x38;
	[tilespmem:$0x10400] =	vst v63  }
0x240: {  	s28 =	sadd.s32 s1, s7  }
0x241: {  	[hbm4b:s28+s3] =	stream.linear.scatter [tilespmem:s14], [sflag:$0x9], $0x400, $0x38;
	[tilespmem:$0x10400] =	vst v63  }
0x242: {  	s30 =	sadd.s32 s1, s8  }
0x243: {  	[hbm4b:s30+s3] =	stream.linear.scatter [tilespmem:s15], [sflag:$0x9], $0x400, $0x38;
	[tilespmem:$0x10400] =	vst v63  }
0x244: {  	s1 =	sadd.s32 s1, s9;
	s10 =	sadd.s32 $0x380, s26;
	s26 =	simm.s32 $0x0  }
0x245: {  	[hbm4b:s1+s3] =	stream.linear.scatter [tilespmem:s16], [sflag:$0x9], $0x400, $0x38;
	[tilespmem:$0x10400] =	vst v63  }
0x246: {  	s12 =	simm.s32 $0xD400;
	v17 =	vmov s26;
	s26 =	simm.s32 $0x5;
	s28 =	simm.s32 $0x1  }
0x247: {  	v22 =	vmov s26;
	[tilespmem:s12], [sflag:$0x8] =	stream.indirect.gather [hbm4b:s4+s29], $0x20, s10, s29, $0xb8;
	[tilespmem:$0x10400] =	vst v63  }
0x248: {  	v18 =	vmov s28;
	s28 =	simm.s32 $0x7;
	v22 =	vshrl.u32 v22, $0x3;
	s30 =	simm.s32 $0x2;
	_ =	swait.ge [sflag:s0], $0x1000  }
0x249: {  	v23 =	vmov s28;
	v18 =	vshrl.u32 v18, $0x3;
	v19 =	vmov s30;
	s10 =	simm.s32 $0x4;
	[sflag:s0] =	ssyncset.done $0x0  }
0x24a: {  	v23 =	vshrl.u32 v23, $0x3;
	v18 =	vshll.u32 v18, v1;
	v21 =	vmov s10;
	s10 =	simm.s32 @!p0 $0xA;
	[sflag:s0] =	ssyncadd.s32 $0xFFFFF000  }
0x24b: {  	v19 =	vshrl.u32 v19, $0x3;
	v23 =	vshll.u32 v23, v1;
	v30 =	vbroadcast v18, $0x0;
	s12 =	simm.s32 $0x3;
	_ =	swait.ge @!p0 [sflag:s10], $0x1000  }
0x24c: {  	s30 =	simm.s32 $0x6;
	v25 =	vbroadcast v23, $0x0;
	v18 =	vshll.u32 v19, v1;
	v20 =	vmov s12;
	[sflag:s10] =	ssyncset.done @!p0 $0x0  }
0x24d: {  	v24 =	vmov s30;
	v59 =	vbroadcast v18, $0x0;
	v20 =	vshrl.u32 v20, $0x3;
	[sflag:s10] =	ssyncadd.s32 @!p0 $0xFFFFF000;
	s10 =	simm.s32 $0x7480  }
0x24e: {  	v26 =	vor.u32 v15, v25;
	v21 =	vshrl.u32 v21, $0x3;
	v18 =	vshll.u32 v20, v1;
	v23 =	vld [tilespmem:s10+$0x60]  }
0x24f: {  	v28 =	vor.u32 v3, v30;
	v20 =	vbroadcast v18, $0x0;
	v18 =	vshll.u32 v21, v1;
	v27 =	vld [tilespmem:s10+$0xFFFFFFA0]  }
0x250: {  	v29 =	vor.u32 v5, v59;
	v19 =	vbroadcast v18, $0x0;
	v18 =	vshll.u32 v22, v1;
	v21 =	vld [tilespmem:s10+$0xFFFFFFC0]  }
0x251: {  	v22 =	vshrl.u32 v24, $0x3;
	v60 =	vor.u32 v7, v20;
	v18 =	vbroadcast v18, $0x0;
	v31 =	vld [tilespmem:s10+$0xFFFFFFE0]  }
0x252: {  	v17 =	vshrl.u32 v17, $0x3;
	v22 =	vshll.u32 v22, v1;
	v61 =	vld [tilespmem:s10+$0x0];
	v62 =	vor.u32 v9, v19  }
0x253: {  	s28 =	simm.s32 $0x9;
	v24 =	vshll.u32 v17, v1;
	v63 =	vld [tilespmem:s10+$0x20];
	v22 =	vbroadcast v22, $0x0;
	v41 =	vor.u32 v11, v18;
	[tilespmem:v26+s18+$0x0] =	vst.idx.msk $0xffff, v23  }
0x254: {  	v42 =	vmov s28;
	s28 =	simm.s32 $0xD;
	v25 =	vor.u32 v16, v25;
	v23 =	vbroadcast v24, $0x0;
	[tilespmem:v28+s18+$0x0] =	vst.idx.msk $0xffff, v27;
	v24 =	vld [tilespmem:s10+$0x70]  }
0x255: {  	s30 =	simm.s32 $0xA;
	v36 =	vmov s28;
	v37 =	vshrl.u32 v42, $0x3;
	[tilespmem:v29+s18+$0x0] =	vst.idx.msk $0xffff, v21;
	v26 =	vld [tilespmem:s10+$0x40];
	v27 =	vor.u32 v13, v22  }
0x256: {  	s26 =	simm.s32 $0x8;
	v43 =	vmov s30;
	v33 =	vor.u32 v4, v30;
	s12 =	simm.s32 $0xB;
	v28 =	vld [tilespmem:s10+$0xFFFFFF80];
	[tilespmem:v60+s18+$0x0] =	vst.idx.msk $0xffff, v31;
	v32 =	vor.u32 v0, v23  }
0x257: {  	s30 =	simm.s32 $0xE;
	v30 =	vshrl.u32 v43, $0x3;
	v38 =	vmov s12;
	v17 =	vmov s26;
	s26 =	simm.s32 $0xC;
	[tilespmem:v62+s18+$0x0] =	vst.idx.msk $0xffff, v61;
	v29 =	vld [tilespmem:s10+$0xFFFFFFB0]  }
0x258: {  	s1 =	simm.s32 $0xF;
	v34 =	vor.u32 v6, v59;
	v35 =	vmov s26;
	s26 =	simm.s32 $0x10;
	v21 =	vmov s30;
	v31 =	vld [tilespmem:s10+$0xFFFFFFD0];
	[tilespmem:v41+s18+$0x0] =	vst.idx.msk $0xffff, v63  }
.LBB2_34:
0x259: {  	p0 =	slt.u32 s26, $0x78;
	v38 =	vshrl.u32 v38, $0x3;
	v39 =	vmov s1;
	v40 =	vld [tilespmem:s10+$0xFFFFFFF0];
	v20 =	vor.u32 v8, v20;
	[tilespmem:v25+s18+$0x0] =	vst.idx.msk $0xffff, v24  }
0x25a: {  	v24 =	vshrl.u32 v35, $0x3;
	v19 =	vor.u32 v10, v19;
	v25 =	vshrl.u32 v39, $0x3;
	v35 =	vld [tilespmem:s10+$0x10];
	[tilespmem:v27+s18+$0x0] =	vst.idx.msk $0xffff, v26  }
0x25b: {  	v18 =	vor.u32 v12, v18;
	v26 =	vshrl.u32 v36, $0x3;
	v25 =	vshll.u32 v25, v1;
	[tilespmem:v32+s18+$0x0] =	vst.idx.msk $0xffff, v28;
	v27 =	vld [tilespmem:s10+$0x30]  }
0x25c: {  	v22 =	vor.u32 v14, v22;
	v28 =	vshll.u32 v37, v1;
	v25 =	vbroadcast v25, $0x0;
	[tilespmem:v33+s18+$0x0] =	vst.idx.msk $0xffff, v29;
	v29 =	vld [tilespmem:s10+$0x50]  }
0x25d: {  	v23 =	vor.u32 v2, v23;
	v33 =	vbroadcast v28, $0x0;
	v28 =	vshll.u32 v30, v1;
	v30 =	vld [tilespmem:s10+$0xFFFFFF90];
	[tilespmem:v34+s18+$0x0] =	vst.idx.msk $0xffff, v31;
	s10 =	sadd.s32 $0x100, s10  }
0x25e: {  	v34 =	vbroadcast v28, $0x0;
	v28 =	vshll.u32 v38, v1;
	v31 =	vld [tilespmem:s10+$0x60];
	v32 =	vor.u32 v15, v25;
	[tilespmem:v20+s18+$0x0] =	vst.idx.msk $0xffff, v40  }
0x25f: {  	v24 =	vshll.u32 v24, v1;
	v37 =	vor.u32 v3, v33;
	v20 =	vbroadcast v28, $0x0;
	v36 =	vld [tilespmem:s10+$0xFFFFFFA0];
	[tilespmem:v19+s18+$0x0] =	vst.idx.msk $0xffff, v35  }
0x260: {  	v35 =	vor.u32 v5, v34;
	v19 =	vbroadcast v24, $0x0;
	v24 =	vshll.u32 v26, v1;
	v28 =	vld [tilespmem:s10+$0xFFFFFFC0];
	[tilespmem:v18+s18+$0x0] =	vst.idx.msk $0xffff, v27  }
0x261: {  	v21 =	vshrl.u32 v21, $0x3;
	v40 =	vor.u32 v7, v20;
	v18 =	vbroadcast v24, $0x0;
	v39 =	vld [tilespmem:s10+$0xFFFFFFE0];
	[tilespmem:v22+s18+$0x0] =	vst.idx.msk $0xffff, v29  }
0x262: {  	v17 =	vshrl.u32 v17, $0x3;
	v21 =	vshll.u32 v21, v1;
	v42 =	vor.u32 v9, v19;
	v41 =	vld [tilespmem:s10+$0x0];
	[tilespmem:v23+s18+$0x0] =	vst.idx.msk $0xffff, v30  }
0x263: {  	v22 =	vbroadcast v21, $0x0;
	v23 =	vshll.u32 v17, v1;
	v44 =	vor.u32 v11, v18;
	v43 =	vld [tilespmem:s10+$0x20];
	[tilespmem:v32+s18+$0x0] =	vst.idx.msk $0xffff, v31  }
.Ltmp22:
0x264: {  	s1 =	sadd.s32 $0x1, s26;
	s12 =	sadd.s32 $0x2, s26;
	v25 =	vor.u32 v16, v25;
	v17 =	vmov s26;
	v23 =	vbroadcast v23, $0x0;
	[tilespmem:v37+s18+$0x0] =	vst.idx.msk $0xffff, v36;
	v24 =	vld [tilespmem:s10+$0x70];
	(pc) =	sbr.rel @p0 .LBB2_34-.Ltmp22, $4  }
0x265: {  	v30 =	vmov s1;
	s1 =	sadd.s32 $0x3, s26;
	v31 =	vmov s12;
	s12 =	sadd.s32 $0x4, s26;
	v27 =	vor.u32 v13, v22;
	[tilespmem:v35+s18+$0x0] =	vst.idx.msk $0xffff, v28;
	v26 =	vld [tilespmem:s10+$0x40]  }
0x266: {  	v38 =	vmov s1;
	s1 =	sadd.s32 $0x5, s26;
	v35 =	vmov s12;
	s12 =	sadd.s32 $0x6, s26;
	v32 =	vor.u32 v0, v23;
	v28 =	vld [tilespmem:s10+$0xFFFFFF80];
	[tilespmem:v40+s18+$0x0] =	vst.idx.msk $0xffff, v39  }
0x267: {  	v33 =	vor.u32 v4, v33;
	v36 =	vmov s1;
	v21 =	vmov s12;
	v29 =	vld [tilespmem:s10+$0xFFFFFFB0];
	[tilespmem:v42+s18+$0x0] =	vst.idx.msk $0xffff, v41  }
0x268: {  	v34 =	vor.u32 v6, v34;
	v37 =	vshrl.u32 v30, $0x3;
	v30 =	vshrl.u32 v31, $0x3;
	s1 =	sadd.s32 $0x7, s26;
	s26 =	sadd.s32 $0x8, s26;
	v31 =	vld [tilespmem:s10+$0xFFFFFFD0];
	[tilespmem:v44+s18+$0x0] =	vst.idx.msk $0xffff, v43  }
0x269: {  	_ =	sdelay $0x2  }
0x26a: {  	v38 =	vshrl.u32 v38, $0x3;
	v20 =	vor.u32 v8, v20  }
0x26b: {  	v39 =	vmov s1;
	v40 =	vld [tilespmem:s10+$0xFFFFFFF0];
	[tilespmem:v25+s18+$0x0] =	vst.idx.msk $0xffff, v24;
	v19 =	vor.u32 v10, v19;
	v18 =	vor.u32 v12, v18  }
0x26c: {  	v57 =	vshrl.u32 v35, $0x3;
	v59 =	vld [tilespmem:s10+$0x10];
	v62 =	vshll.u32 v37, v1;
	v22 =	vor.u32 v14, v22;
	[tilespmem:v27+s18+$0x0] =	vst.idx.msk $0xffff, v26  }
0x26d: {  	v60 =	vshrl.u32 v36, $0x3;
	v61 =	vld [tilespmem:s10+$0x30];
	v30 =	vshll.u32 v30, v1;
	v23 =	vor.u32 v2, v23;
	[tilespmem:v32+s18+$0x0] =	vst.idx.msk $0xffff, v28  }
0x26e: {  	v21 =	vshrl.u32 v21, $0x3;
	v24 =	vshll.u32 v57, v1;
	v63 =	vld [tilespmem:s10+$0x50];
	v28 =	vbroadcast v62, $0x0;
	[tilespmem:v33+s18+$0x0] =	vst.idx.msk $0xffff, v29  }
0x26f: {  	v17 =	vshrl.u32 v17, $0x3;
	v58 =	vshrl.u32 v39, $0x3;
	v24 =	vbroadcast v24, $0x0;
	v32 =	vld [tilespmem:s10+$0xFFFFFF90];
	s10 =	sadd.s32 $0x100, s10;
	[tilespmem:v34+s18+$0x0] =	vst.idx.msk $0xffff, v31  }
0x270: {  	v30 =	vbroadcast v30, $0x0;
	v17 =	vshll.u32 v17, v1;
	v44 =	vld [tilespmem:s10+$0xFFFFFFA0];
	v45 =	vor.u32 v3, v28;
	[tilespmem:v20+s18+$0x0] =	vst.idx.msk $0xffff, v40  }
0x271: {  	v25 =	vshll.u32 v58, v1;
	v17 =	vbroadcast v17, $0x0;
	v48 =	vld [tilespmem:s10+$0x0];
	v49 =	vor.u32 v9, v24;
	[tilespmem:v19+s18+$0x0] =	vst.idx.msk $0xffff, v59  }
0x272: {  	v41 =	vshll.u32 v38, v1;
	v25 =	vbroadcast v25, $0x0;
	v46 =	vor.u32 v5, v30;
	v19 =	vld [tilespmem:s10+$0xFFFFFFC0];
	[tilespmem:v18+s18+$0x0] =	vst.idx.msk $0xffff, v61  }
0x273: {  	v26 =	vshll.u32 v60, v1;
	v31 =	vbroadcast v41, $0x0;
	v54 =	vld [tilespmem:s10+$0xFFFFFF80];
	v55 =	vor.u32 v0, v17;
	[tilespmem:v22+s18+$0x0] =	vst.idx.msk $0xffff, v63  }
0x274: {  	v21 =	vshll.u32 v21, v1;
	v26 =	vbroadcast v26, $0x0;
	v42 =	vld [tilespmem:s10+$0x60];
	v43 =	vor.u32 v15, v25;
	[tilespmem:v23+s18+$0x0] =	vst.idx.msk $0xffff, v32  }
0x275: {  	v21 =	vbroadcast v21, $0x0;
	v18 =	vld [tilespmem:s10+$0xFFFFFFE0];
	v47 =	vor.u32 v7, v31;
	[tilespmem:v45+s18+$0x0] =	vst.idx.msk $0xffff, v44  }
0x276: {  	v50 =	vld [tilespmem:s10+$0x20];
	v51 =	vor.u32 v11, v26;
	[tilespmem:v49+s18+$0x0] =	vst.idx.msk $0xffff, v48  }
0x277: {  	v53 =	vor.u32 v13, v21;
	[tilespmem:v46+s18+$0x0] =	vst.idx.msk $0xffff, v19;
	v19 =	vld [tilespmem:s10+$0x40]  }
0x278: {  	v24 =	vor.u32 v10, v24;
	[tilespmem:v55+s18+$0x0] =	vst.idx.msk $0xffff, v54;
	v61 =	vld [tilespmem:s10+$0x10]  }
0x279: {  	v17 =	vor.u32 v2, v17;
	[tilespmem:v43+s18+$0x0] =	vst.idx.msk $0xffff, v42;
	v63 =	vld [tilespmem:s10+$0xFFFFFF90]  }
0x27a: {  	v56 =	vor.u32 v4, v28;
	[tilespmem:v47+s18+$0x0] =	vst.idx.msk $0xffff, v18;
	v18 =	vld [tilespmem:s10+$0xFFFFFFB0]  }
0x27b: {  	v25 =	vor.u32 v16, v25;
	[tilespmem:v51+s18+$0x0] =	vst.idx.msk $0xffff, v50;
	v52 =	vld [tilespmem:s10+$0x70]  }
0x27c: {  	v58 =	vor.u32 v6, v30;
	v57 =	vld [tilespmem:s10+$0xFFFFFFD0];
	[tilespmem:v53+s18+$0x0] =	vst.idx.msk $0xffff, v19  }
0x27d: {  	v60 =	vor.u32 v8, v31;
	v59 =	vld [tilespmem:s10+$0xFFFFFFF0];
	[tilespmem:v24+s18+$0x0] =	vst.idx.msk $0xffff, v61  }
0x27e: {  	v62 =	vor.u32 v12, v26;
	v19 =	vld [tilespmem:s10+$0x30];
	[tilespmem:v17+s18+$0x0] =	vst.idx.msk $0xffff, v63  }
0x27f: {  	v21 =	vor.u32 v14, v21;
	[tilespmem:v56+s18+$0x0] =	vst.idx.msk $0xffff, v18;
	v18 =	vld [tilespmem:s10+$0x50]  }
0x280: {  	s12 =	sadd.s32 s5, s11;
	[tilespmem:v25+s18+$0x0] =	vst.idx.msk $0xffff, v52  }
0x281: {  	s26 =	sshll.u32 s12, $0x9;
	s1 =	sshll.u32 s12, $0x7;
	[tilespmem:v58+s18+$0x0] =	vst.idx.msk $0xffff, v57  }
0x282: {  	s1 =	sand.u32 $0x3C80, s1;
	s10 =	sand.u32 $0x1FFF0000, s26;
	[tilespmem:v60+s18+$0x0] =	vst.idx.msk $0xffff, v59  }
0x283: {  	s1 =	sor.u32 s1, s10;
	[tilespmem:v62+s18+$0x0] =	vst.idx.msk $0xffff, v19  }
0x284: {  	s10 =	sadd.s32 s2, s1;
	[tilespmem:v21+s18+$0x0] =	vst.idx.msk $0xffff, v18  }
0x285: {  	[hbm4b:s10+s3] =	stream.linear.scatter [tilespmem:s18], [sflag:$0xA], $0x400, $0x38;
	[tilespmem:$0x10400] =	vst v63  }
0x286: {  	s28 =	sadd.s32 s1, s7  }
0x287: {  	[hbm4b:s28+s3] =	stream.linear.scatter [tilespmem:s19], [sflag:$0xA], $0x400, $0x38;
	[tilespmem:$0x10400] =	vst v63  }
.Ltmp23:
0x288: {  	_ = 	snop;
	(pc) =	sbr.rel .LBB2_2-.Ltmp23, $4  }
0x289: {  	s30 =	sadd.s32 s1, s8  }
0x28a: {  	[hbm4b:s30+s3] =	stream.linear.scatter [tilespmem:s20], [sflag:$0xA], $0x400, $0x38;
	[tilespmem:$0x10400] =	vst v63  }
0x28b: {  	s6 =	sadd.s32 $0x1, s6;
	s1 =	sadd.s32 s1, s9  }
0x28c: {  	[hbm4b:s1+s3] =	stream.linear.scatter [tilespmem:s21], [sflag:$0xA], $0x400, $0x38;
	[tilespmem:$0x10400] =	vst v63  }
.LBB2_37:
0x28d: {  	_ =	sfence.sel $0x180000  }
0x28e: {  	[bflag:$0x0] =	sbarrier.arrive $0xFFFF  }
0x28f: {  	_ =	strace $0x90000047  }
0x290: {  	s0 =	stileid.u32;
	[bflag:$0x2] =	sbarrier.arrive $0xFFFF  }
0x291: {  	p0 =	sne.s32 s0, $0x0;
	s0 =	rddreg [dreg:$0x2]  }
0x292: {  	s0 =	sadd.s32 @!p0 $0x100000, s0  }
0x293: {  	[sflag:s0] =	ssyncadd.tile.s32 @!p0 $0x1;
	_ =	shalt  }
.Lfunc_end2:
_tile_overlayer_lowered:
.L_overlay_start_2:
0x294: {  	(tag) =	ssettag $0x2  }
0x295: {  	s0 =	rddreg [dreg:$0x0];
	s2 =	stileid.u32  }
0x296: {  	s1 =	rddreg [dreg:$0x1];
	p0 =	sne.s32 s2, $0x0  }
0x297: {  	s3 =	rddreg [dreg:$0x2];
	[bflag:$0x3] =	sbarrier.arrive $0xFFFF;
	s2 =	simm.s32 @!p0 $0x1C0B  }
0x298: {  	[timem:s3], [sflag:s2] =	dma.local @!p0 [hbm:s0], s1  }
0x299: {  	s0 =	simm.s32 @!p0 $0xB  }
0x29a: {  	_ =	swait.ge @!p0 [sflag:s0], s1  }
0x29b: {  	s1 =	ssub.s32 @!p0 $0x0, s1;
	[sflag:s0] =	ssyncset.done @!p0 $0x0  }
0x29c: {  	[sflag:s0] =	ssyncadd.s32 @!p0 s1  }
0x29d: {  	[bflag:$0x3] =	sbarrier.arrive $0xFFFF  }
0x29e: {  	_ =	shalt  }

</sc_bundles>
